<compile_context>
chip_gen: v7x
topology: tpu7x:2x2x1
jax: 0.10.2.dev20260603
libtpu: 0.0.44.dev20260713+nightly
codegen_flags: <defaults>
</compile_context>

<pallas_src>
import functools

import jax
import jax.numpy as jnp
from jax import lax
from jax.experimental import pallas as pl
from jax.experimental.pallas import tpu as pltpu
from jax.experimental.pallas import tpu_sc as plsc

EMBED_DIM = 64
NUM_CORES = 2
NUM_SUBCORES = 16
NUM_WORKERS = NUM_CORES * NUM_SUBCORES
CHUNK = 128


@functools.partial(jax.jit, static_argnames=())
def _sc_gather(table, idx_t):
    hist, batch = idx_t.shape
    assert batch % (CHUNK * NUM_WORKERS) == 0 or batch == CHUNK * NUM_WORKERS
    n_blocks = batch // CHUNK
    assert n_blocks == NUM_WORKERS
    assert hist % 5 == 0

    mesh = plsc.VectorSubcoreMesh(
        core_axis_name="c", subcore_axis_name="s",
        num_cores=NUM_CORES, num_subcores=NUM_SUBCORES)

    @functools.partial(
        pl.kernel,
        out_type=jax.ShapeDtypeStruct(
            (hist, 8, n_blocks, 8 * CHUNK), jnp.float32),
        mesh=mesh,
        compiler_params=pltpu.CompilerParams(
            use_tc_tiling_on_sc=False, needs_layout_passes=False),
        scratch_types=[
            pltpu.VMEM((hist, CHUNK), jnp.int32),
            pltpu.VMEM((5, CHUNK, EMBED_DIM), jnp.float32),
            pltpu.VMEM((5, 8, 8 * CHUNK), jnp.float32),
            pltpu.SemaphoreType.DMA,
            pltpu.SemaphoreType.DMA,
        ],
    )
    def gather_kernel(table_hbm, idx_hbm, out_hbm, idx_v, rows_v, tiles_v,
                      gsem, wsem):
        w = lax.axis_index("s") * NUM_CORES + lax.axis_index("c")
        pltpu.sync_copy(idx_hbm.at[:, pl.ds(w * CHUNK, CHUNK)], idx_v)

        def start_gather(h, buf):
            pltpu.async_copy(
                table_hbm.at[idx_v.at[h]], rows_v.at[buf], gsem)

        NBUF = 5
        DEPTH = 3
        for b in range(DEPTH):
            start_gather(b, b)

        lanes = lax.iota(jnp.int32, 16)

        @pl.loop(0, hist, step=NBUF)
        def _hloop(h0):
            for b in range(NBUF):
                h = h0 + b
                pltpu.make_async_copy(
                    table_hbm.at[idx_v.at[h]], rows_v.at[b], gsem).wait()

                @pl.when(h + DEPTH < hist)
                def _refill():
                    start_gather(h + DEPTH, (b + DEPTH) % NBUF)

                @pl.when(h >= NBUF)
                def _retire():
                    pltpu.make_async_copy(
                        tiles_v.at[b], out_hbm.at[0, :, w], wsem).wait()

                @plsc.parallel_loop(0, EMBED_DIM, unroll=4)
                def _dloop(d):
                    r = d // 8
                    dr = d - r * 8
                    col = jnp.zeros((16,), jnp.int32) + d
                    for q in range(CHUNK // 16):
                        vals = plsc.load_gather(
                            rows_v.at[b], [lanes + (16 * q), col])
                        tiles_v[b, r, pl.ds(dr * CHUNK + 16 * q, 16)] = vals

                pltpu.async_copy(
                    tiles_v.at[b], out_hbm.at[h, :, w], wsem)

        for b in range(NBUF):
            pltpu.make_async_copy(
                tiles_v.at[b], out_hbm.at[0, :, w], wsem).wait()

    return gather_kernel(table, idx_t)


def kernel(indices, vectors):
    batch, hist = indices.shape
    idx_t = indices.T.astype(jnp.int32)
    out5 = _sc_gather(vectors, idx_t)
    out = out5.reshape(hist, 8, batch // CHUNK, 8, CHUNK)
    out = out.transpose(2, 4, 0, 1, 3)
    return out.reshape(batch, hist, EMBED_DIM)

# --- scband reference (transcript-rebuilt; emitter-appended) ---
"""Pipeline reference for scband-word-embedding-65738769433302 (READ-ONLY COPY).

The authoritative reference and input builder live on the scoring server;
editing this copy changes nothing except your own understanding.
"""

import jax, jax.numpy as jnp
import numpy as np

VOCAB = 1000000
EMBED_DIM = 64
BATCH = 4096
HIST = 50

def setup_inputs(seed: int = 0) -> dict:
    key = jax.random.key(seed)
    k_idx, k_vec = jax.random.split(key)
    indices = jax.random.randint(k_idx, (BATCH, HIST), 0, VOCAB, dtype=jnp.int64 if jax.config.read('jax_enable_x64') else jnp.int32)
    vectors = jax.random.normal(k_vec, (VOCAB, EMBED_DIM), dtype=jnp.float32)
    return {"indices": indices, "vectors": vectors}

def reference(indices, vectors):
    # Faithful embedding lookup: gather rows of the word2vec vector table.
    return jnp.take(vectors, indices, axis=0)

if __name__ == "__main__":
    import jax
    _d = setup_inputs()
    print(jax.jit(kernel)(*tuple(_d.values())))

</pallas_src>

<mosaic_0001>
#map = affine_map<(d0, d1) -> (0, 0)>
#map1 = affine_map<(d0, d1) -> (0, 0, 0, 0)>
module attributes {stable_mosaic.version = 14 : i64} {
  func.func @gather_kernel(%arg0: i32, %arg1: i32, %arg2: memref<1000000x64xf32, #tpu.memory_space<hbm>>, %arg3: memref<50x4096xi32, #tpu.memory_space<hbm>>, %arg4: memref<50x8x32x1024xf32, #tpu.memory_space<hbm>>, %arg5: memref<50x128xi32, #tpu.memory_space<vmem>>, %arg6: memref<5x128x64xf32, #tpu.memory_space<vmem>>, %arg7: memref<5x8x1024xf32, #tpu.memory_space<vmem>>, %arg8: memref<!tpu.dma_semaphore, #tpu.memory_space<semaphore_mem>>, %arg9: memref<!tpu.dma_semaphore, #tpu.memory_space<semaphore_mem>>) attributes {dimension_semantics = [#tpu.dimension_semantics<core_parallel>, #tpu.dimension_semantics<subcore_parallel>], iteration_bounds = array<i64: 2, 16>, scalar_prefetch = 0 : i64, scratch_operands = 5 : i64, tpu.core_type = #tpu.core_type<sc_vector_subcore>, window_params = [{transform_indices = #map}, {transform_indices = #map}, {transform_indices = #map1}]} {
    %mul3A = arith.constant 2 : i32
    %mul3A_0 = arith.muli %arg1, %mul3A : i32
    %add3A = arith.addi %mul3A_0, %arg0 : i32
    %mul3A_1 = arith.constant 128 : i32
    %mul3A_2 = arith.muli %add3A, %mul3A_1 : i32
    "tpu.region"() ({
      %run_scoped3A = tpu.sem_alloc : memref<!tpu.dma_semaphore, #tpu.memory_space<semaphore_mem>>
      %dma_start3A_131 = arith.constant 0 : i32
      %dma_start3A_132 = tpu.memref_slice %arg3[%dma_start3A_131, %mul3A_2] : memref<50x4096xi32, #tpu.memory_space<hbm>> -> memref<50x128xi32, #tpu.memory_space<hbm>>
      %dma_start3A_133 = arith.constant 0 : i32
      %dma_start3A_134 = tpu.memref_slice %arg3[%dma_start3A_133, %mul3A_2] : memref<50x4096xi32, #tpu.memory_space<hbm>> -> memref<50x128xi32, #tpu.memory_space<hbm>>
      tpu.enqueue_dma source(%dma_start3A_134 : memref<50x128xi32, #tpu.memory_space<hbm>>) target(%arg5 : memref<50x128xi32, #tpu.memory_space<vmem>>) target_semaphore(%run_scoped3A : memref<!tpu.dma_semaphore, #tpu.memory_space<semaphore_mem>>)
      %dma_wait3A_135 = arith.constant 0 : i32
      %dma_wait3A_136 = tpu.memref_slice %arg3[%dma_wait3A_135, %mul3A_2] : memref<50x4096xi32, #tpu.memory_space<hbm>> -> memref<50x128xi32, #tpu.memory_space<hbm>>
      %dma_wait3A_137 = arith.constant 0 : i32
      %dma_wait3A_138 = tpu.memref_slice %arg3[%dma_wait3A_137, %mul3A_2] : memref<50x4096xi32, #tpu.memory_space<hbm>> -> memref<50x128xi32, #tpu.memory_space<hbm>>
      tpu.wait_dma2 semaphore(%run_scoped3A : memref<!tpu.dma_semaphore, #tpu.memory_space<semaphore_mem>>) src(%dma_wait3A_138 : memref<50x128xi32, #tpu.memory_space<hbm>>) dst(%arg5 : memref<50x128xi32, #tpu.memory_space<vmem>>)
      tpu.yield
    }) : () -> ()
    %dma_start3A = arith.constant 0 : i32
    %dma_start3A_3 = arith.constant 0 : i32
    %dma_start3A_4 = arith.constant 0 : i32
    %dma_start3A_5 = arith.constant 0 : i32
    %dma_start3A_6 = tpu.memref_slice %arg6[%dma_start3A_3, %dma_start3A_4, %dma_start3A_5] : memref<5x128x64xf32, #tpu.memory_space<vmem>> -> memref<1x128x64xf32, #tpu.memory_space<vmem>>
    %dma_start3A_7 = tpu.memref_squeeze %dma_start3A_6 : memref<1x128x64xf32, #tpu.memory_space<vmem>> -> memref<128x64xf32, #tpu.memory_space<vmem>>
    %dma_start3A_8 = arith.constant 0 : i32
    %dma_start3A_9 = tpu.memref_slice %arg5[%dma_start3A, %dma_start3A_8] : memref<50x128xi32, #tpu.memory_space<vmem>> -> memref<1x128xi32, #tpu.memory_space<vmem>>
    %dma_start3A_10 = tpu.memref_squeeze %dma_start3A_9 : memref<1x128xi32, #tpu.memory_space<vmem>> -> memref<128xi32, #tpu.memory_space<vmem>>
    %dma_start3A_11 = arith.constant 0 : i32
    %dma_start3A_12 = arith.constant 0 : i32
    %dma_start3A_13 = tpu.memref_slice %arg2[%dma_start3A_11, %dma_start3A_12] : memref<1000000x64xf32, #tpu.memory_space<hbm>> -> memref<1000000x64xf32, #tpu.memory_space<hbm>>
    tpu.enqueue_indirect_dma source(%dma_start3A_13 : memref<1000000x64xf32, #tpu.memory_space<hbm>>) target(%dma_start3A_7 : memref<128x64xf32, #tpu.memory_space<vmem>>) offsets(%dma_start3A_10 : memref<128xi32, #tpu.memory_space<vmem>>) semaphore(%arg8 : memref<!tpu.dma_semaphore, #tpu.memory_space<semaphore_mem>>)
    %dma_start3A_14 = arith.constant 1 : i32
    %dma_start3A_15 = arith.constant 1 : i32
    %dma_start3A_16 = arith.constant 0 : i32
    %dma_start3A_17 = arith.constant 0 : i32
    %dma_start3A_18 = tpu.memref_slice %arg6[%dma_start3A_15, %dma_start3A_16, %dma_start3A_17] : memref<5x128x64xf32, #tpu.memory_space<vmem>> -> memref<1x128x64xf32, #tpu.memory_space<vmem>>
    %dma_start3A_19 = tpu.memref_squeeze %dma_start3A_18 : memref<1x128x64xf32, #tpu.memory_space<vmem>> -> memref<128x64xf32, #tpu.memory_space<vmem>>
    %dma_start3A_20 = arith.constant 0 : i32
    %dma_start3A_21 = tpu.memref_slice %arg5[%dma_start3A_14, %dma_start3A_20] : memref<50x128xi32, #tpu.memory_space<vmem>> -> memref<1x128xi32, #tpu.memory_space<vmem>>
    %dma_start3A_22 = tpu.memref_squeeze %dma_start3A_21 : memref<1x128xi32, #tpu.memory_space<vmem>> -> memref<128xi32, #tpu.memory_space<vmem>>
    %dma_start3A_23 = arith.constant 0 : i32
    %dma_start3A_24 = arith.constant 0 : i32
    %dma_start3A_25 = tpu.memref_slice %arg2[%dma_start3A_23, %dma_start3A_24] : memref<1000000x64xf32, #tpu.memory_space<hbm>> -> memref<1000000x64xf32, #tpu.memory_space<hbm>>
    tpu.enqueue_indirect_dma source(%dma_start3A_25 : memref<1000000x64xf32, #tpu.memory_space<hbm>>) target(%dma_start3A_19 : memref<128x64xf32, #tpu.memory_space<vmem>>) offsets(%dma_start3A_22 : memref<128xi32, #tpu.memory_space<vmem>>) semaphore(%arg8 : memref<!tpu.dma_semaphore, #tpu.memory_space<semaphore_mem>>)
    %dma_start3A_26 = arith.constant 2 : i32
    %dma_start3A_27 = arith.constant 2 : i32
    %dma_start3A_28 = arith.constant 0 : i32
    %dma_start3A_29 = arith.constant 0 : i32
    %dma_start3A_30 = tpu.memref_slice %arg6[%dma_start3A_27, %dma_start3A_28, %dma_start3A_29] : memref<5x128x64xf32, #tpu.memory_space<vmem>> -> memref<1x128x64xf32, #tpu.memory_space<vmem>>
    %dma_start3A_31 = tpu.memref_squeeze %dma_start3A_30 : memref<1x128x64xf32, #tpu.memory_space<vmem>> -> memref<128x64xf32, #tpu.memory_space<vmem>>
    %dma_start3A_32 = arith.constant 0 : i32
    %dma_start3A_33 = tpu.memref_slice %arg5[%dma_start3A_26, %dma_start3A_32] : memref<50x128xi32, #tpu.memory_space<vmem>> -> memref<1x128xi32, #tpu.memory_space<vmem>>
    %dma_start3A_34 = tpu.memref_squeeze %dma_start3A_33 : memref<1x128xi32, #tpu.memory_space<vmem>> -> memref<128xi32, #tpu.memory_space<vmem>>
    %dma_start3A_35 = arith.constant 0 : i32
    %dma_start3A_36 = arith.constant 0 : i32
    %dma_start3A_37 = tpu.memref_slice %arg2[%dma_start3A_35, %dma_start3A_36] : memref<1000000x64xf32, #tpu.memory_space<hbm>> -> memref<1000000x64xf32, #tpu.memory_space<hbm>>
    tpu.enqueue_indirect_dma source(%dma_start3A_37 : memref<1000000x64xf32, #tpu.memory_space<hbm>>) target(%dma_start3A_31 : memref<128x64xf32, #tpu.memory_space<vmem>>) offsets(%dma_start3A_34 : memref<128xi32, #tpu.memory_space<vmem>>) semaphore(%arg8 : memref<!tpu.dma_semaphore, #tpu.memory_space<semaphore_mem>>)
    %iota3A = tpu.iota {dimensions = array<i32: 0>} : vector<16xi32>
    %scan3A = arith.constant 0 : i32
    %scan3A_38 = arith.constant 10 : i32
    %scan3A_39 = arith.addi %scan3A, %scan3A_38 : i32
    %scan3A_40 = arith.constant 1 : i32
    scf.for %scan3A_131 = %scan3A to %scan3A_39 step %scan3A_40  : i32 {
      %mul3A_132 = arith.constant 5 : i32
      %mul3A_133 = arith.muli %scan3A_131, %mul3A_132 : i32
      %add3A_134 = arith.constant 0 : i32
      %add3A_135 = arith.addi %add3A_134, %mul3A_133 : i32
      %add3A_136 = arith.constant 0 : i32
      %add3A_137 = arith.addi %add3A_135, %add3A_136 : i32
      %dma_wait3A_138 = arith.constant 0 : i32
      %dma_wait3A_139 = arith.constant 0 : i32
      %dma_wait3A_140 = arith.constant 0 : i32
      %dma_wait3A_141 = tpu.memref_slice %arg6[%dma_wait3A_138, %dma_wait3A_139, %dma_wait3A_140] : memref<5x128x64xf32, #tpu.memory_space<vmem>> -> memref<1x128x64xf32, #tpu.memory_space<vmem>>
      %dma_wait3A_142 = tpu.memref_squeeze %dma_wait3A_141 : memref<1x128x64xf32, #tpu.memory_space<vmem>> -> memref<128x64xf32, #tpu.memory_space<vmem>>
      %dma_wait3A_143 = arith.constant 0 : i32
      %dma_wait3A_144 = tpu.memref_slice %arg5[%add3A_137, %dma_wait3A_143] : memref<50x128xi32, #tpu.memory_space<vmem>> -> memref<1x128xi32, #tpu.memory_space<vmem>>
      %dma_wait3A_145 = tpu.memref_squeeze %dma_wait3A_144 : memref<1x128xi32, #tpu.memory_space<vmem>> -> memref<128xi32, #tpu.memory_space<vmem>>
      %dma_wait3A_146 = arith.constant 0 : i32
      %dma_wait3A_147 = arith.constant 0 : i32
      %dma_wait3A_148 = tpu.memref_slice %arg2[%dma_wait3A_146, %dma_wait3A_147] : memref<1000000x64xf32, #tpu.memory_space<hbm>> -> memref<1000000x64xf32, #tpu.memory_space<hbm>>
      tpu.wait_indirect_dma semaphore(%arg8 : memref<!tpu.dma_semaphore, #tpu.memory_space<semaphore_mem>>) src(%dma_wait3A_148 : memref<1000000x64xf32, #tpu.memory_space<hbm>>) dst(%dma_wait3A_142 : memref<128x64xf32, #tpu.memory_space<vmem>>)
      %add3A_149 = arith.constant 3 : i32
      %add3A_150 = arith.addi %add3A_137, %add3A_149 : i32
      %lt3A = arith.constant 50 : i32
      %lt3A_151 = arith.cmpi slt, %add3A_150, %lt3A : i32
      %convert_element_type3A = arith.extui %lt3A_151 : i1 to i32
      %cond3A = arith.constant 0 : i32
      %cond3A_152 = arith.cmpi ne, %convert_element_type3A, %cond3A : i32
      scf.if %cond3A_152 {
        %add3A_356 = arith.constant 3 : i32
        %add3A_357 = arith.addi %add3A_137, %add3A_356 : i32
        %dma_start3A_358 = arith.constant 3 : i32
        %dma_start3A_359 = arith.constant 0 : i32
        %dma_start3A_360 = arith.constant 0 : i32
        %dma_start3A_361 = tpu.memref_slice %arg6[%dma_start3A_358, %dma_start3A_359, %dma_start3A_360] : memref<5x128x64xf32, #tpu.memory_space<vmem>> -> memref<1x128x64xf32, #tpu.memory_space<vmem>>
        %dma_start3A_362 = tpu.memref_squeeze %dma_start3A_361 : memref<1x128x64xf32, #tpu.memory_space<vmem>> -> memref<128x64xf32, #tpu.memory_space<vmem>>
        %dma_start3A_363 = arith.constant 0 : i32
        %dma_start3A_364 = tpu.memref_slice %arg5[%add3A_357, %dma_start3A_363] : memref<50x128xi32, #tpu.memory_space<vmem>> -> memref<1x128xi32, #tpu.memory_space<vmem>>
        %dma_start3A_365 = tpu.memref_squeeze %dma_start3A_364 : memref<1x128xi32, #tpu.memory_space<vmem>> -> memref<128xi32, #tpu.memory_space<vmem>>
        %dma_start3A_366 = arith.constant 0 : i32
        %dma_start3A_367 = arith.constant 0 : i32
        %dma_start3A_368 = tpu.memref_slice %arg2[%dma_start3A_366, %dma_start3A_367] : memref<1000000x64xf32, #tpu.memory_space<hbm>> -> memref<1000000x64xf32, #tpu.memory_space<hbm>>
        tpu.enqueue_indirect_dma source(%dma_start3A_368 : memref<1000000x64xf32, #tpu.memory_space<hbm>>) target(%dma_start3A_362 : memref<128x64xf32, #tpu.memory_space<vmem>>) offsets(%dma_start3A_365 : memref<128xi32, #tpu.memory_space<vmem>>) semaphore(%arg8 : memref<!tpu.dma_semaphore, #tpu.memory_space<semaphore_mem>>)
      } else {
      }
      %ge3A = arith.constant 5 : i32
      %ge3A_153 = arith.cmpi sge, %add3A_137, %ge3A : i32
      %convert_element_type3A_154 = arith.extui %ge3A_153 : i1 to i32
      %cond3A_155 = arith.constant 0 : i32
      %cond3A_156 = arith.cmpi ne, %convert_element_type3A_154, %cond3A_155 : i32
      scf.if %cond3A_156 {
        %dma_wait3A_356 = arith.constant 0 : i32
        %dma_wait3A_357 = arith.constant 0 : i32
        %dma_wait3A_358 = arith.constant 0 : i32
        %dma_wait3A_359 = arith.constant 0 : i32
        %dma_wait3A_360 = tpu.memref_slice %arg7[%dma_wait3A_356, %dma_wait3A_358, %dma_wait3A_359] : memref<5x8x1024xf32, #tpu.memory_space<vmem>> -> memref<1x8x1024xf32, #tpu.memory_space<vmem>>
        %dma_wait3A_361 = tpu.memref_squeeze %dma_wait3A_360 : memref<1x8x1024xf32, #tpu.memory_space<vmem>> -> memref<8x1024xf32, #tpu.memory_space<vmem>>
        %dma_wait3A_362 = arith.constant 0 : i32
        %dma_wait3A_363 = arith.constant 0 : i32
        %dma_wait3A_364 = tpu.memref_slice %arg4[%dma_wait3A_357, %dma_wait3A_362, %add3A, %dma_wait3A_363] : memref<50x8x32x1024xf32, #tpu.memory_space<hbm>> -> memref<1x8x1x1024xf32, #tpu.memory_space<hbm>>
        %dma_wait3A_365 = tpu.memref_squeeze %dma_wait3A_364 : memref<1x8x1x1024xf32, #tpu.memory_space<hbm>> -> memref<8x1024xf32, #tpu.memory_space<hbm>>
        %dma_wait3A_366 = arith.constant 0 : i32
        %dma_wait3A_367 = arith.constant 0 : i32
        %dma_wait3A_368 = tpu.memref_slice %arg4[%dma_wait3A_357, %dma_wait3A_366, %add3A, %dma_wait3A_367] : memref<50x8x32x1024xf32, #tpu.memory_space<hbm>> -> memref<1x8x1x1024xf32, #tpu.memory_space<hbm>>
        %dma_wait3A_369 = tpu.memref_squeeze %dma_wait3A_368 : memref<1x8x1x1024xf32, #tpu.memory_space<hbm>> -> memref<8x1024xf32, #tpu.memory_space<hbm>>
        %dma_wait3A_370 = arith.constant 0 : i32
        %dma_wait3A_371 = arith.constant 0 : i32
        %dma_wait3A_372 = tpu.memref_slice %arg7[%dma_wait3A_356, %dma_wait3A_370, %dma_wait3A_371] : memref<5x8x1024xf32, #tpu.memory_space<vmem>> -> memref<1x8x1024xf32, #tpu.memory_space<vmem>>
        %dma_wait3A_373 = tpu.memref_squeeze %dma_wait3A_372 : memref<1x8x1024xf32, #tpu.memory_space<vmem>> -> memref<8x1024xf32, #tpu.memory_space<vmem>>
        tpu.wait_dma2 semaphore(%arg9 : memref<!tpu.dma_semaphore, #tpu.memory_space<semaphore_mem>>) src(%dma_wait3A_373 : memref<8x1024xf32, #tpu.memory_space<vmem>>) dst(%dma_wait3A_369 : memref<8x1024xf32, #tpu.memory_space<hbm>>)
      } else {
      }
      %parallel_loop3A = arith.constant 0 : i32
      %parallel_loop3A_157 = arith.constant 64 : i32
      %parallel_loop3A_158 = arith.constant 1 : i32
      scf.for %parallel_loop3A_356 = %parallel_loop3A to %parallel_loop3A_157 step %parallel_loop3A_158  : i32 {
        %parallel_loop3A_357 = arith.constant 8 : i32
        %parallel_loop3A_358 = arith.divsi %parallel_loop3A_356, %parallel_loop3A_357 : i32
        %parallel_loop3A_359 = arith.constant 0 : i32
        %parallel_loop3A_360 = arith.cmpi sgt, %parallel_loop3A_356, %parallel_loop3A_359 : i32
        %parallel_loop3A_361 = arith.extui %parallel_loop3A_360 : i1 to i32
        %parallel_loop3A_362 = arith.constant 0 : i32
        %parallel_loop3A_363 = arith.cmpi slt, %parallel_loop3A_356, %parallel_loop3A_362 : i32
        %parallel_loop3A_364 = arith.extui %parallel_loop3A_363 : i1 to i32
        %parallel_loop3A_365 = arith.subi %parallel_loop3A_361, %parallel_loop3A_364 : i32
        %parallel_loop3A_366 = arith.constant 0 : i32
        %parallel_loop3A_367 = arith.cmpi sgt, %parallel_loop3A_357, %parallel_loop3A_366 : i32
        %parallel_loop3A_368 = arith.extui %parallel_loop3A_367 : i1 to i32
        %parallel_loop3A_369 = arith.constant 0 : i32
        %parallel_loop3A_370 = arith.cmpi slt, %parallel_loop3A_357, %parallel_loop3A_369 : i32
        %parallel_loop3A_371 = arith.extui %parallel_loop3A_370 : i1 to i32
        %parallel_loop3A_372 = arith.subi %parallel_loop3A_368, %parallel_loop3A_371 : i32
        %parallel_loop3A_373 = arith.cmpi ne, %parallel_loop3A_365, %parallel_loop3A_372 : i32
        %parallel_loop3A_374 = arith.remsi %parallel_loop3A_356, %parallel_loop3A_357 : i32
        %parallel_loop3A_375 = arith.constant 0 : i32
        %parallel_loop3A_376 = arith.cmpi ne, %parallel_loop3A_374, %parallel_loop3A_375 : i32
        %parallel_loop3A_377 = arith.andi %parallel_loop3A_373, %parallel_loop3A_376 : i1
        %parallel_loop3A_378 = arith.constant 1 : i32
        %parallel_loop3A_379 = arith.subi %parallel_loop3A_358, %parallel_loop3A_378 : i32
        %parallel_loop3A_380 = arith.select %parallel_loop3A_377, %parallel_loop3A_379, %parallel_loop3A_358 : i32
        %parallel_loop3A_381 = arith.constant 8 : i32
        %parallel_loop3A_382 = arith.muli %parallel_loop3A_380, %parallel_loop3A_381 : i32
        %parallel_loop3A_383 = arith.subi %parallel_loop3A_356, %parallel_loop3A_382 : i32
        %parallel_loop3A_384 = arith.constant 0 : i32
        %parallel_loop3A_385 = vector.broadcast %parallel_loop3A_384 : i32 to vector<16xi32>
        %parallel_loop3A_386 = vector.broadcast %parallel_loop3A_356 : i32 to vector<16xi32>
        %parallel_loop3A_387 = arith.addi %parallel_loop3A_385, %parallel_loop3A_386 : vector<16xi32>
        %parallel_loop3A_388 = arith.constant 0 : i32
        %parallel_loop3A_389 = vector.broadcast %parallel_loop3A_388 : i32 to vector<16xi32>
        %parallel_loop3A_390 = arith.addi %iota3A, %parallel_loop3A_389 : vector<16xi32>
        %parallel_loop3A_391 = arith.constant 0 : i32
        %parallel_loop3A_392 = arith.constant 0 : i32
        %parallel_loop3A_393 = arith.constant 0 : i32
        %parallel_loop3A_394 = tpu.memref_slice %arg6[%parallel_loop3A_391, %parallel_loop3A_392, %parallel_loop3A_393] : memref<5x128x64xf32, #tpu.memory_space<vmem>> -> memref<1x128x64xf32, #tpu.memory_space<vmem>>
        %parallel_loop3A_395 = tpu.memref_squeeze %parallel_loop3A_394 : memref<1x128x64xf32, #tpu.memory_space<vmem>> -> memref<128x64xf32, #tpu.memory_space<vmem>>
        %parallel_loop3A_396 = tpu.vector_load_idx %parallel_loop3A_395[%parallel_loop3A_390, %parallel_loop3A_387] : memref<128x64xf32, #tpu.memory_space<vmem>>[vector<16xi32>, vector<16xi32>], vector<16xf32>,
        %parallel_loop3A_397 = arith.constant 128 : i32
        %parallel_loop3A_398 = arith.muli %parallel_loop3A_383, %parallel_loop3A_397 : i32
        %parallel_loop3A_399 = arith.constant 0 : i32
        %parallel_loop3A_400 = arith.addi %parallel_loop3A_398, %parallel_loop3A_399 : i32
        %parallel_loop3A_401 = arith.constant 0 : i32
        %parallel_loop3A_402 = arith.index_cast %parallel_loop3A_401 : i32 to index
        %parallel_loop3A_403 = arith.index_cast %parallel_loop3A_380 : i32 to index
        %parallel_loop3A_404 = arith.index_cast %parallel_loop3A_400 : i32 to index
        %parallel_loop3A_405 = tpu.vector_load %arg7[%parallel_loop3A_402, %parallel_loop3A_403, %parallel_loop3A_404] {strides = array<i32>} : memref<5x8x1024xf32, #tpu.memory_space<vmem>>, vector<16xf32>,
        tpu.vector_store %arg7[%parallel_loop3A_402, %parallel_loop3A_403, %parallel_loop3A_404], %parallel_loop3A_396 {strides = array<i32>} : memref<5x8x1024xf32, #tpu.memory_space<vmem>>, vector<16xf32>,
        %parallel_loop3A_406 = arith.constant 16 : i32
        %parallel_loop3A_407 = vector.broadcast %parallel_loop3A_406 : i32 to vector<16xi32>
        %parallel_loop3A_408 = arith.addi %iota3A, %parallel_loop3A_407 : vector<16xi32>
        %parallel_loop3A_409 = arith.constant 0 : i32
        %parallel_loop3A_410 = arith.constant 0 : i32
        %parallel_loop3A_411 = arith.constant 0 : i32
        %parallel_loop3A_412 = tpu.memref_slice %arg6[%parallel_loop3A_409, %parallel_loop3A_410, %parallel_loop3A_411] : memref<5x128x64xf32, #tpu.memory_space<vmem>> -> memref<1x128x64xf32, #tpu.memory_space<vmem>>
        %parallel_loop3A_413 = tpu.memref_squeeze %parallel_loop3A_412 : memref<1x128x64xf32, #tpu.memory_space<vmem>> -> memref<128x64xf32, #tpu.memory_space<vmem>>
        %parallel_loop3A_414 = tpu.vector_load_idx %parallel_loop3A_413[%parallel_loop3A_408, %parallel_loop3A_387] : memref<128x64xf32, #tpu.memory_space<vmem>>[vector<16xi32>, vector<16xi32>], vector<16xf32>,
        %parallel_loop3A_415 = arith.constant 128 : i32
        %parallel_loop3A_416 = arith.muli %parallel_loop3A_383, %parallel_loop3A_415 : i32
        %parallel_loop3A_417 = arith.constant 16 : i32
        %parallel_loop3A_418 = arith.addi %parallel_loop3A_416, %parallel_loop3A_417 : i32
        %parallel_loop3A_419 = arith.constant 0 : i32
        %parallel_loop3A_420 = arith.index_cast %parallel_loop3A_419 : i32 to index
        %parallel_loop3A_421 = arith.index_cast %parallel_loop3A_380 : i32 to index
        %parallel_loop3A_422 = arith.index_cast %parallel_loop3A_418 : i32 to index
        %parallel_loop3A_423 = tpu.vector_load %arg7[%parallel_loop3A_420, %parallel_loop3A_421, %parallel_loop3A_422] {strides = array<i32>} : memref<5x8x1024xf32, #tpu.memory_space<vmem>>, vector<16xf32>,
        tpu.vector_store %arg7[%parallel_loop3A_420, %parallel_loop3A_421, %parallel_loop3A_422], %parallel_loop3A_414 {strides = array<i32>} : memref<5x8x1024xf32, #tpu.memory_space<vmem>>, vector<16xf32>,
        %parallel_loop3A_424 = arith.constant 32 : i32
        %parallel_loop3A_425 = vector.broadcast %parallel_loop3A_424 : i32 to vector<16xi32>
        %parallel_loop3A_426 = arith.addi %iota3A, %parallel_loop3A_425 : vector<16xi32>
        %parallel_loop3A_427 = arith.constant 0 : i32
        %parallel_loop3A_428 = arith.constant 0 : i32
        %parallel_loop3A_429 = arith.constant 0 : i32
        %parallel_loop3A_430 = tpu.memref_slice %arg6[%parallel_loop3A_427, %parallel_loop3A_428, %parallel_loop3A_429] : memref<5x128x64xf32, #tpu.memory_space<vmem>> -> memref<1x128x64xf32, #tpu.memory_space<vmem>>
        %parallel_loop3A_431 = tpu.memref_squeeze %parallel_loop3A_430 : memref<1x128x64xf32, #tpu.memory_space<vmem>> -> memref<128x64xf32, #tpu.memory_space<vmem>>
        %parallel_loop3A_432 = tpu.vector_load_idx %parallel_loop3A_431[%parallel_loop3A_426, %parallel_loop3A_387] : memref<128x64xf32, #tpu.memory_space<vmem>>[vector<16xi32>, vector<16xi32>], vector<16xf32>,
        %parallel_loop3A_433 = arith.constant 128 : i32
        %parallel_loop3A_434 = arith.muli %parallel_loop3A_383, %parallel_loop3A_433 : i32
        %parallel_loop3A_435 = arith.constant 32 : i32
        %parallel_loop3A_436 = arith.addi %parallel_loop3A_434, %parallel_loop3A_435 : i32
        %parallel_loop3A_437 = arith.constant 0 : i32
        %parallel_loop3A_438 = arith.index_cast %parallel_loop3A_437 : i32 to index
        %parallel_loop3A_439 = arith.index_cast %parallel_loop3A_380 : i32 to index
        %parallel_loop3A_440 = arith.index_cast %parallel_loop3A_436 : i32 to index
        %parallel_loop3A_441 = tpu.vector_load %arg7[%parallel_loop3A_438, %parallel_loop3A_439, %parallel_loop3A_440] {strides = array<i32>} : memref<5x8x1024xf32, #tpu.memory_space<vmem>>, vector<16xf32>,
        tpu.vector_store %arg7[%parallel_loop3A_438, %parallel_loop3A_439, %parallel_loop3A_440], %parallel_loop3A_432 {strides = array<i32>} : memref<5x8x1024xf32, #tpu.memory_space<vmem>>, vector<16xf32>,
        %parallel_loop3A_442 = arith.constant 48 : i32
        %parallel_loop3A_443 = vector.broadcast %parallel_loop3A_442 : i32 to vector<16xi32>
        %parallel_loop3A_444 = arith.addi %iota3A, %parallel_loop3A_443 : vector<16xi32>
        %parallel_loop3A_445 = arith.constant 0 : i32
        %parallel_loop3A_446 = arith.constant 0 : i32
        %parallel_loop3A_447 = arith.constant 0 : i32
        %parallel_loop3A_448 = tpu.memref_slice %arg6[%parallel_loop3A_445, %parallel_loop3A_446, %parallel_loop3A_447] : memref<5x128x64xf32, #tpu.memory_space<vmem>> -> memref<1x128x64xf32, #tpu.memory_space<vmem>>
        %parallel_loop3A_449 = tpu.memref_squeeze %parallel_loop3A_448 : memref<1x128x64xf32, #tpu.memory_space<vmem>> -> memref<128x64xf32, #tpu.memory_space<vmem>>
        %parallel_loop3A_450 = tpu.vector_load_idx %parallel_loop3A_449[%parallel_loop3A_444, %parallel_loop3A_387] : memref<128x64xf32, #tpu.memory_space<vmem>>[vector<16xi32>, vector<16xi32>], vector<16xf32>,
        %parallel_loop3A_451 = arith.constant 128 : i32
        %parallel_loop3A_452 = arith.muli %parallel_loop3A_383, %parallel_loop3A_451 : i32
        %parallel_loop3A_453 = arith.constant 48 : i32
        %parallel_loop3A_454 = arith.addi %parallel_loop3A_452, %parallel_loop3A_453 : i32
        %parallel_loop3A_455 = arith.constant 0 : i32
        %parallel_loop3A_456 = arith.index_cast %parallel_loop3A_455 : i32 to index
        %parallel_loop3A_457 = arith.index_cast %parallel_loop3A_380 : i32 to index
        %parallel_loop3A_458 = arith.index_cast %parallel_loop3A_454 : i32 to index
        %parallel_loop3A_459 = tpu.vector_load %arg7[%parallel_loop3A_456, %parallel_loop3A_457, %parallel_loop3A_458] {strides = array<i32>} : memref<5x8x1024xf32, #tpu.memory_space<vmem>>, vector<16xf32>,
        tpu.vector_store %arg7[%parallel_loop3A_456, %parallel_loop3A_457, %parallel_loop3A_458], %parallel_loop3A_450 {strides = array<i32>} : memref<5x8x1024xf32, #tpu.memory_space<vmem>>, vector<16xf32>,
        %parallel_loop3A_460 = arith.constant 64 : i32
        %parallel_loop3A_461 = vector.broadcast %parallel_loop3A_460 : i32 to vector<16xi32>
        %parallel_loop3A_462 = arith.addi %iota3A, %parallel_loop3A_461 : vector<16xi32>
        %parallel_loop3A_463 = arith.constant 0 : i32
        %parallel_loop3A_464 = arith.constant 0 : i32
        %parallel_loop3A_465 = arith.constant 0 : i32
        %parallel_loop3A_466 = tpu.memref_slice %arg6[%parallel_loop3A_463, %parallel_loop3A_464, %parallel_loop3A_465] : memref<5x128x64xf32, #tpu.memory_space<vmem>> -> memref<1x128x64xf32, #tpu.memory_space<vmem>>
        %parallel_loop3A_467 = tpu.memref_squeeze %parallel_loop3A_466 : memref<1x128x64xf32, #tpu.memory_space<vmem>> -> memref<128x64xf32, #tpu.memory_space<vmem>>
        %parallel_loop3A_468 = tpu.vector_load_idx %parallel_loop3A_467[%parallel_loop3A_462, %parallel_loop3A_387] : memref<128x64xf32, #tpu.memory_space<vmem>>[vector<16xi32>, vector<16xi32>], vector<16xf32>,
        %parallel_loop3A_469 = arith.constant 128 : i32
        %parallel_loop3A_470 = arith.muli %parallel_loop3A_383, %parallel_loop3A_469 : i32
        %parallel_loop3A_471 = arith.constant 64 : i32
        %parallel_loop3A_472 = arith.addi %parallel_loop3A_470, %parallel_loop3A_471 : i32
        %parallel_loop3A_473 = arith.constant 0 : i32
        %parallel_loop3A_474 = arith.index_cast %parallel_loop3A_473 : i32 to index
        %parallel_loop3A_475 = arith.index_cast %parallel_loop3A_380 : i32 to index
        %parallel_loop3A_476 = arith.index_cast %parallel_loop3A_472 : i32 to index
        %parallel_loop3A_477 = tpu.vector_load %arg7[%parallel_loop3A_474, %parallel_loop3A_475, %parallel_loop3A_476] {strides = array<i32>} : memref<5x8x1024xf32, #tpu.memory_space<vmem>>, vector<16xf32>,
        tpu.vector_store %arg7[%parallel_loop3A_474, %parallel_loop3A_475, %parallel_loop3A_476], %parallel_loop3A_468 {strides = array<i32>} : memref<5x8x1024xf32, #tpu.memory_space<vmem>>, vector<16xf32>,
        %parallel_loop3A_478 = arith.constant 80 : i32
        %parallel_loop3A_479 = vector.broadcast %parallel_loop3A_478 : i32 to vector<16xi32>
        %parallel_loop3A_480 = arith.addi %iota3A, %parallel_loop3A_479 : vector<16xi32>
        %parallel_loop3A_481 = arith.constant 0 : i32
        %parallel_loop3A_482 = arith.constant 0 : i32
        %parallel_loop3A_483 = arith.constant 0 : i32
        %parallel_loop3A_484 = tpu.memref_slice %arg6[%parallel_loop3A_481, %parallel_loop3A_482, %parallel_loop3A_483] : memref<5x128x64xf32, #tpu.memory_space<vmem>> -> memref<1x128x64xf32, #tpu.memory_space<vmem>>
        %parallel_loop3A_485 = tpu.memref_squeeze %parallel_loop3A_484 : memref<1x128x64xf32, #tpu.memory_space<vmem>> -> memref<128x64xf32, #tpu.memory_space<vmem>>
        %parallel_loop3A_486 = tpu.vector_load_idx %parallel_loop3A_485[%parallel_loop3A_480, %parallel_loop3A_387] : memref<128x64xf32, #tpu.memory_space<vmem>>[vector<16xi32>, vector<16xi32>], vector<16xf32>,
        %parallel_loop3A_487 = arith.constant 128 : i32
        %parallel_loop3A_488 = arith.muli %parallel_loop3A_383, %parallel_loop3A_487 : i32
        %parallel_loop3A_489 = arith.constant 80 : i32
        %parallel_loop3A_490 = arith.addi %parallel_loop3A_488, %parallel_loop3A_489 : i32
        %parallel_loop3A_491 = arith.constant 0 : i32
        %parallel_loop3A_492 = arith.index_cast %parallel_loop3A_491 : i32 to index
        %parallel_loop3A_493 = arith.index_cast %parallel_loop3A_380 : i32 to index
        %parallel_loop3A_494 = arith.index_cast %parallel_loop3A_490 : i32 to index
        %parallel_loop3A_495 = tpu.vector_load %arg7[%parallel_loop3A_492, %parallel_loop3A_493, %parallel_loop3A_494] {strides = array<i32>} : memref<5x8x1024xf32, #tpu.memory_space<vmem>>, vector<16xf32>,
        tpu.vector_store %arg7[%parallel_loop3A_492, %parallel_loop3A_493, %parallel_loop3A_494], %parallel_loop3A_486 {strides = array<i32>} : memref<5x8x1024xf32, #tpu.memory_space<vmem>>, vector<16xf32>,
        %parallel_loop3A_496 = arith.constant 96 : i32
        %parallel_loop3A_497 = vector.broadcast %parallel_loop3A_496 : i32 to vector<16xi32>
        %parallel_loop3A_498 = arith.addi %iota3A, %parallel_loop3A_497 : vector<16xi32>
        %parallel_loop3A_499 = arith.constant 0 : i32
        %parallel_loop3A_500 = arith.constant 0 : i32
        %parallel_loop3A_501 = arith.constant 0 : i32
        %parallel_loop3A_502 = tpu.memref_slice %arg6[%parallel_loop3A_499, %parallel_loop3A_500, %parallel_loop3A_501] : memref<5x128x64xf32, #tpu.memory_space<vmem>> -> memref<1x128x64xf32, #tpu.memory_space<vmem>>
        %parallel_loop3A_503 = tpu.memref_squeeze %parallel_loop3A_502 : memref<1x128x64xf32, #tpu.memory_space<vmem>> -> memref<128x64xf32, #tpu.memory_space<vmem>>
        %parallel_loop3A_504 = tpu.vector_load_idx %parallel_loop3A_503[%parallel_loop3A_498, %parallel_loop3A_387] : memref<128x64xf32, #tpu.memory_space<vmem>>[vector<16xi32>, vector<16xi32>], vector<16xf32>,
        %parallel_loop3A_505 = arith.constant 128 : i32
        %parallel_loop3A_506 = arith.muli %parallel_loop3A_383, %parallel_loop3A_505 : i32
        %parallel_loop3A_507 = arith.constant 96 : i32
        %parallel_loop3A_508 = arith.addi %parallel_loop3A_506, %parallel_loop3A_507 : i32
        %parallel_loop3A_509 = arith.constant 0 : i32
        %parallel_loop3A_510 = arith.index_cast %parallel_loop3A_509 : i32 to index
        %parallel_loop3A_511 = arith.index_cast %parallel_loop3A_380 : i32 to index
        %parallel_loop3A_512 = arith.index_cast %parallel_loop3A_508 : i32 to index
        %parallel_loop3A_513 = tpu.vector_load %arg7[%parallel_loop3A_510, %parallel_loop3A_511, %parallel_loop3A_512] {strides = array<i32>} : memref<5x8x1024xf32, #tpu.memory_space<vmem>>, vector<16xf32>,
        tpu.vector_store %arg7[%parallel_loop3A_510, %parallel_loop3A_511, %parallel_loop3A_512], %parallel_loop3A_504 {strides = array<i32>} : memref<5x8x1024xf32, #tpu.memory_space<vmem>>, vector<16xf32>,
        %parallel_loop3A_514 = arith.constant 112 : i32
        %parallel_loop3A_515 = vector.broadcast %parallel_loop3A_514 : i32 to vector<16xi32>
        %parallel_loop3A_516 = arith.addi %iota3A, %parallel_loop3A_515 : vector<16xi32>
        %parallel_loop3A_517 = arith.constant 0 : i32
        %parallel_loop3A_518 = arith.constant 0 : i32
        %parallel_loop3A_519 = arith.constant 0 : i32
        %parallel_loop3A_520 = tpu.memref_slice %arg6[%parallel_loop3A_517, %parallel_loop3A_518, %parallel_loop3A_519] : memref<5x128x64xf32, #tpu.memory_space<vmem>> -> memref<1x128x64xf32, #tpu.memory_space<vmem>>
        %parallel_loop3A_521 = tpu.memref_squeeze %parallel_loop3A_520 : memref<1x128x64xf32, #tpu.memory_space<vmem>> -> memref<128x64xf32, #tpu.memory_space<vmem>>
        %parallel_loop3A_522 = tpu.vector_load_idx %parallel_loop3A_521[%parallel_loop3A_516, %parallel_loop3A_387] : memref<128x64xf32, #tpu.memory_space<vmem>>[vector<16xi32>, vector<16xi32>], vector<16xf32>,
        %parallel_loop3A_523 = arith.constant 128 : i32
        %parallel_loop3A_524 = arith.muli %parallel_loop3A_383, %parallel_loop3A_523 : i32
        %parallel_loop3A_525 = arith.constant 112 : i32
        %parallel_loop3A_526 = arith.addi %parallel_loop3A_524, %parallel_loop3A_525 : i32
        %parallel_loop3A_527 = arith.constant 0 : i32
        %parallel_loop3A_528 = arith.index_cast %parallel_loop3A_527 : i32 to index
        %parallel_loop3A_529 = arith.index_cast %parallel_loop3A_380 : i32 to index
        %parallel_loop3A_530 = arith.index_cast %parallel_loop3A_526 : i32 to index
        %parallel_loop3A_531 = tpu.vector_load %arg7[%parallel_loop3A_528, %parallel_loop3A_529, %parallel_loop3A_530] {strides = array<i32>} : memref<5x8x1024xf32, #tpu.memory_space<vmem>>, vector<16xf32>,
        tpu.vector_store %arg7[%parallel_loop3A_528, %parallel_loop3A_529, %parallel_loop3A_530], %parallel_loop3A_522 {strides = array<i32>} : memref<5x8x1024xf32, #tpu.memory_space<vmem>>, vector<16xf32>,
      } {sc.loop_unroll_factor = 4 : i64, sc.parallel_access}
      %dma_start3A_159 = arith.constant 0 : i32
      %dma_start3A_160 = arith.constant 0 : i32
      %dma_start3A_161 = arith.constant 0 : i32
      %dma_start3A_162 = tpu.memref_slice %arg7[%dma_start3A_159, %dma_start3A_160, %dma_start3A_161] : memref<5x8x1024xf32, #tpu.memory_space<vmem>> -> memref<1x8x1024xf32, #tpu.memory_space<vmem>>
      %dma_start3A_163 = tpu.memref_squeeze %dma_start3A_162 : memref<1x8x1024xf32, #tpu.memory_space<vmem>> -> memref<8x1024xf32, #tpu.memory_space<vmem>>
      %dma_start3A_164 = arith.constant 0 : i32
      %dma_start3A_165 = arith.constant 0 : i32
      %dma_start3A_166 = tpu.memref_slice %arg4[%add3A_137, %dma_start3A_164, %add3A, %dma_start3A_165] : memref<50x8x32x1024xf32, #tpu.memory_space<hbm>> -> memref<1x8x1x1024xf32, #tpu.memory_space<hbm>>
      %dma_start3A_167 = tpu.memref_squeeze %dma_start3A_166 : memref<1x8x1x1024xf32, #tpu.memory_space<hbm>> -> memref<8x1024xf32, #tpu.memory_space<hbm>>
      %dma_start3A_168 = arith.constant 0 : i32
      %dma_start3A_169 = arith.constant 0 : i32
      %dma_start3A_170 = tpu.memref_slice %arg4[%add3A_137, %dma_start3A_168, %add3A, %dma_start3A_169] : memref<50x8x32x1024xf32, #tpu.memory_space<hbm>> -> memref<1x8x1x1024xf32, #tpu.memory_space<hbm>>
      %dma_start3A_171 = tpu.memref_squeeze %dma_start3A_170 : memref<1x8x1x1024xf32, #tpu.memory_space<hbm>> -> memref<8x1024xf32, #tpu.memory_space<hbm>>
      %dma_start3A_172 = arith.constant 0 : i32
      %dma_start3A_173 = arith.constant 0 : i32
      %dma_start3A_174 = tpu.memref_slice %arg7[%dma_start3A_159, %dma_start3A_172, %dma_start3A_173] : memref<5x8x1024xf32, #tpu.memory_space<vmem>> -> memref<1x8x1024xf32, #tpu.memory_space<vmem>>
      %dma_start3A_175 = tpu.memref_squeeze %dma_start3A_174 : memref<1x8x1024xf32, #tpu.memory_space<vmem>> -> memref<8x1024xf32, #tpu.memory_space<vmem>>
      tpu.enqueue_dma source(%dma_start3A_175 : memref<8x1024xf32, #tpu.memory_space<vmem>>) target(%dma_start3A_171 : memref<8x1024xf32, #tpu.memory_space<hbm>>) target_semaphore(%arg9 : memref<!tpu.dma_semaphore, #tpu.memory_space<semaphore_mem>>)
      %add3A_176 = arith.constant 1 : i32
      %add3A_177 = arith.addi %add3A_135, %add3A_176 : i32
      %dma_wait3A_178 = arith.constant 1 : i32
      %dma_wait3A_179 = arith.constant 0 : i32
      %dma_wait3A_180 = arith.constant 0 : i32
      %dma_wait3A_181 = tpu.memref_slice %arg6[%dma_wait3A_178, %dma_wait3A_179, %dma_wait3A_180] : memref<5x128x64xf32, #tpu.memory_space<vmem>> -> memref<1x128x64xf32, #tpu.memory_space<vmem>>
      %dma_wait3A_182 = tpu.memref_squeeze %dma_wait3A_181 : memref<1x128x64xf32, #tpu.memory_space<vmem>> -> memref<128x64xf32, #tpu.memory_space<vmem>>
      %dma_wait3A_183 = arith.constant 0 : i32
      %dma_wait3A_184 = tpu.memref_slice %arg5[%add3A_177, %dma_wait3A_183] : memref<50x128xi32, #tpu.memory_space<vmem>> -> memref<1x128xi32, #tpu.memory_space<vmem>>
      %dma_wait3A_185 = tpu.memref_squeeze %dma_wait3A_184 : memref<1x128xi32, #tpu.memory_space<vmem>> -> memref<128xi32, #tpu.memory_space<vmem>>
      %dma_wait3A_186 = arith.constant 0 : i32
      %dma_wait3A_187 = arith.constant 0 : i32
      %dma_wait3A_188 = tpu.memref_slice %arg2[%dma_wait3A_186, %dma_wait3A_187] : memref<1000000x64xf32, #tpu.memory_space<hbm>> -> memref<1000000x64xf32, #tpu.memory_space<hbm>>
      tpu.wait_indirect_dma semaphore(%arg8 : memref<!tpu.dma_semaphore, #tpu.memory_space<semaphore_mem>>) src(%dma_wait3A_188 : memref<1000000x64xf32, #tpu.memory_space<hbm>>) dst(%dma_wait3A_182 : memref<128x64xf32, #tpu.memory_space<vmem>>)
      %add3A_189 = arith.constant 3 : i32
      %add3A_190 = arith.addi %add3A_177, %add3A_189 : i32
      %lt3A_191 = arith.constant 50 : i32
      %lt3A_192 = arith.cmpi slt, %add3A_190, %lt3A_191 : i32
      %convert_element_type3A_193 = arith.extui %lt3A_192 : i1 to i32
      %cond3A_194 = arith.constant 0 : i32
      %cond3A_195 = arith.cmpi ne, %convert_element_type3A_193, %cond3A_194 : i32
      scf.if %cond3A_195 {
        %add3A_356 = arith.constant 3 : i32
        %add3A_357 = arith.addi %add3A_177, %add3A_356 : i32
        %dma_start3A_358 = arith.constant 4 : i32
        %dma_start3A_359 = arith.constant 0 : i32
        %dma_start3A_360 = arith.constant 0 : i32
        %dma_start3A_361 = tpu.memref_slice %arg6[%dma_start3A_358, %dma_start3A_359, %dma_start3A_360] : memref<5x128x64xf32, #tpu.memory_space<vmem>> -> memref<1x128x64xf32, #tpu.memory_space<vmem>>
        %dma_start3A_362 = tpu.memref_squeeze %dma_start3A_361 : memref<1x128x64xf32, #tpu.memory_space<vmem>> -> memref<128x64xf32, #tpu.memory_space<vmem>>
        %dma_start3A_363 = arith.constant 0 : i32
        %dma_start3A_364 = tpu.memref_slice %arg5[%add3A_357, %dma_start3A_363] : memref<50x128xi32, #tpu.memory_space<vmem>> -> memref<1x128xi32, #tpu.memory_space<vmem>>
        %dma_start3A_365 = tpu.memref_squeeze %dma_start3A_364 : memref<1x128xi32, #tpu.memory_space<vmem>> -> memref<128xi32, #tpu.memory_space<vmem>>
        %dma_start3A_366 = arith.constant 0 : i32
        %dma_start3A_367 = arith.constant 0 : i32
        %dma_start3A_368 = tpu.memref_slice %arg2[%dma_start3A_366, %dma_start3A_367] : memref<1000000x64xf32, #tpu.memory_space<hbm>> -> memref<1000000x64xf32, #tpu.memory_space<hbm>>
        tpu.enqueue_indirect_dma source(%dma_start3A_368 : memref<1000000x64xf32, #tpu.memory_space<hbm>>) target(%dma_start3A_362 : memref<128x64xf32, #tpu.memory_space<vmem>>) offsets(%dma_start3A_365 : memref<128xi32, #tpu.memory_space<vmem>>) semaphore(%arg8 : memref<!tpu.dma_semaphore, #tpu.memory_space<semaphore_mem>>)
      } else {
      }
      %ge3A_196 = arith.constant 5 : i32
      %ge3A_197 = arith.cmpi sge, %add3A_177, %ge3A_196 : i32
      %convert_element_type3A_198 = arith.extui %ge3A_197 : i1 to i32
      %cond3A_199 = arith.constant 0 : i32
      %cond3A_200 = arith.cmpi ne, %convert_element_type3A_198, %cond3A_199 : i32
      scf.if %cond3A_200 {
        %dma_wait3A_356 = arith.constant 1 : i32
        %dma_wait3A_357 = arith.constant 0 : i32
        %dma_wait3A_358 = arith.constant 0 : i32
        %dma_wait3A_359 = arith.constant 0 : i32
        %dma_wait3A_360 = tpu.memref_slice %arg7[%dma_wait3A_356, %dma_wait3A_358, %dma_wait3A_359] : memref<5x8x1024xf32, #tpu.memory_space<vmem>> -> memref<1x8x1024xf32, #tpu.memory_space<vmem>>
        %dma_wait3A_361 = tpu.memref_squeeze %dma_wait3A_360 : memref<1x8x1024xf32, #tpu.memory_space<vmem>> -> memref<8x1024xf32, #tpu.memory_space<vmem>>
        %dma_wait3A_362 = arith.constant 0 : i32
        %dma_wait3A_363 = arith.constant 0 : i32
        %dma_wait3A_364 = tpu.memref_slice %arg4[%dma_wait3A_357, %dma_wait3A_362, %add3A, %dma_wait3A_363] : memref<50x8x32x1024xf32, #tpu.memory_space<hbm>> -> memref<1x8x1x1024xf32, #tpu.memory_space<hbm>>
        %dma_wait3A_365 = tpu.memref_squeeze %dma_wait3A_364 : memref<1x8x1x1024xf32, #tpu.memory_space<hbm>> -> memref<8x1024xf32, #tpu.memory_space<hbm>>
        %dma_wait3A_366 = arith.constant 0 : i32
        %dma_wait3A_367 = arith.constant 0 : i32
        %dma_wait3A_368 = tpu.memref_slice %arg4[%dma_wait3A_357, %dma_wait3A_366, %add3A, %dma_wait3A_367] : memref<50x8x32x1024xf32, #tpu.memory_space<hbm>> -> memref<1x8x1x1024xf32, #tpu.memory_space<hbm>>
        %dma_wait3A_369 = tpu.memref_squeeze %dma_wait3A_368 : memref<1x8x1x1024xf32, #tpu.memory_space<hbm>> -> memref<8x1024xf32, #tpu.memory_space<hbm>>
        %dma_wait3A_370 = arith.constant 0 : i32
        %dma_wait3A_371 = arith.constant 0 : i32
        %dma_wait3A_372 = tpu.memref_slice %arg7[%dma_wait3A_356, %dma_wait3A_370, %dma_wait3A_371] : memref<5x8x1024xf32, #tpu.memory_space<vmem>> -> memref<1x8x1024xf32, #tpu.memory_space<vmem>>
        %dma_wait3A_373 = tpu.memref_squeeze %dma_wait3A_372 : memref<1x8x1024xf32, #tpu.memory_space<vmem>> -> memref<8x1024xf32, #tpu.memory_space<vmem>>
        tpu.wait_dma2 semaphore(%arg9 : memref<!tpu.dma_semaphore, #tpu.memory_space<semaphore_mem>>) src(%dma_wait3A_373 : memref<8x1024xf32, #tpu.memory_space<vmem>>) dst(%dma_wait3A_369 : memref<8x1024xf32, #tpu.memory_space<hbm>>)
      } else {
      }
      %parallel_loop3A_201 = arith.constant 0 : i32
      %parallel_loop3A_202 = arith.constant 64 : i32
      %parallel_loop3A_203 = arith.constant 1 : i32
      scf.for %parallel_loop3A_356 = %parallel_loop3A_201 to %parallel_loop3A_202 step %parallel_loop3A_203  : i32 {
        %parallel_loop3A_357 = arith.constant 8 : i32
        %parallel_loop3A_358 = arith.divsi %parallel_loop3A_356, %parallel_loop3A_357 : i32
        %parallel_loop3A_359 = arith.constant 0 : i32
        %parallel_loop3A_360 = arith.cmpi sgt, %parallel_loop3A_356, %parallel_loop3A_359 : i32
        %parallel_loop3A_361 = arith.extui %parallel_loop3A_360 : i1 to i32
        %parallel_loop3A_362 = arith.constant 0 : i32
        %parallel_loop3A_363 = arith.cmpi slt, %parallel_loop3A_356, %parallel_loop3A_362 : i32
        %parallel_loop3A_364 = arith.extui %parallel_loop3A_363 : i1 to i32
        %parallel_loop3A_365 = arith.subi %parallel_loop3A_361, %parallel_loop3A_364 : i32
        %parallel_loop3A_366 = arith.constant 0 : i32
        %parallel_loop3A_367 = arith.cmpi sgt, %parallel_loop3A_357, %parallel_loop3A_366 : i32
        %parallel_loop3A_368 = arith.extui %parallel_loop3A_367 : i1 to i32
        %parallel_loop3A_369 = arith.constant 0 : i32
        %parallel_loop3A_370 = arith.cmpi slt, %parallel_loop3A_357, %parallel_loop3A_369 : i32
        %parallel_loop3A_371 = arith.extui %parallel_loop3A_370 : i1 to i32
        %parallel_loop3A_372 = arith.subi %parallel_loop3A_368, %parallel_loop3A_371 : i32
        %parallel_loop3A_373 = arith.cmpi ne, %parallel_loop3A_365, %parallel_loop3A_372 : i32
        %parallel_loop3A_374 = arith.remsi %parallel_loop3A_356, %parallel_loop3A_357 : i32
        %parallel_loop3A_375 = arith.constant 0 : i32
        %parallel_loop3A_376 = arith.cmpi ne, %parallel_loop3A_374, %parallel_loop3A_375 : i32
        %parallel_loop3A_377 = arith.andi %parallel_loop3A_373, %parallel_loop3A_376 : i1
        %parallel_loop3A_378 = arith.constant 1 : i32
        %parallel_loop3A_379 = arith.subi %parallel_loop3A_358, %parallel_loop3A_378 : i32
        %parallel_loop3A_380 = arith.select %parallel_loop3A_377, %parallel_loop3A_379, %parallel_loop3A_358 : i32
        %parallel_loop3A_381 = arith.constant 8 : i32
        %parallel_loop3A_382 = arith.muli %parallel_loop3A_380, %parallel_loop3A_381 : i32
        %parallel_loop3A_383 = arith.subi %parallel_loop3A_356, %parallel_loop3A_382 : i32
        %parallel_loop3A_384 = arith.constant 0 : i32
        %parallel_loop3A_385 = vector.broadcast %parallel_loop3A_384 : i32 to vector<16xi32>
        %parallel_loop3A_386 = vector.broadcast %parallel_loop3A_356 : i32 to vector<16xi32>
        %parallel_loop3A_387 = arith.addi %parallel_loop3A_385, %parallel_loop3A_386 : vector<16xi32>
        %parallel_loop3A_388 = arith.constant 0 : i32
        %parallel_loop3A_389 = vector.broadcast %parallel_loop3A_388 : i32 to vector<16xi32>
        %parallel_loop3A_390 = arith.addi %iota3A, %parallel_loop3A_389 : vector<16xi32>
        %parallel_loop3A_391 = arith.constant 1 : i32
        %parallel_loop3A_392 = arith.constant 0 : i32
        %parallel_loop3A_393 = arith.constant 0 : i32
        %parallel_loop3A_394 = tpu.memref_slice %arg6[%parallel_loop3A_391, %parallel_loop3A_392, %parallel_loop3A_393] : memref<5x128x64xf32, #tpu.memory_space<vmem>> -> memref<1x128x64xf32, #tpu.memory_space<vmem>>
        %parallel_loop3A_395 = tpu.memref_squeeze %parallel_loop3A_394 : memref<1x128x64xf32, #tpu.memory_space<vmem>> -> memref<128x64xf32, #tpu.memory_space<vmem>>
        %parallel_loop3A_396 = tpu.vector_load_idx %parallel_loop3A_395[%parallel_loop3A_390, %parallel_loop3A_387] : memref<128x64xf32, #tpu.memory_space<vmem>>[vector<16xi32>, vector<16xi32>], vector<16xf32>,
        %parallel_loop3A_397 = arith.constant 128 : i32
        %parallel_loop3A_398 = arith.muli %parallel_loop3A_383, %parallel_loop3A_397 : i32
        %parallel_loop3A_399 = arith.constant 0 : i32
        %parallel_loop3A_400 = arith.addi %parallel_loop3A_398, %parallel_loop3A_399 : i32
        %parallel_loop3A_401 = arith.constant 1 : i32
        %parallel_loop3A_402 = arith.index_cast %parallel_loop3A_401 : i32 to index
        %parallel_loop3A_403 = arith.index_cast %parallel_loop3A_380 : i32 to index
        %parallel_loop3A_404 = arith.index_cast %parallel_loop3A_400 : i32 to index
        %parallel_loop3A_405 = tpu.vector_load %arg7[%parallel_loop3A_402, %parallel_loop3A_403, %parallel_loop3A_404] {strides = array<i32>} : memref<5x8x1024xf32, #tpu.memory_space<vmem>>, vector<16xf32>,
        tpu.vector_store %arg7[%parallel_loop3A_402, %parallel_loop3A_403, %parallel_loop3A_404], %parallel_loop3A_396 {strides = array<i32>} : memref<5x8x1024xf32, #tpu.memory_space<vmem>>, vector<16xf32>,
        %parallel_loop3A_406 = arith.constant 16 : i32
        %parallel_loop3A_407 = vector.broadcast %parallel_loop3A_406 : i32 to vector<16xi32>
        %parallel_loop3A_408 = arith.addi %iota3A, %parallel_loop3A_407 : vector<16xi32>
        %parallel_loop3A_409 = arith.constant 1 : i32
        %parallel_loop3A_410 = arith.constant 0 : i32
        %parallel_loop3A_411 = arith.constant 0 : i32
        %parallel_loop3A_412 = tpu.memref_slice %arg6[%parallel_loop3A_409, %parallel_loop3A_410, %parallel_loop3A_411] : memref<5x128x64xf32, #tpu.memory_space<vmem>> -> memref<1x128x64xf32, #tpu.memory_space<vmem>>
        %parallel_loop3A_413 = tpu.memref_squeeze %parallel_loop3A_412 : memref<1x128x64xf32, #tpu.memory_space<vmem>> -> memref<128x64xf32, #tpu.memory_space<vmem>>
        %parallel_loop3A_414 = tpu.vector_load_idx %parallel_loop3A_413[%parallel_loop3A_408, %parallel_loop3A_387] : memref<128x64xf32, #tpu.memory_space<vmem>>[vector<16xi32>, vector<16xi32>], vector<16xf32>,
        %parallel_loop3A_415 = arith.constant 128 : i32
        %parallel_loop3A_416 = arith.muli %parallel_loop3A_383, %parallel_loop3A_415 : i32
        %parallel_loop3A_417 = arith.constant 16 : i32
        %parallel_loop3A_418 = arith.addi %parallel_loop3A_416, %parallel_loop3A_417 : i32
        %parallel_loop3A_419 = arith.constant 1 : i32
        %parallel_loop3A_420 = arith.index_cast %parallel_loop3A_419 : i32 to index
        %parallel_loop3A_421 = arith.index_cast %parallel_loop3A_380 : i32 to index
        %parallel_loop3A_422 = arith.index_cast %parallel_loop3A_418 : i32 to index
        %parallel_loop3A_423 = tpu.vector_load %arg7[%parallel_loop3A_420, %parallel_loop3A_421, %parallel_loop3A_422] {strides = array<i32>} : memref<5x8x1024xf32, #tpu.memory_space<vmem>>, vector<16xf32>,
        tpu.vector_store %arg7[%parallel_loop3A_420, %parallel_loop3A_421, %parallel_loop3A_422], %parallel_loop3A_414 {strides = array<i32>} : memref<5x8x1024xf32, #tpu.memory_space<vmem>>, vector<16xf32>,
        %parallel_loop3A_424 = arith.constant 32 : i32
        %parallel_loop3A_425 = vector.broadcast %parallel_loop3A_424 : i32 to vector<16xi32>
        %parallel_loop3A_426 = arith.addi %iota3A, %parallel_loop3A_425 : vector<16xi32>
        %parallel_loop3A_427 = arith.constant 1 : i32
        %parallel_loop3A_428 = arith.constant 0 : i32
        %parallel_loop3A_429 = arith.constant 0 : i32
        %parallel_loop3A_430 = tpu.memref_slice %arg6[%parallel_loop3A_427, %parallel_loop3A_428, %parallel_loop3A_429] : memref<5x128x64xf32, #tpu.memory_space<vmem>> -> memref<1x128x64xf32, #tpu.memory_space<vmem>>
        %parallel_loop3A_431 = tpu.memref_squeeze %parallel_loop3A_430 : memref<1x128x64xf32, #tpu.memory_space<vmem>> -> memref<128x64xf32, #tpu.memory_space<vmem>>
        %parallel_loop3A_432 = tpu.vector_load_idx %parallel_loop3A_431[%parallel_loop3A_426, %parallel_loop3A_387] : memref<128x64xf32, #tpu.memory_space<vmem>>[vector<16xi32>, vector<16xi32>], vector<16xf32>,
        %parallel_loop3A_433 = arith.constant 128 : i32
        %parallel_loop3A_434 = arith.muli %parallel_loop3A_383, %parallel_loop3A_433 : i32
        %parallel_loop3A_435 = arith.constant 32 : i32
        %parallel_loop3A_436 = arith.addi %parallel_loop3A_434, %parallel_loop3A_435 : i32
        %parallel_loop3A_437 = arith.constant 1 : i32
        %parallel_loop3A_438 = arith.index_cast %parallel_loop3A_437 : i32 to index
        %parallel_loop3A_439 = arith.index_cast %parallel_loop3A_380 : i32 to index
        %parallel_loop3A_440 = arith.index_cast %parallel_loop3A_436 : i32 to index
        %parallel_loop3A_441 = tpu.vector_load %arg7[%parallel_loop3A_438, %parallel_loop3A_439, %parallel_loop3A_440] {strides = array<i32>} : memref<5x8x1024xf32, #tpu.memory_space<vmem>>, vector<16xf32>,
        tpu.vector_store %arg7[%parallel_loop3A_438, %parallel_loop3A_439, %parallel_loop3A_440], %parallel_loop3A_432 {strides = array<i32>} : memref<5x8x1024xf32, #tpu.memory_space<vmem>>, vector<16xf32>,
        %parallel_loop3A_442 = arith.constant 48 : i32
        %parallel_loop3A_443 = vector.broadcast %parallel_loop3A_442 : i32 to vector<16xi32>
        %parallel_loop3A_444 = arith.addi %iota3A, %parallel_loop3A_443 : vector<16xi32>
        %parallel_loop3A_445 = arith.constant 1 : i32
        %parallel_loop3A_446 = arith.constant 0 : i32
        %parallel_loop3A_447 = arith.constant 0 : i32
        %parallel_loop3A_448 = tpu.memref_slice %arg6[%parallel_loop3A_445, %parallel_loop3A_446, %parallel_loop3A_447] : memref<5x128x64xf32, #tpu.memory_space<vmem>> -> memref<1x128x64xf32, #tpu.memory_space<vmem>>
        %parallel_loop3A_449 = tpu.memref_squeeze %parallel_loop3A_448 : memref<1x128x64xf32, #tpu.memory_space<vmem>> -> memref<128x64xf32, #tpu.memory_space<vmem>>
        %parallel_loop3A_450 = tpu.vector_load_idx %parallel_loop3A_449[%parallel_loop3A_444, %parallel_loop3A_387] : memref<128x64xf32, #tpu.memory_space<vmem>>[vector<16xi32>, vector<16xi32>], vector<16xf32>,
        %parallel_loop3A_451 = arith.constant 128 : i32
        %parallel_loop3A_452 = arith.muli %parallel_loop3A_383, %parallel_loop3A_451 : i32
        %parallel_loop3A_453 = arith.constant 48 : i32
        %parallel_loop3A_454 = arith.addi %parallel_loop3A_452, %parallel_loop3A_453 : i32
        %parallel_loop3A_455 = arith.constant 1 : i32
        %parallel_loop3A_456 = arith.index_cast %parallel_loop3A_455 : i32 to index
        %parallel_loop3A_457 = arith.index_cast %parallel_loop3A_380 : i32 to index
        %parallel_loop3A_458 = arith.index_cast %parallel_loop3A_454 : i32 to index
        %parallel_loop3A_459 = tpu.vector_load %arg7[%parallel_loop3A_456, %parallel_loop3A_457, %parallel_loop3A_458] {strides = array<i32>} : memref<5x8x1024xf32, #tpu.memory_space<vmem>>, vector<16xf32>,
        tpu.vector_store %arg7[%parallel_loop3A_456, %parallel_loop3A_457, %parallel_loop3A_458], %parallel_loop3A_450 {strides = array<i32>} : memref<5x8x1024xf32, #tpu.memory_space<vmem>>, vector<16xf32>,
        %parallel_loop3A_460 = arith.constant 64 : i32
        %parallel_loop3A_461 = vector.broadcast %parallel_loop3A_460 : i32 to vector<16xi32>
        %parallel_loop3A_462 = arith.addi %iota3A, %parallel_loop3A_461 : vector<16xi32>
        %parallel_loop3A_463 = arith.constant 1 : i32
        %parallel_loop3A_464 = arith.constant 0 : i32
        %parallel_loop3A_465 = arith.constant 0 : i32
        %parallel_loop3A_466 = tpu.memref_slice %arg6[%parallel_loop3A_463, %parallel_loop3A_464, %parallel_loop3A_465] : memref<5x128x64xf32, #tpu.memory_space<vmem>> -> memref<1x128x64xf32, #tpu.memory_space<vmem>>
        %parallel_loop3A_467 = tpu.memref_squeeze %parallel_loop3A_466 : memref<1x128x64xf32, #tpu.memory_space<vmem>> -> memref<128x64xf32, #tpu.memory_space<vmem>>
        %parallel_loop3A_468 = tpu.vector_load_idx %parallel_loop3A_467[%parallel_loop3A_462, %parallel_loop3A_387] : memref<128x64xf32, #tpu.memory_space<vmem>>[vector<16xi32>, vector<16xi32>], vector<16xf32>,
        %parallel_loop3A_469 = arith.constant 128 : i32
        %parallel_loop3A_470 = arith.muli %parallel_loop3A_383, %parallel_loop3A_469 : i32
        %parallel_loop3A_471 = arith.constant 64 : i32
        %parallel_loop3A_472 = arith.addi %parallel_loop3A_470, %parallel_loop3A_471 : i32
        %parallel_loop3A_473 = arith.constant 1 : i32
        %parallel_loop3A_474 = arith.index_cast %parallel_loop3A_473 : i32 to index
        %parallel_loop3A_475 = arith.index_cast %parallel_loop3A_380 : i32 to index
        %parallel_loop3A_476 = arith.index_cast %parallel_loop3A_472 : i32 to index
        %parallel_loop3A_477 = tpu.vector_load %arg7[%parallel_loop3A_474, %parallel_loop3A_475, %parallel_loop3A_476] {strides = array<i32>} : memref<5x8x1024xf32, #tpu.memory_space<vmem>>, vector<16xf32>,
        tpu.vector_store %arg7[%parallel_loop3A_474, %parallel_loop3A_475, %parallel_loop3A_476], %parallel_loop3A_468 {strides = array<i32>} : memref<5x8x1024xf32, #tpu.memory_space<vmem>>, vector<16xf32>,
        %parallel_loop3A_478 = arith.constant 80 : i32
        %parallel_loop3A_479 = vector.broadcast %parallel_loop3A_478 : i32 to vector<16xi32>
        %parallel_loop3A_480 = arith.addi %iota3A, %parallel_loop3A_479 : vector<16xi32>
        %parallel_loop3A_481 = arith.constant 1 : i32
        %parallel_loop3A_482 = arith.constant 0 : i32
        %parallel_loop3A_483 = arith.constant 0 : i32
        %parallel_loop3A_484 = tpu.memref_slice %arg6[%parallel_loop3A_481, %parallel_loop3A_482, %parallel_loop3A_483] : memref<5x128x64xf32, #tpu.memory_space<vmem>> -> memref<1x128x64xf32, #tpu.memory_space<vmem>>
        %parallel_loop3A_485 = tpu.memref_squeeze %parallel_loop3A_484 : memref<1x128x64xf32, #tpu.memory_space<vmem>> -> memref<128x64xf32, #tpu.memory_space<vmem>>
        %parallel_loop3A_486 = tpu.vector_load_idx %parallel_loop3A_485[%parallel_loop3A_480, %parallel_loop3A_387] : memref<128x64xf32, #tpu.memory_space<vmem>>[vector<16xi32>, vector<16xi32>], vector<16xf32>,
        %parallel_loop3A_487 = arith.constant 128 : i32
        %parallel_loop3A_488 = arith.muli %parallel_loop3A_383, %parallel_loop3A_487 : i32
        %parallel_loop3A_489 = arith.constant 80 : i32
        %parallel_loop3A_490 = arith.addi %parallel_loop3A_488, %parallel_loop3A_489 : i32
        %parallel_loop3A_491 = arith.constant 1 : i32
        %parallel_loop3A_492 = arith.index_cast %parallel_loop3A_491 : i32 to index
        %parallel_loop3A_493 = arith.index_cast %parallel_loop3A_380 : i32 to index
        %parallel_loop3A_494 = arith.index_cast %parallel_loop3A_490 : i32 to index
        %parallel_loop3A_495 = tpu.vector_load %arg7[%parallel_loop3A_492, %parallel_loop3A_493, %parallel_loop3A_494] {strides = array<i32>} : memref<5x8x1024xf32, #tpu.memory_space<vmem>>, vector<16xf32>,
        tpu.vector_store %arg7[%parallel_loop3A_492, %parallel_loop3A_493, %parallel_loop3A_494], %parallel_loop3A_486 {strides = array<i32>} : memref<5x8x1024xf32, #tpu.memory_space<vmem>>, vector<16xf32>,
        %parallel_loop3A_496 = arith.constant 96 : i32
        %parallel_loop3A_497 = vector.broadcast %parallel_loop3A_496 : i32 to vector<16xi32>
        %parallel_loop3A_498 = arith.addi %iota3A, %parallel_loop3A_497 : vector<16xi32>
        %parallel_loop3A_499 = arith.constant 1 : i32
        %parallel_loop3A_500 = arith.constant 0 : i32
        %parallel_loop3A_501 = arith.constant 0 : i32
        %parallel_loop3A_502 = tpu.memref_slice %arg6[%parallel_loop3A_499, %parallel_loop3A_500, %parallel_loop3A_501] : memref<5x128x64xf32, #tpu.memory_space<vmem>> -> memref<1x128x64xf32, #tpu.memory_space<vmem>>
        %parallel_loop3A_503 = tpu.memref_squeeze %parallel_loop3A_502 : memref<1x128x64xf32, #tpu.memory_space<vmem>> -> memref<128x64xf32, #tpu.memory_space<vmem>>
        %parallel_loop3A_504 = tpu.vector_load_idx %parallel_loop3A_503[%parallel_loop3A_498, %parallel_loop3A_387] : memref<128x64xf32, #tpu.memory_space<vmem>>[vector<16xi32>, vector<16xi32>], vector<16xf32>,
        %parallel_loop3A_505 = arith.constant 128 : i32
        %parallel_loop3A_506 = arith.muli %parallel_loop3A_383, %parallel_loop3A_505 : i32
        %parallel_loop3A_507 = arith.constant 96 : i32
        %parallel_loop3A_508 = arith.addi %parallel_loop3A_506, %parallel_loop3A_507 : i32
        %parallel_loop3A_509 = arith.constant 1 : i32
        %parallel_loop3A_510 = arith.index_cast %parallel_loop3A_509 : i32 to index
        %parallel_loop3A_511 = arith.index_cast %parallel_loop3A_380 : i32 to index
        %parallel_loop3A_512 = arith.index_cast %parallel_loop3A_508 : i32 to index
        %parallel_loop3A_513 = tpu.vector_load %arg7[%parallel_loop3A_510, %parallel_loop3A_511, %parallel_loop3A_512] {strides = array<i32>} : memref<5x8x1024xf32, #tpu.memory_space<vmem>>, vector<16xf32>,
        tpu.vector_store %arg7[%parallel_loop3A_510, %parallel_loop3A_511, %parallel_loop3A_512], %parallel_loop3A_504 {strides = array<i32>} : memref<5x8x1024xf32, #tpu.memory_space<vmem>>, vector<16xf32>,
        %parallel_loop3A_514 = arith.constant 112 : i32
        %parallel_loop3A_515 = vector.broadcast %parallel_loop3A_514 : i32 to vector<16xi32>
        %parallel_loop3A_516 = arith.addi %iota3A, %parallel_loop3A_515 : vector<16xi32>
        %parallel_loop3A_517 = arith.constant 1 : i32
        %parallel_loop3A_518 = arith.constant 0 : i32
        %parallel_loop3A_519 = arith.constant 0 : i32
        %parallel_loop3A_520 = tpu.memref_slice %arg6[%parallel_loop3A_517, %parallel_loop3A_518, %parallel_loop3A_519] : memref<5x128x64xf32, #tpu.memory_space<vmem>> -> memref<1x128x64xf32, #tpu.memory_space<vmem>>
        %parallel_loop3A_521 = tpu.memref_squeeze %parallel_loop3A_520 : memref<1x128x64xf32, #tpu.memory_space<vmem>> -> memref<128x64xf32, #tpu.memory_space<vmem>>
        %parallel_loop3A_522 = tpu.vector_load_idx %parallel_loop3A_521[%parallel_loop3A_516, %parallel_loop3A_387] : memref<128x64xf32, #tpu.memory_space<vmem>>[vector<16xi32>, vector<16xi32>], vector<16xf32>,
        %parallel_loop3A_523 = arith.constant 128 : i32
        %parallel_loop3A_524 = arith.muli %parallel_loop3A_383, %parallel_loop3A_523 : i32
        %parallel_loop3A_525 = arith.constant 112 : i32
        %parallel_loop3A_526 = arith.addi %parallel_loop3A_524, %parallel_loop3A_525 : i32
        %parallel_loop3A_527 = arith.constant 1 : i32
        %parallel_loop3A_528 = arith.index_cast %parallel_loop3A_527 : i32 to index
        %parallel_loop3A_529 = arith.index_cast %parallel_loop3A_380 : i32 to index
        %parallel_loop3A_530 = arith.index_cast %parallel_loop3A_526 : i32 to index
        %parallel_loop3A_531 = tpu.vector_load %arg7[%parallel_loop3A_528, %parallel_loop3A_529, %parallel_loop3A_530] {strides = array<i32>} : memref<5x8x1024xf32, #tpu.memory_space<vmem>>, vector<16xf32>,
        tpu.vector_store %arg7[%parallel_loop3A_528, %parallel_loop3A_529, %parallel_loop3A_530], %parallel_loop3A_522 {strides = array<i32>} : memref<5x8x1024xf32, #tpu.memory_space<vmem>>, vector<16xf32>,
      } {sc.loop_unroll_factor = 4 : i64, sc.parallel_access}
      %dma_start3A_204 = arith.constant 1 : i32
      %dma_start3A_205 = arith.constant 0 : i32
      %dma_start3A_206 = arith.constant 0 : i32
      %dma_start3A_207 = tpu.memref_slice %arg7[%dma_start3A_204, %dma_start3A_205, %dma_start3A_206] : memref<5x8x1024xf32, #tpu.memory_space<vmem>> -> memref<1x8x1024xf32, #tpu.memory_space<vmem>>
      %dma_start3A_208 = tpu.memref_squeeze %dma_start3A_207 : memref<1x8x1024xf32, #tpu.memory_space<vmem>> -> memref<8x1024xf32, #tpu.memory_space<vmem>>
      %dma_start3A_209 = arith.constant 0 : i32
      %dma_start3A_210 = arith.constant 0 : i32
      %dma_start3A_211 = tpu.memref_slice %arg4[%add3A_177, %dma_start3A_209, %add3A, %dma_start3A_210] : memref<50x8x32x1024xf32, #tpu.memory_space<hbm>> -> memref<1x8x1x1024xf32, #tpu.memory_space<hbm>>
      %dma_start3A_212 = tpu.memref_squeeze %dma_start3A_211 : memref<1x8x1x1024xf32, #tpu.memory_space<hbm>> -> memref<8x1024xf32, #tpu.memory_space<hbm>>
      %dma_start3A_213 = arith.constant 0 : i32
      %dma_start3A_214 = arith.constant 0 : i32
      %dma_start3A_215 = tpu.memref_slice %arg4[%add3A_177, %dma_start3A_213, %add3A, %dma_start3A_214] : memref<50x8x32x1024xf32, #tpu.memory_space<hbm>> -> memref<1x8x1x1024xf32, #tpu.memory_space<hbm>>
      %dma_start3A_216 = tpu.memref_squeeze %dma_start3A_215 : memref<1x8x1x1024xf32, #tpu.memory_space<hbm>> -> memref<8x1024xf32, #tpu.memory_space<hbm>>
      %dma_start3A_217 = arith.constant 0 : i32
      %dma_start3A_218 = arith.constant 0 : i32
      %dma_start3A_219 = tpu.memref_slice %arg7[%dma_start3A_204, %dma_start3A_217, %dma_start3A_218] : memref<5x8x1024xf32, #tpu.memory_space<vmem>> -> memref<1x8x1024xf32, #tpu.memory_space<vmem>>
      %dma_start3A_220 = tpu.memref_squeeze %dma_start3A_219 : memref<1x8x1024xf32, #tpu.memory_space<vmem>> -> memref<8x1024xf32, #tpu.memory_space<vmem>>
      tpu.enqueue_dma source(%dma_start3A_220 : memref<8x1024xf32, #tpu.memory_space<vmem>>) target(%dma_start3A_216 : memref<8x1024xf32, #tpu.memory_space<hbm>>) target_semaphore(%arg9 : memref<!tpu.dma_semaphore, #tpu.memory_space<semaphore_mem>>)
      %add3A_221 = arith.constant 2 : i32
      %add3A_222 = arith.addi %add3A_135, %add3A_221 : i32
      %dma_wait3A_223 = arith.constant 2 : i32
      %dma_wait3A_224 = arith.constant 0 : i32
      %dma_wait3A_225 = arith.constant 0 : i32
      %dma_wait3A_226 = tpu.memref_slice %arg6[%dma_wait3A_223, %dma_wait3A_224, %dma_wait3A_225] : memref<5x128x64xf32, #tpu.memory_space<vmem>> -> memref<1x128x64xf32, #tpu.memory_space<vmem>>
      %dma_wait3A_227 = tpu.memref_squeeze %dma_wait3A_226 : memref<1x128x64xf32, #tpu.memory_space<vmem>> -> memref<128x64xf32, #tpu.memory_space<vmem>>
      %dma_wait3A_228 = arith.constant 0 : i32
      %dma_wait3A_229 = tpu.memref_slice %arg5[%add3A_222, %dma_wait3A_228] : memref<50x128xi32, #tpu.memory_space<vmem>> -> memref<1x128xi32, #tpu.memory_space<vmem>>
      %dma_wait3A_230 = tpu.memref_squeeze %dma_wait3A_229 : memref<1x128xi32, #tpu.memory_space<vmem>> -> memref<128xi32, #tpu.memory_space<vmem>>
      %dma_wait3A_231 = arith.constant 0 : i32
      %dma_wait3A_232 = arith.constant 0 : i32
      %dma_wait3A_233 = tpu.memref_slice %arg2[%dma_wait3A_231, %dma_wait3A_232] : memref<1000000x64xf32, #tpu.memory_space<hbm>> -> memref<1000000x64xf32, #tpu.memory_space<hbm>>
      tpu.wait_indirect_dma semaphore(%arg8 : memref<!tpu.dma_semaphore, #tpu.memory_space<semaphore_mem>>) src(%dma_wait3A_233 : memref<1000000x64xf32, #tpu.memory_space<hbm>>) dst(%dma_wait3A_227 : memref<128x64xf32, #tpu.memory_space<vmem>>)
      %add3A_234 = arith.constant 3 : i32
      %add3A_235 = arith.addi %add3A_222, %add3A_234 : i32
      %lt3A_236 = arith.constant 50 : i32
      %lt3A_237 = arith.cmpi slt, %add3A_235, %lt3A_236 : i32
      %convert_element_type3A_238 = arith.extui %lt3A_237 : i1 to i32
      %cond3A_239 = arith.constant 0 : i32
      %cond3A_240 = arith.cmpi ne, %convert_element_type3A_238, %cond3A_239 : i32
      scf.if %cond3A_240 {
        %add3A_356 = arith.constant 3 : i32
        %add3A_357 = arith.addi %add3A_222, %add3A_356 : i32
        %dma_start3A_358 = arith.constant 0 : i32
        %dma_start3A_359 = arith.constant 0 : i32
        %dma_start3A_360 = arith.constant 0 : i32
        %dma_start3A_361 = tpu.memref_slice %arg6[%dma_start3A_358, %dma_start3A_359, %dma_start3A_360] : memref<5x128x64xf32, #tpu.memory_space<vmem>> -> memref<1x128x64xf32, #tpu.memory_space<vmem>>
        %dma_start3A_362 = tpu.memref_squeeze %dma_start3A_361 : memref<1x128x64xf32, #tpu.memory_space<vmem>> -> memref<128x64xf32, #tpu.memory_space<vmem>>
        %dma_start3A_363 = arith.constant 0 : i32
        %dma_start3A_364 = tpu.memref_slice %arg5[%add3A_357, %dma_start3A_363] : memref<50x128xi32, #tpu.memory_space<vmem>> -> memref<1x128xi32, #tpu.memory_space<vmem>>
        %dma_start3A_365 = tpu.memref_squeeze %dma_start3A_364 : memref<1x128xi32, #tpu.memory_space<vmem>> -> memref<128xi32, #tpu.memory_space<vmem>>
        %dma_start3A_366 = arith.constant 0 : i32
        %dma_start3A_367 = arith.constant 0 : i32
        %dma_start3A_368 = tpu.memref_slice %arg2[%dma_start3A_366, %dma_start3A_367] : memref<1000000x64xf32, #tpu.memory_space<hbm>> -> memref<1000000x64xf32, #tpu.memory_space<hbm>>
        tpu.enqueue_indirect_dma source(%dma_start3A_368 : memref<1000000x64xf32, #tpu.memory_space<hbm>>) target(%dma_start3A_362 : memref<128x64xf32, #tpu.memory_space<vmem>>) offsets(%dma_start3A_365 : memref<128xi32, #tpu.memory_space<vmem>>) semaphore(%arg8 : memref<!tpu.dma_semaphore, #tpu.memory_space<semaphore_mem>>)
      } else {
      }
      %ge3A_241 = arith.constant 5 : i32
      %ge3A_242 = arith.cmpi sge, %add3A_222, %ge3A_241 : i32
      %convert_element_type3A_243 = arith.extui %ge3A_242 : i1 to i32
      %cond3A_244 = arith.constant 0 : i32
      %cond3A_245 = arith.cmpi ne, %convert_element_type3A_243, %cond3A_244 : i32
      scf.if %cond3A_245 {
        %dma_wait3A_356 = arith.constant 2 : i32
        %dma_wait3A_357 = arith.constant 0 : i32
        %dma_wait3A_358 = arith.constant 0 : i32
        %dma_wait3A_359 = arith.constant 0 : i32
        %dma_wait3A_360 = tpu.memref_slice %arg7[%dma_wait3A_356, %dma_wait3A_358, %dma_wait3A_359] : memref<5x8x1024xf32, #tpu.memory_space<vmem>> -> memref<1x8x1024xf32, #tpu.memory_space<vmem>>
        %dma_wait3A_361 = tpu.memref_squeeze %dma_wait3A_360 : memref<1x8x1024xf32, #tpu.memory_space<vmem>> -> memref<8x1024xf32, #tpu.memory_space<vmem>>
        %dma_wait3A_362 = arith.constant 0 : i32
        %dma_wait3A_363 = arith.constant 0 : i32
        %dma_wait3A_364 = tpu.memref_slice %arg4[%dma_wait3A_357, %dma_wait3A_362, %add3A, %dma_wait3A_363] : memref<50x8x32x1024xf32, #tpu.memory_space<hbm>> -> memref<1x8x1x1024xf32, #tpu.memory_space<hbm>>
        %dma_wait3A_365 = tpu.memref_squeeze %dma_wait3A_364 : memref<1x8x1x1024xf32, #tpu.memory_space<hbm>> -> memref<8x1024xf32, #tpu.memory_space<hbm>>
        %dma_wait3A_366 = arith.constant 0 : i32
        %dma_wait3A_367 = arith.constant 0 : i32
        %dma_wait3A_368 = tpu.memref_slice %arg4[%dma_wait3A_357, %dma_wait3A_366, %add3A, %dma_wait3A_367] : memref<50x8x32x1024xf32, #tpu.memory_space<hbm>> -> memref<1x8x1x1024xf32, #tpu.memory_space<hbm>>
        %dma_wait3A_369 = tpu.memref_squeeze %dma_wait3A_368 : memref<1x8x1x1024xf32, #tpu.memory_space<hbm>> -> memref<8x1024xf32, #tpu.memory_space<hbm>>
        %dma_wait3A_370 = arith.constant 0 : i32
        %dma_wait3A_371 = arith.constant 0 : i32
        %dma_wait3A_372 = tpu.memref_slice %arg7[%dma_wait3A_356, %dma_wait3A_370, %dma_wait3A_371] : memref<5x8x1024xf32, #tpu.memory_space<vmem>> -> memref<1x8x1024xf32, #tpu.memory_space<vmem>>
        %dma_wait3A_373 = tpu.memref_squeeze %dma_wait3A_372 : memref<1x8x1024xf32, #tpu.memory_space<vmem>> -> memref<8x1024xf32, #tpu.memory_space<vmem>>
        tpu.wait_dma2 semaphore(%arg9 : memref<!tpu.dma_semaphore, #tpu.memory_space<semaphore_mem>>) src(%dma_wait3A_373 : memref<8x1024xf32, #tpu.memory_space<vmem>>) dst(%dma_wait3A_369 : memref<8x1024xf32, #tpu.memory_space<hbm>>)
      } else {
      }
      %parallel_loop3A_246 = arith.constant 0 : i32
      %parallel_loop3A_247 = arith.constant 64 : i32
      %parallel_loop3A_248 = arith.constant 1 : i32
      scf.for %parallel_loop3A_356 = %parallel_loop3A_246 to %parallel_loop3A_247 step %parallel_loop3A_248  : i32 {
        %parallel_loop3A_357 = arith.constant 8 : i32
        %parallel_loop3A_358 = arith.divsi %parallel_loop3A_356, %parallel_loop3A_357 : i32
        %parallel_loop3A_359 = arith.constant 0 : i32
        %parallel_loop3A_360 = arith.cmpi sgt, %parallel_loop3A_356, %parallel_loop3A_359 : i32
        %parallel_loop3A_361 = arith.extui %parallel_loop3A_360 : i1 to i32
        %parallel_loop3A_362 = arith.constant 0 : i32
        %parallel_loop3A_363 = arith.cmpi slt, %parallel_loop3A_356, %parallel_loop3A_362 : i32
        %parallel_loop3A_364 = arith.extui %parallel_loop3A_363 : i1 to i32
        %parallel_loop3A_365 = arith.subi %parallel_loop3A_361, %parallel_loop3A_364 : i32
        %parallel_loop3A_366 = arith.constant 0 : i32
        %parallel_loop3A_367 = arith.cmpi sgt, %parallel_loop3A_357, %parallel_loop3A_366 : i32
        %parallel_loop3A_368 = arith.extui %parallel_loop3A_367 : i1 to i32
        %parallel_loop3A_369 = arith.constant 0 : i32
        %parallel_loop3A_370 = arith.cmpi slt, %parallel_loop3A_357, %parallel_loop3A_369 : i32
        %parallel_loop3A_371 = arith.extui %parallel_loop3A_370 : i1 to i32
        %parallel_loop3A_372 = arith.subi %parallel_loop3A_368, %parallel_loop3A_371 : i32
        %parallel_loop3A_373 = arith.cmpi ne, %parallel_loop3A_365, %parallel_loop3A_372 : i32
        %parallel_loop3A_374 = arith.remsi %parallel_loop3A_356, %parallel_loop3A_357 : i32
        %parallel_loop3A_375 = arith.constant 0 : i32
        %parallel_loop3A_376 = arith.cmpi ne, %parallel_loop3A_374, %parallel_loop3A_375 : i32
        %parallel_loop3A_377 = arith.andi %parallel_loop3A_373, %parallel_loop3A_376 : i1
        %parallel_loop3A_378 = arith.constant 1 : i32
        %parallel_loop3A_379 = arith.subi %parallel_loop3A_358, %parallel_loop3A_378 : i32
        %parallel_loop3A_380 = arith.select %parallel_loop3A_377, %parallel_loop3A_379, %parallel_loop3A_358 : i32
        %parallel_loop3A_381 = arith.constant 8 : i32
        %parallel_loop3A_382 = arith.muli %parallel_loop3A_380, %parallel_loop3A_381 : i32
        %parallel_loop3A_383 = arith.subi %parallel_loop3A_356, %parallel_loop3A_382 : i32
        %parallel_loop3A_384 = arith.constant 0 : i32
        %parallel_loop3A_385 = vector.broadcast %parallel_loop3A_384 : i32 to vector<16xi32>
        %parallel_loop3A_386 = vector.broadcast %parallel_loop3A_356 : i32 to vector<16xi32>
        %parallel_loop3A_387 = arith.addi %parallel_loop3A_385, %parallel_loop3A_386 : vector<16xi32>
        %parallel_loop3A_388 = arith.constant 0 : i32
        %parallel_loop3A_389 = vector.broadcast %parallel_loop3A_388 : i32 to vector<16xi32>
        %parallel_loop3A_390 = arith.addi %iota3A, %parallel_loop3A_389 : vector<16xi32>
        %parallel_loop3A_391 = arith.constant 2 : i32
        %parallel_loop3A_392 = arith.constant 0 : i32
        %parallel_loop3A_393 = arith.constant 0 : i32
        %parallel_loop3A_394 = tpu.memref_slice %arg6[%parallel_loop3A_391, %parallel_loop3A_392, %parallel_loop3A_393] : memref<5x128x64xf32, #tpu.memory_space<vmem>> -> memref<1x128x64xf32, #tpu.memory_space<vmem>>
        %parallel_loop3A_395 = tpu.memref_squeeze %parallel_loop3A_394 : memref<1x128x64xf32, #tpu.memory_space<vmem>> -> memref<128x64xf32, #tpu.memory_space<vmem>>
        %parallel_loop3A_396 = tpu.vector_load_idx %parallel_loop3A_395[%parallel_loop3A_390, %parallel_loop3A_387] : memref<128x64xf32, #tpu.memory_space<vmem>>[vector<16xi32>, vector<16xi32>], vector<16xf32>,
        %parallel_loop3A_397 = arith.constant 128 : i32
        %parallel_loop3A_398 = arith.muli %parallel_loop3A_383, %parallel_loop3A_397 : i32
        %parallel_loop3A_399 = arith.constant 0 : i32
        %parallel_loop3A_400 = arith.addi %parallel_loop3A_398, %parallel_loop3A_399 : i32
        %parallel_loop3A_401 = arith.constant 2 : i32
        %parallel_loop3A_402 = arith.index_cast %parallel_loop3A_401 : i32 to index
        %parallel_loop3A_403 = arith.index_cast %parallel_loop3A_380 : i32 to index
        %parallel_loop3A_404 = arith.index_cast %parallel_loop3A_400 : i32 to index
        %parallel_loop3A_405 = tpu.vector_load %arg7[%parallel_loop3A_402, %parallel_loop3A_403, %parallel_loop3A_404] {strides = array<i32>} : memref<5x8x1024xf32, #tpu.memory_space<vmem>>, vector<16xf32>,
        tpu.vector_store %arg7[%parallel_loop3A_402, %parallel_loop3A_403, %parallel_loop3A_404], %parallel_loop3A_396 {strides = array<i32>} : memref<5x8x1024xf32, #tpu.memory_space<vmem>>, vector<16xf32>,
        %parallel_loop3A_406 = arith.constant 16 : i32
        %parallel_loop3A_407 = vector.broadcast %parallel_loop3A_406 : i32 to vector<16xi32>
        %parallel_loop3A_408 = arith.addi %iota3A, %parallel_loop3A_407 : vector<16xi32>
        %parallel_loop3A_409 = arith.constant 2 : i32
        %parallel_loop3A_410 = arith.constant 0 : i32
        %parallel_loop3A_411 = arith.constant 0 : i32
        %parallel_loop3A_412 = tpu.memref_slice %arg6[%parallel_loop3A_409, %parallel_loop3A_410, %parallel_loop3A_411] : memref<5x128x64xf32, #tpu.memory_space<vmem>> -> memref<1x128x64xf32, #tpu.memory_space<vmem>>
        %parallel_loop3A_413 = tpu.memref_squeeze %parallel_loop3A_412 : memref<1x128x64xf32, #tpu.memory_space<vmem>> -> memref<128x64xf32, #tpu.memory_space<vmem>>
        %parallel_loop3A_414 = tpu.vector_load_idx %parallel_loop3A_413[%parallel_loop3A_408, %parallel_loop3A_387] : memref<128x64xf32, #tpu.memory_space<vmem>>[vector<16xi32>, vector<16xi32>], vector<16xf32>,
        %parallel_loop3A_415 = arith.constant 128 : i32
        %parallel_loop3A_416 = arith.muli %parallel_loop3A_383, %parallel_loop3A_415 : i32
        %parallel_loop3A_417 = arith.constant 16 : i32
        %parallel_loop3A_418 = arith.addi %parallel_loop3A_416, %parallel_loop3A_417 : i32
        %parallel_loop3A_419 = arith.constant 2 : i32
        %parallel_loop3A_420 = arith.index_cast %parallel_loop3A_419 : i32 to index
        %parallel_loop3A_421 = arith.index_cast %parallel_loop3A_380 : i32 to index
        %parallel_loop3A_422 = arith.index_cast %parallel_loop3A_418 : i32 to index
        %parallel_loop3A_423 = tpu.vector_load %arg7[%parallel_loop3A_420, %parallel_loop3A_421, %parallel_loop3A_422] {strides = array<i32>} : memref<5x8x1024xf32, #tpu.memory_space<vmem>>, vector<16xf32>,
        tpu.vector_store %arg7[%parallel_loop3A_420, %parallel_loop3A_421, %parallel_loop3A_422], %parallel_loop3A_414 {strides = array<i32>} : memref<5x8x1024xf32, #tpu.memory_space<vmem>>, vector<16xf32>,
        %parallel_loop3A_424 = arith.constant 32 : i32
        %parallel_loop3A_425 = vector.broadcast %parallel_loop3A_424 : i32 to vector<16xi32>
        %parallel_loop3A_426 = arith.addi %iota3A, %parallel_loop3A_425 : vector<16xi32>
        %parallel_loop3A_427 = arith.constant 2 : i32
        %parallel_loop3A_428 = arith.constant 0 : i32
        %parallel_loop3A_429 = arith.constant 0 : i32
        %parallel_loop3A_430 = tpu.memref_slice %arg6[%parallel_loop3A_427, %parallel_loop3A_428, %parallel_loop3A_429] : memref<5x128x64xf32, #tpu.memory_space<vmem>> -> memref<1x128x64xf32, #tpu.memory_space<vmem>>
        %parallel_loop3A_431 = tpu.memref_squeeze %parallel_loop3A_430 : memref<1x128x64xf32, #tpu.memory_space<vmem>> -> memref<128x64xf32, #tpu.memory_space<vmem>>
        %parallel_loop3A_432 = tpu.vector_load_idx %parallel_loop3A_431[%parallel_loop3A_426, %parallel_loop3A_387] : memref<128x64xf32, #tpu.memory_space<vmem>>[vector<16xi32>, vector<16xi32>], vector<16xf32>,
        %parallel_loop3A_433 = arith.constant 128 : i32
        %parallel_loop3A_434 = arith.muli %parallel_loop3A_383, %parallel_loop3A_433 : i32
        %parallel_loop3A_435 = arith.constant 32 : i32
        %parallel_loop3A_436 = arith.addi %parallel_loop3A_434, %parallel_loop3A_435 : i32
        %parallel_loop3A_437 = arith.constant 2 : i32
        %parallel_loop3A_438 = arith.index_cast %parallel_loop3A_437 : i32 to index
        %parallel_loop3A_439 = arith.index_cast %parallel_loop3A_380 : i32 to index
        %parallel_loop3A_440 = arith.index_cast %parallel_loop3A_436 : i32 to index
        %parallel_loop3A_441 = tpu.vector_load %arg7[%parallel_loop3A_438, %parallel_loop3A_439, %parallel_loop3A_440] {strides = array<i32>} : memref<5x8x1024xf32, #tpu.memory_space<vmem>>, vector<16xf32>,
        tpu.vector_store %arg7[%parallel_loop3A_438, %parallel_loop3A_439, %parallel_loop3A_440], %parallel_loop3A_432 {strides = array<i32>} : memref<5x8x1024xf32, #tpu.memory_space<vmem>>, vector<16xf32>,
        %parallel_loop3A_442 = arith.constant 48 : i32
        %parallel_loop3A_443 = vector.broadcast %parallel_loop3A_442 : i32 to vector<16xi32>
        %parallel_loop3A_444 = arith.addi %iota3A, %parallel_loop3A_443 : vector<16xi32>
        %parallel_loop3A_445 = arith.constant 2 : i32
        %parallel_loop3A_446 = arith.constant 0 : i32
        %parallel_loop3A_447 = arith.constant 0 : i32
        %parallel_loop3A_448 = tpu.memref_slice %arg6[%parallel_loop3A_445, %parallel_loop3A_446, %parallel_loop3A_447] : memref<5x128x64xf32, #tpu.memory_space<vmem>> -> memref<1x128x64xf32, #tpu.memory_space<vmem>>
        %parallel_loop3A_449 = tpu.memref_squeeze %parallel_loop3A_448 : memref<1x128x64xf32, #tpu.memory_space<vmem>> -> memref<128x64xf32, #tpu.memory_space<vmem>>
        %parallel_loop3A_450 = tpu.vector_load_idx %parallel_loop3A_449[%parallel_loop3A_444, %parallel_loop3A_387] : memref<128x64xf32, #tpu.memory_space<vmem>>[vector<16xi32>, vector<16xi32>], vector<16xf32>,
        %parallel_loop3A_451 = arith.constant 128 : i32
        %parallel_loop3A_452 = arith.muli %parallel_loop3A_383, %parallel_loop3A_451 : i32
        %parallel_loop3A_453 = arith.constant 48 : i32
        %parallel_loop3A_454 = arith.addi %parallel_loop3A_452, %parallel_loop3A_453 : i32
        %parallel_loop3A_455 = arith.constant 2 : i32
        %parallel_loop3A_456 = arith.index_cast %parallel_loop3A_455 : i32 to index
        %parallel_loop3A_457 = arith.index_cast %parallel_loop3A_380 : i32 to index
        %parallel_loop3A_458 = arith.index_cast %parallel_loop3A_454 : i32 to index
        %parallel_loop3A_459 = tpu.vector_load %arg7[%parallel_loop3A_456, %parallel_loop3A_457, %parallel_loop3A_458] {strides = array<i32>} : memref<5x8x1024xf32, #tpu.memory_space<vmem>>, vector<16xf32>,
        tpu.vector_store %arg7[%parallel_loop3A_456, %parallel_loop3A_457, %parallel_loop3A_458], %parallel_loop3A_450 {strides = array<i32>} : memref<5x8x1024xf32, #tpu.memory_space<vmem>>, vector<16xf32>,
        %parallel_loop3A_460 = arith.constant 64 : i32
        %parallel_loop3A_461 = vector.broadcast %parallel_loop3A_460 : i32 to vector<16xi32>
        %parallel_loop3A_462 = arith.addi %iota3A, %parallel_loop3A_461 : vector<16xi32>
        %parallel_loop3A_463 = arith.constant 2 : i32
        %parallel_loop3A_464 = arith.constant 0 : i32
        %parallel_loop3A_465 = arith.constant 0 : i32
        %parallel_loop3A_466 = tpu.memref_slice %arg6[%parallel_loop3A_463, %parallel_loop3A_464, %parallel_loop3A_465] : memref<5x128x64xf32, #tpu.memory_space<vmem>> -> memref<1x128x64xf32, #tpu.memory_space<vmem>>
        %parallel_loop3A_467 = tpu.memref_squeeze %parallel_loop3A_466 : memref<1x128x64xf32, #tpu.memory_space<vmem>> -> memref<128x64xf32, #tpu.memory_space<vmem>>
        %parallel_loop3A_468 = tpu.vector_load_idx %parallel_loop3A_467[%parallel_loop3A_462, %parallel_loop3A_387] : memref<128x64xf32, #tpu.memory_space<vmem>>[vector<16xi32>, vector<16xi32>], vector<16xf32>,
        %parallel_loop3A_469 = arith.constant 128 : i32
        %parallel_loop3A_470 = arith.muli %parallel_loop3A_383, %parallel_loop3A_469 : i32
        %parallel_loop3A_471 = arith.constant 64 : i32
        %parallel_loop3A_472 = arith.addi %parallel_loop3A_470, %parallel_loop3A_471 : i32
        %parallel_loop3A_473 = arith.constant 2 : i32
        %parallel_loop3A_474 = arith.index_cast %parallel_loop3A_473 : i32 to index
        %parallel_loop3A_475 = arith.index_cast %parallel_loop3A_380 : i32 to index
        %parallel_loop3A_476 = arith.index_cast %parallel_loop3A_472 : i32 to index
        %parallel_loop3A_477 = tpu.vector_load %arg7[%parallel_loop3A_474, %parallel_loop3A_475, %parallel_loop3A_476] {strides = array<i32>} : memref<5x8x1024xf32, #tpu.memory_space<vmem>>, vector<16xf32>,
        tpu.vector_store %arg7[%parallel_loop3A_474, %parallel_loop3A_475, %parallel_loop3A_476], %parallel_loop3A_468 {strides = array<i32>} : memref<5x8x1024xf32, #tpu.memory_space<vmem>>, vector<16xf32>,
        %parallel_loop3A_478 = arith.constant 80 : i32
        %parallel_loop3A_479 = vector.broadcast %parallel_loop3A_478 : i32 to vector<16xi32>
        %parallel_loop3A_480 = arith.addi %iota3A, %parallel_loop3A_479 : vector<16xi32>
        %parallel_loop3A_481 = arith.constant 2 : i32
        %parallel_loop3A_482 = arith.constant 0 : i32
        %parallel_loop3A_483 = arith.constant 0 : i32
        %parallel_loop3A_484 = tpu.memref_slice %arg6[%parallel_loop3A_481, %parallel_loop3A_482, %parallel_loop3A_483] : memref<5x128x64xf32, #tpu.memory_space<vmem>> -> memref<1x128x64xf32, #tpu.memory_space<vmem>>
        %parallel_loop3A_485 = tpu.memref_squeeze %parallel_loop3A_484 : memref<1x128x64xf32, #tpu.memory_space<vmem>> -> memref<128x64xf32, #tpu.memory_space<vmem>>
        %parallel_loop3A_486 = tpu.vector_load_idx %parallel_loop3A_485[%parallel_loop3A_480, %parallel_loop3A_387] : memref<128x64xf32, #tpu.memory_space<vmem>>[vector<16xi32>, vector<16xi32>], vector<16xf32>,
        %parallel_loop3A_487 = arith.constant 128 : i32
        %parallel_loop3A_488 = arith.muli %parallel_loop3A_383, %parallel_loop3A_487 : i32
        %parallel_loop3A_489 = arith.constant 80 : i32
        %parallel_loop3A_490 = arith.addi %parallel_loop3A_488, %parallel_loop3A_489 : i32
        %parallel_loop3A_491 = arith.constant 2 : i32
        %parallel_loop3A_492 = arith.index_cast %parallel_loop3A_491 : i32 to index
        %parallel_loop3A_493 = arith.index_cast %parallel_loop3A_380 : i32 to index
        %parallel_loop3A_494 = arith.index_cast %parallel_loop3A_490 : i32 to index
        %parallel_loop3A_495 = tpu.vector_load %arg7[%parallel_loop3A_492, %parallel_loop3A_493, %parallel_loop3A_494] {strides = array<i32>} : memref<5x8x1024xf32, #tpu.memory_space<vmem>>, vector<16xf32>,
        tpu.vector_store %arg7[%parallel_loop3A_492, %parallel_loop3A_493, %parallel_loop3A_494], %parallel_loop3A_486 {strides = array<i32>} : memref<5x8x1024xf32, #tpu.memory_space<vmem>>, vector<16xf32>,
        %parallel_loop3A_496 = arith.constant 96 : i32
        %parallel_loop3A_497 = vector.broadcast %parallel_loop3A_496 : i32 to vector<16xi32>
        %parallel_loop3A_498 = arith.addi %iota3A, %parallel_loop3A_497 : vector<16xi32>
        %parallel_loop3A_499 = arith.constant 2 : i32
        %parallel_loop3A_500 = arith.constant 0 : i32
        %parallel_loop3A_501 = arith.constant 0 : i32
        %parallel_loop3A_502 = tpu.memref_slice %arg6[%parallel_loop3A_499, %parallel_loop3A_500, %parallel_loop3A_501] : memref<5x128x64xf32, #tpu.memory_space<vmem>> -> memref<1x128x64xf32, #tpu.memory_space<vmem>>
        %parallel_loop3A_503 = tpu.memref_squeeze %parallel_loop3A_502 : memref<1x128x64xf32, #tpu.memory_space<vmem>> -> memref<128x64xf32, #tpu.memory_space<vmem>>
        %parallel_loop3A_504 = tpu.vector_load_idx %parallel_loop3A_503[%parallel_loop3A_498, %parallel_loop3A_387] : memref<128x64xf32, #tpu.memory_space<vmem>>[vector<16xi32>, vector<16xi32>], vector<16xf32>,
        %parallel_loop3A_505 = arith.constant 128 : i32
        %parallel_loop3A_506 = arith.muli %parallel_loop3A_383, %parallel_loop3A_505 : i32
        %parallel_loop3A_507 = arith.constant 96 : i32
        %parallel_loop3A_508 = arith.addi %parallel_loop3A_506, %parallel_loop3A_507 : i32
        %parallel_loop3A_509 = arith.constant 2 : i32
        %parallel_loop3A_510 = arith.index_cast %parallel_loop3A_509 : i32 to index
        %parallel_loop3A_511 = arith.index_cast %parallel_loop3A_380 : i32 to index
        %parallel_loop3A_512 = arith.index_cast %parallel_loop3A_508 : i32 to index
        %parallel_loop3A_513 = tpu.vector_load %arg7[%parallel_loop3A_510, %parallel_loop3A_511, %parallel_loop3A_512] {strides = array<i32>} : memref<5x8x1024xf32, #tpu.memory_space<vmem>>, vector<16xf32>,
        tpu.vector_store %arg7[%parallel_loop3A_510, %parallel_loop3A_511, %parallel_loop3A_512], %parallel_loop3A_504 {strides = array<i32>} : memref<5x8x1024xf32, #tpu.memory_space<vmem>>, vector<16xf32>,
        %parallel_loop3A_514 = arith.constant 112 : i32
        %parallel_loop3A_515 = vector.broadcast %parallel_loop3A_514 : i32 to vector<16xi32>
        %parallel_loop3A_516 = arith.addi %iota3A, %parallel_loop3A_515 : vector<16xi32>
        %parallel_loop3A_517 = arith.constant 2 : i32
        %parallel_loop3A_518 = arith.constant 0 : i32
        %parallel_loop3A_519 = arith.constant 0 : i32
        %parallel_loop3A_520 = tpu.memref_slice %arg6[%parallel_loop3A_517, %parallel_loop3A_518, %parallel_loop3A_519] : memref<5x128x64xf32, #tpu.memory_space<vmem>> -> memref<1x128x64xf32, #tpu.memory_space<vmem>>
        %parallel_loop3A_521 = tpu.memref_squeeze %parallel_loop3A_520 : memref<1x128x64xf32, #tpu.memory_space<vmem>> -> memref<128x64xf32, #tpu.memory_space<vmem>>
        %parallel_loop3A_522 = tpu.vector_load_idx %parallel_loop3A_521[%parallel_loop3A_516, %parallel_loop3A_387] : memref<128x64xf32, #tpu.memory_space<vmem>>[vector<16xi32>, vector<16xi32>], vector<16xf32>,
        %parallel_loop3A_523 = arith.constant 128 : i32
        %parallel_loop3A_524 = arith.muli %parallel_loop3A_383, %parallel_loop3A_523 : i32
        %parallel_loop3A_525 = arith.constant 112 : i32
        %parallel_loop3A_526 = arith.addi %parallel_loop3A_524, %parallel_loop3A_525 : i32
        %parallel_loop3A_527 = arith.constant 2 : i32
        %parallel_loop3A_528 = arith.index_cast %parallel_loop3A_527 : i32 to index
        %parallel_loop3A_529 = arith.index_cast %parallel_loop3A_380 : i32 to index
        %parallel_loop3A_530 = arith.index_cast %parallel_loop3A_526 : i32 to index
        %parallel_loop3A_531 = tpu.vector_load %arg7[%parallel_loop3A_528, %parallel_loop3A_529, %parallel_loop3A_530] {strides = array<i32>} : memref<5x8x1024xf32, #tpu.memory_space<vmem>>, vector<16xf32>,
        tpu.vector_store %arg7[%parallel_loop3A_528, %parallel_loop3A_529, %parallel_loop3A_530], %parallel_loop3A_522 {strides = array<i32>} : memref<5x8x1024xf32, #tpu.memory_space<vmem>>, vector<16xf32>,
      } {sc.loop_unroll_factor = 4 : i64, sc.parallel_access}
      %dma_start3A_249 = arith.constant 2 : i32
      %dma_start3A_250 = arith.constant 0 : i32
      %dma_start3A_251 = arith.constant 0 : i32
      %dma_start3A_252 = tpu.memref_slice %arg7[%dma_start3A_249, %dma_start3A_250, %dma_start3A_251] : memref<5x8x1024xf32, #tpu.memory_space<vmem>> -> memref<1x8x1024xf32, #tpu.memory_space<vmem>>
      %dma_start3A_253 = tpu.memref_squeeze %dma_start3A_252 : memref<1x8x1024xf32, #tpu.memory_space<vmem>> -> memref<8x1024xf32, #tpu.memory_space<vmem>>
      %dma_start3A_254 = arith.constant 0 : i32
      %dma_start3A_255 = arith.constant 0 : i32
      %dma_start3A_256 = tpu.memref_slice %arg4[%add3A_222, %dma_start3A_254, %add3A, %dma_start3A_255] : memref<50x8x32x1024xf32, #tpu.memory_space<hbm>> -> memref<1x8x1x1024xf32, #tpu.memory_space<hbm>>
      %dma_start3A_257 = tpu.memref_squeeze %dma_start3A_256 : memref<1x8x1x1024xf32, #tpu.memory_space<hbm>> -> memref<8x1024xf32, #tpu.memory_space<hbm>>
      %dma_start3A_258 = arith.constant 0 : i32
      %dma_start3A_259 = arith.constant 0 : i32
      %dma_start3A_260 = tpu.memref_slice %arg4[%add3A_222, %dma_start3A_258, %add3A, %dma_start3A_259] : memref<50x8x32x1024xf32, #tpu.memory_space<hbm>> -> memref<1x8x1x1024xf32, #tpu.memory_space<hbm>>
      %dma_start3A_261 = tpu.memref_squeeze %dma_start3A_260 : memref<1x8x1x1024xf32, #tpu.memory_space<hbm>> -> memref<8x1024xf32, #tpu.memory_space<hbm>>
      %dma_start3A_262 = arith.constant 0 : i32
      %dma_start3A_263 = arith.constant 0 : i32
      %dma_start3A_264 = tpu.memref_slice %arg7[%dma_start3A_249, %dma_start3A_262, %dma_start3A_263] : memref<5x8x1024xf32, #tpu.memory_space<vmem>> -> memref<1x8x1024xf32, #tpu.memory_space<vmem>>
      %dma_start3A_265 = tpu.memref_squeeze %dma_start3A_264 : memref<1x8x1024xf32, #tpu.memory_space<vmem>> -> memref<8x1024xf32, #tpu.memory_space<vmem>>
      tpu.enqueue_dma source(%dma_start3A_265 : memref<8x1024xf32, #tpu.memory_space<vmem>>) target(%dma_start3A_261 : memref<8x1024xf32, #tpu.memory_space<hbm>>) target_semaphore(%arg9 : memref<!tpu.dma_semaphore, #tpu.memory_space<semaphore_mem>>)
      %add3A_266 = arith.constant 3 : i32
      %add3A_267 = arith.addi %add3A_135, %add3A_266 : i32
      %dma_wait3A_268 = arith.constant 3 : i32
      %dma_wait3A_269 = arith.constant 0 : i32
      %dma_wait3A_270 = arith.constant 0 : i32
      %dma_wait3A_271 = tpu.memref_slice %arg6[%dma_wait3A_268, %dma_wait3A_269, %dma_wait3A_270] : memref<5x128x64xf32, #tpu.memory_space<vmem>> -> memref<1x128x64xf32, #tpu.memory_space<vmem>>
      %dma_wait3A_272 = tpu.memref_squeeze %dma_wait3A_271 : memref<1x128x64xf32, #tpu.memory_space<vmem>> -> memref<128x64xf32, #tpu.memory_space<vmem>>
      %dma_wait3A_273 = arith.constant 0 : i32
      %dma_wait3A_274 = tpu.memref_slice %arg5[%add3A_267, %dma_wait3A_273] : memref<50x128xi32, #tpu.memory_space<vmem>> -> memref<1x128xi32, #tpu.memory_space<vmem>>
      %dma_wait3A_275 = tpu.memref_squeeze %dma_wait3A_274 : memref<1x128xi32, #tpu.memory_space<vmem>> -> memref<128xi32, #tpu.memory_space<vmem>>
      %dma_wait3A_276 = arith.constant 0 : i32
      %dma_wait3A_277 = arith.constant 0 : i32
      %dma_wait3A_278 = tpu.memref_slice %arg2[%dma_wait3A_276, %dma_wait3A_277] : memref<1000000x64xf32, #tpu.memory_space<hbm>> -> memref<1000000x64xf32, #tpu.memory_space<hbm>>
      tpu.wait_indirect_dma semaphore(%arg8 : memref<!tpu.dma_semaphore, #tpu.memory_space<semaphore_mem>>) src(%dma_wait3A_278 : memref<1000000x64xf32, #tpu.memory_space<hbm>>) dst(%dma_wait3A_272 : memref<128x64xf32, #tpu.memory_space<vmem>>)
      %add3A_279 = arith.constant 3 : i32
      %add3A_280 = arith.addi %add3A_267, %add3A_279 : i32
      %lt3A_281 = arith.constant 50 : i32
      %lt3A_282 = arith.cmpi slt, %add3A_280, %lt3A_281 : i32
      %convert_element_type3A_283 = arith.extui %lt3A_282 : i1 to i32
      %cond3A_284 = arith.constant 0 : i32
      %cond3A_285 = arith.cmpi ne, %convert_element_type3A_283, %cond3A_284 : i32
      scf.if %cond3A_285 {
        %add3A_356 = arith.constant 3 : i32
        %add3A_357 = arith.addi %add3A_267, %add3A_356 : i32
        %dma_start3A_358 = arith.constant 1 : i32
        %dma_start3A_359 = arith.constant 0 : i32
        %dma_start3A_360 = arith.constant 0 : i32
        %dma_start3A_361 = tpu.memref_slice %arg6[%dma_start3A_358, %dma_start3A_359, %dma_start3A_360] : memref<5x128x64xf32, #tpu.memory_space<vmem>> -> memref<1x128x64xf32, #tpu.memory_space<vmem>>
        %dma_start3A_362 = tpu.memref_squeeze %dma_start3A_361 : memref<1x128x64xf32, #tpu.memory_space<vmem>> -> memref<128x64xf32, #tpu.memory_space<vmem>>
        %dma_start3A_363 = arith.constant 0 : i32
        %dma_start3A_364 = tpu.memref_slice %arg5[%add3A_357, %dma_start3A_363] : memref<50x128xi32, #tpu.memory_space<vmem>> -> memref<1x128xi32, #tpu.memory_space<vmem>>
        %dma_start3A_365 = tpu.memref_squeeze %dma_start3A_364 : memref<1x128xi32, #tpu.memory_space<vmem>> -> memref<128xi32, #tpu.memory_space<vmem>>
        %dma_start3A_366 = arith.constant 0 : i32
        %dma_start3A_367 = arith.constant 0 : i32
        %dma_start3A_368 = tpu.memref_slice %arg2[%dma_start3A_366, %dma_start3A_367] : memref<1000000x64xf32, #tpu.memory_space<hbm>> -> memref<1000000x64xf32, #tpu.memory_space<hbm>>
        tpu.enqueue_indirect_dma source(%dma_start3A_368 : memref<1000000x64xf32, #tpu.memory_space<hbm>>) target(%dma_start3A_362 : memref<128x64xf32, #tpu.memory_space<vmem>>) offsets(%dma_start3A_365 : memref<128xi32, #tpu.memory_space<vmem>>) semaphore(%arg8 : memref<!tpu.dma_semaphore, #tpu.memory_space<semaphore_mem>>)
      } else {
      }
      %ge3A_286 = arith.constant 5 : i32
      %ge3A_287 = arith.cmpi sge, %add3A_267, %ge3A_286 : i32
      %convert_element_type3A_288 = arith.extui %ge3A_287 : i1 to i32
      %cond3A_289 = arith.constant 0 : i32
      %cond3A_290 = arith.cmpi ne, %convert_element_type3A_288, %cond3A_289 : i32
      scf.if %cond3A_290 {
        %dma_wait3A_356 = arith.constant 3 : i32
        %dma_wait3A_357 = arith.constant 0 : i32
        %dma_wait3A_358 = arith.constant 0 : i32
        %dma_wait3A_359 = arith.constant 0 : i32
        %dma_wait3A_360 = tpu.memref_slice %arg7[%dma_wait3A_356, %dma_wait3A_358, %dma_wait3A_359] : memref<5x8x1024xf32, #tpu.memory_space<vmem>> -> memref<1x8x1024xf32, #tpu.memory_space<vmem>>
        %dma_wait3A_361 = tpu.memref_squeeze %dma_wait3A_360 : memref<1x8x1024xf32, #tpu.memory_space<vmem>> -> memref<8x1024xf32, #tpu.memory_space<vmem>>
        %dma_wait3A_362 = arith.constant 0 : i32
        %dma_wait3A_363 = arith.constant 0 : i32
        %dma_wait3A_364 = tpu.memref_slice %arg4[%dma_wait3A_357, %dma_wait3A_362, %add3A, %dma_wait3A_363] : memref<50x8x32x1024xf32, #tpu.memory_space<hbm>> -> memref<1x8x1x1024xf32, #tpu.memory_space<hbm>>
        %dma_wait3A_365 = tpu.memref_squeeze %dma_wait3A_364 : memref<1x8x1x1024xf32, #tpu.memory_space<hbm>> -> memref<8x1024xf32, #tpu.memory_space<hbm>>
        %dma_wait3A_366 = arith.constant 0 : i32
        %dma_wait3A_367 = arith.constant 0 : i32
        %dma_wait3A_368 = tpu.memref_slice %arg4[%dma_wait3A_357, %dma_wait3A_366, %add3A, %dma_wait3A_367] : memref<50x8x32x1024xf32, #tpu.memory_space<hbm>> -> memref<1x8x1x1024xf32, #tpu.memory_space<hbm>>
        %dma_wait3A_369 = tpu.memref_squeeze %dma_wait3A_368 : memref<1x8x1x1024xf32, #tpu.memory_space<hbm>> -> memref<8x1024xf32, #tpu.memory_space<hbm>>
        %dma_wait3A_370 = arith.constant 0 : i32
        %dma_wait3A_371 = arith.constant 0 : i32
        %dma_wait3A_372 = tpu.memref_slice %arg7[%dma_wait3A_356, %dma_wait3A_370, %dma_wait3A_371] : memref<5x8x1024xf32, #tpu.memory_space<vmem>> -> memref<1x8x1024xf32, #tpu.memory_space<vmem>>
        %dma_wait3A_373 = tpu.memref_squeeze %dma_wait3A_372 : memref<1x8x1024xf32, #tpu.memory_space<vmem>> -> memref<8x1024xf32, #tpu.memory_space<vmem>>
        tpu.wait_dma2 semaphore(%arg9 : memref<!tpu.dma_semaphore, #tpu.memory_space<semaphore_mem>>) src(%dma_wait3A_373 : memref<8x1024xf32, #tpu.memory_space<vmem>>) dst(%dma_wait3A_369 : memref<8x1024xf32, #tpu.memory_space<hbm>>)
      } else {
      }
      %parallel_loop3A_291 = arith.constant 0 : i32
      %parallel_loop3A_292 = arith.constant 64 : i32
      %parallel_loop3A_293 = arith.constant 1 : i32
      scf.for %parallel_loop3A_356 = %parallel_loop3A_291 to %parallel_loop3A_292 step %parallel_loop3A_293  : i32 {
        %parallel_loop3A_357 = arith.constant 8 : i32
        %parallel_loop3A_358 = arith.divsi %parallel_loop3A_356, %parallel_loop3A_357 : i32
        %parallel_loop3A_359 = arith.constant 0 : i32
        %parallel_loop3A_360 = arith.cmpi sgt, %parallel_loop3A_356, %parallel_loop3A_359 : i32
        %parallel_loop3A_361 = arith.extui %parallel_loop3A_360 : i1 to i32
        %parallel_loop3A_362 = arith.constant 0 : i32
        %parallel_loop3A_363 = arith.cmpi slt, %parallel_loop3A_356, %parallel_loop3A_362 : i32
        %parallel_loop3A_364 = arith.extui %parallel_loop3A_363 : i1 to i32
        %parallel_loop3A_365 = arith.subi %parallel_loop3A_361, %parallel_loop3A_364 : i32
        %parallel_loop3A_366 = arith.constant 0 : i32
        %parallel_loop3A_367 = arith.cmpi sgt, %parallel_loop3A_357, %parallel_loop3A_366 : i32
        %parallel_loop3A_368 = arith.extui %parallel_loop3A_367 : i1 to i32
        %parallel_loop3A_369 = arith.constant 0 : i32
        %parallel_loop3A_370 = arith.cmpi slt, %parallel_loop3A_357, %parallel_loop3A_369 : i32
        %parallel_loop3A_371 = arith.extui %parallel_loop3A_370 : i1 to i32
        %parallel_loop3A_372 = arith.subi %parallel_loop3A_368, %parallel_loop3A_371 : i32
        %parallel_loop3A_373 = arith.cmpi ne, %parallel_loop3A_365, %parallel_loop3A_372 : i32
        %parallel_loop3A_374 = arith.remsi %parallel_loop3A_356, %parallel_loop3A_357 : i32
        %parallel_loop3A_375 = arith.constant 0 : i32
        %parallel_loop3A_376 = arith.cmpi ne, %parallel_loop3A_374, %parallel_loop3A_375 : i32
        %parallel_loop3A_377 = arith.andi %parallel_loop3A_373, %parallel_loop3A_376 : i1
        %parallel_loop3A_378 = arith.constant 1 : i32
        %parallel_loop3A_379 = arith.subi %parallel_loop3A_358, %parallel_loop3A_378 : i32
        %parallel_loop3A_380 = arith.select %parallel_loop3A_377, %parallel_loop3A_379, %parallel_loop3A_358 : i32
        %parallel_loop3A_381 = arith.constant 8 : i32
        %parallel_loop3A_382 = arith.muli %parallel_loop3A_380, %parallel_loop3A_381 : i32
        %parallel_loop3A_383 = arith.subi %parallel_loop3A_356, %parallel_loop3A_382 : i32
        %parallel_loop3A_384 = arith.constant 0 : i32
        %parallel_loop3A_385 = vector.broadcast %parallel_loop3A_384 : i32 to vector<16xi32>
        %parallel_loop3A_386 = vector.broadcast %parallel_loop3A_356 : i32 to vector<16xi32>
        %parallel_loop3A_387 = arith.addi %parallel_loop3A_385, %parallel_loop3A_386 : vector<16xi32>
        %parallel_loop3A_388 = arith.constant 0 : i32
        %parallel_loop3A_389 = vector.broadcast %parallel_loop3A_388 : i32 to vector<16xi32>
        %parallel_loop3A_390 = arith.addi %iota3A, %parallel_loop3A_389 : vector<16xi32>
        %parallel_loop3A_391 = arith.constant 3 : i32
        %parallel_loop3A_392 = arith.constant 0 : i32
        %parallel_loop3A_393 = arith.constant 0 : i32
        %parallel_loop3A_394 = tpu.memref_slice %arg6[%parallel_loop3A_391, %parallel_loop3A_392, %parallel_loop3A_393] : memref<5x128x64xf32, #tpu.memory_space<vmem>> -> memref<1x128x64xf32, #tpu.memory_space<vmem>>
        %parallel_loop3A_395 = tpu.memref_squeeze %parallel_loop3A_394 : memref<1x128x64xf32, #tpu.memory_space<vmem>> -> memref<128x64xf32, #tpu.memory_space<vmem>>
        %parallel_loop3A_396 = tpu.vector_load_idx %parallel_loop3A_395[%parallel_loop3A_390, %parallel_loop3A_387] : memref<128x64xf32, #tpu.memory_space<vmem>>[vector<16xi32>, vector<16xi32>], vector<16xf32>,
        %parallel_loop3A_397 = arith.constant 128 : i32
        %parallel_loop3A_398 = arith.muli %parallel_loop3A_383, %parallel_loop3A_397 : i32
        %parallel_loop3A_399 = arith.constant 0 : i32
        %parallel_loop3A_400 = arith.addi %parallel_loop3A_398, %parallel_loop3A_399 : i32
        %parallel_loop3A_401 = arith.constant 3 : i32
        %parallel_loop3A_402 = arith.index_cast %parallel_loop3A_401 : i32 to index
        %parallel_loop3A_403 = arith.index_cast %parallel_loop3A_380 : i32 to index
        %parallel_loop3A_404 = arith.index_cast %parallel_loop3A_400 : i32 to index
        %parallel_loop3A_405 = tpu.vector_load %arg7[%parallel_loop3A_402, %parallel_loop3A_403, %parallel_loop3A_404] {strides = array<i32>} : memref<5x8x1024xf32, #tpu.memory_space<vmem>>, vector<16xf32>,
        tpu.vector_store %arg7[%parallel_loop3A_402, %parallel_loop3A_403, %parallel_loop3A_404], %parallel_loop3A_396 {strides = array<i32>} : memref<5x8x1024xf32, #tpu.memory_space<vmem>>, vector<16xf32>,
        %parallel_loop3A_406 = arith.constant 16 : i32
        %parallel_loop3A_407 = vector.broadcast %parallel_loop3A_406 : i32 to vector<16xi32>
        %parallel_loop3A_408 = arith.addi %iota3A, %parallel_loop3A_407 : vector<16xi32>
        %parallel_loop3A_409 = arith.constant 3 : i32
        %parallel_loop3A_410 = arith.constant 0 : i32
        %parallel_loop3A_411 = arith.constant 0 : i32
        %parallel_loop3A_412 = tpu.memref_slice %arg6[%parallel_loop3A_409, %parallel_loop3A_410, %parallel_loop3A_411] : memref<5x128x64xf32, #tpu.memory_space<vmem>> -> memref<1x128x64xf32, #tpu.memory_space<vmem>>
        %parallel_loop3A_413 = tpu.memref_squeeze %parallel_loop3A_412 : memref<1x128x64xf32, #tpu.memory_space<vmem>> -> memref<128x64xf32, #tpu.memory_space<vmem>>
        %parallel_loop3A_414 = tpu.vector_load_idx %parallel_loop3A_413[%parallel_loop3A_408, %parallel_loop3A_387] : memref<128x64xf32, #tpu.memory_space<vmem>>[vector<16xi32>, vector<16xi32>], vector<16xf32>,
        %parallel_loop3A_415 = arith.constant 128 : i32
        %parallel_loop3A_416 = arith.muli %parallel_loop3A_383, %parallel_loop3A_415 : i32
        %parallel_loop3A_417 = arith.constant 16 : i32
        %parallel_loop3A_418 = arith.addi %parallel_loop3A_416, %parallel_loop3A_417 : i32
        %parallel_loop3A_419 = arith.constant 3 : i32
        %parallel_loop3A_420 = arith.index_cast %parallel_loop3A_419 : i32 to index
        %parallel_loop3A_421 = arith.index_cast %parallel_loop3A_380 : i32 to index
        %parallel_loop3A_422 = arith.index_cast %parallel_loop3A_418 : i32 to index
        %parallel_loop3A_423 = tpu.vector_load %arg7[%parallel_loop3A_420, %parallel_loop3A_421, %parallel_loop3A_422] {strides = array<i32>} : memref<5x8x1024xf32, #tpu.memory_space<vmem>>, vector<16xf32>,
        tpu.vector_store %arg7[%parallel_loop3A_420, %parallel_loop3A_421, %parallel_loop3A_422], %parallel_loop3A_414 {strides = array<i32>} : memref<5x8x1024xf32, #tpu.memory_space<vmem>>, vector<16xf32>,
        %parallel_loop3A_424 = arith.constant 32 : i32
        %parallel_loop3A_425 = vector.broadcast %parallel_loop3A_424 : i32 to vector<16xi32>
        %parallel_loop3A_426 = arith.addi %iota3A, %parallel_loop3A_425 : vector<16xi32>
        %parallel_loop3A_427 = arith.constant 3 : i32
        %parallel_loop3A_428 = arith.constant 0 : i32
        %parallel_loop3A_429 = arith.constant 0 : i32
        %parallel_loop3A_430 = tpu.memref_slice %arg6[%parallel_loop3A_427, %parallel_loop3A_428, %parallel_loop3A_429] : memref<5x128x64xf32, #tpu.memory_space<vmem>> -> memref<1x128x64xf32, #tpu.memory_space<vmem>>
        %parallel_loop3A_431 = tpu.memref_squeeze %parallel_loop3A_430 : memref<1x128x64xf32, #tpu.memory_space<vmem>> -> memref<128x64xf32, #tpu.memory_space<vmem>>
        %parallel_loop3A_432 = tpu.vector_load_idx %parallel_loop3A_431[%parallel_loop3A_426, %parallel_loop3A_387] : memref<128x64xf32, #tpu.memory_space<vmem>>[vector<16xi32>, vector<16xi32>], vector<16xf32>,
        %parallel_loop3A_433 = arith.constant 128 : i32
        %parallel_loop3A_434 = arith.muli %parallel_loop3A_383, %parallel_loop3A_433 : i32
        %parallel_loop3A_435 = arith.constant 32 : i32
        %parallel_loop3A_436 = arith.addi %parallel_loop3A_434, %parallel_loop3A_435 : i32
        %parallel_loop3A_437 = arith.constant 3 : i32
        %parallel_loop3A_438 = arith.index_cast %parallel_loop3A_437 : i32 to index
        %parallel_loop3A_439 = arith.index_cast %parallel_loop3A_380 : i32 to index
        %parallel_loop3A_440 = arith.index_cast %parallel_loop3A_436 : i32 to index
        %parallel_loop3A_441 = tpu.vector_load %arg7[%parallel_loop3A_438, %parallel_loop3A_439, %parallel_loop3A_440] {strides = array<i32>} : memref<5x8x1024xf32, #tpu.memory_space<vmem>>, vector<16xf32>,
        tpu.vector_store %arg7[%parallel_loop3A_438, %parallel_loop3A_439, %parallel_loop3A_440], %parallel_loop3A_432 {strides = array<i32>} : memref<5x8x1024xf32, #tpu.memory_space<vmem>>, vector<16xf32>,
        %parallel_loop3A_442 = arith.constant 48 : i32
        %parallel_loop3A_443 = vector.broadcast %parallel_loop3A_442 : i32 to vector<16xi32>
        %parallel_loop3A_444 = arith.addi %iota3A, %parallel_loop3A_443 : vector<16xi32>
        %parallel_loop3A_445 = arith.constant 3 : i32
        %parallel_loop3A_446 = arith.constant 0 : i32
        %parallel_loop3A_447 = arith.constant 0 : i32
        %parallel_loop3A_448 = tpu.memref_slice %arg6[%parallel_loop3A_445, %parallel_loop3A_446, %parallel_loop3A_447] : memref<5x128x64xf32, #tpu.memory_space<vmem>> -> memref<1x128x64xf32, #tpu.memory_space<vmem>>
        %parallel_loop3A_449 = tpu.memref_squeeze %parallel_loop3A_448 : memref<1x128x64xf32, #tpu.memory_space<vmem>> -> memref<128x64xf32, #tpu.memory_space<vmem>>
        %parallel_loop3A_450 = tpu.vector_load_idx %parallel_loop3A_449[%parallel_loop3A_444, %parallel_loop3A_387] : memref<128x64xf32, #tpu.memory_space<vmem>>[vector<16xi32>, vector<16xi32>], vector<16xf32>,
        %parallel_loop3A_451 = arith.constant 128 : i32
        %parallel_loop3A_452 = arith.muli %parallel_loop3A_383, %parallel_loop3A_451 : i32
        %parallel_loop3A_453 = arith.constant 48 : i32
        %parallel_loop3A_454 = arith.addi %parallel_loop3A_452, %parallel_loop3A_453 : i32
        %parallel_loop3A_455 = arith.constant 3 : i32
        %parallel_loop3A_456 = arith.index_cast %parallel_loop3A_455 : i32 to index
        %parallel_loop3A_457 = arith.index_cast %parallel_loop3A_380 : i32 to index
        %parallel_loop3A_458 = arith.index_cast %parallel_loop3A_454 : i32 to index
        %parallel_loop3A_459 = tpu.vector_load %arg7[%parallel_loop3A_456, %parallel_loop3A_457, %parallel_loop3A_458] {strides = array<i32>} : memref<5x8x1024xf32, #tpu.memory_space<vmem>>, vector<16xf32>,
        tpu.vector_store %arg7[%parallel_loop3A_456, %parallel_loop3A_457, %parallel_loop3A_458], %parallel_loop3A_450 {strides = array<i32>} : memref<5x8x1024xf32, #tpu.memory_space<vmem>>, vector<16xf32>,
        %parallel_loop3A_460 = arith.constant 64 : i32
        %parallel_loop3A_461 = vector.broadcast %parallel_loop3A_460 : i32 to vector<16xi32>
        %parallel_loop3A_462 = arith.addi %iota3A, %parallel_loop3A_461 : vector<16xi32>
        %parallel_loop3A_463 = arith.constant 3 : i32
        %parallel_loop3A_464 = arith.constant 0 : i32
        %parallel_loop3A_465 = arith.constant 0 : i32
        %parallel_loop3A_466 = tpu.memref_slice %arg6[%parallel_loop3A_463, %parallel_loop3A_464, %parallel_loop3A_465] : memref<5x128x64xf32, #tpu.memory_space<vmem>> -> memref<1x128x64xf32, #tpu.memory_space<vmem>>
        %parallel_loop3A_467 = tpu.memref_squeeze %parallel_loop3A_466 : memref<1x128x64xf32, #tpu.memory_space<vmem>> -> memref<128x64xf32, #tpu.memory_space<vmem>>
        %parallel_loop3A_468 = tpu.vector_load_idx %parallel_loop3A_467[%parallel_loop3A_462, %parallel_loop3A_387] : memref<128x64xf32, #tpu.memory_space<vmem>>[vector<16xi32>, vector<16xi32>], vector<16xf32>,
        %parallel_loop3A_469 = arith.constant 128 : i32
        %parallel_loop3A_470 = arith.muli %parallel_loop3A_383, %parallel_loop3A_469 : i32
        %parallel_loop3A_471 = arith.constant 64 : i32
        %parallel_loop3A_472 = arith.addi %parallel_loop3A_470, %parallel_loop3A_471 : i32
        %parallel_loop3A_473 = arith.constant 3 : i32
        %parallel_loop3A_474 = arith.index_cast %parallel_loop3A_473 : i32 to index
        %parallel_loop3A_475 = arith.index_cast %parallel_loop3A_380 : i32 to index
        %parallel_loop3A_476 = arith.index_cast %parallel_loop3A_472 : i32 to index
        %parallel_loop3A_477 = tpu.vector_load %arg7[%parallel_loop3A_474, %parallel_loop3A_475, %parallel_loop3A_476] {strides = array<i32>} : memref<5x8x1024xf32, #tpu.memory_space<vmem>>, vector<16xf32>,
        tpu.vector_store %arg7[%parallel_loop3A_474, %parallel_loop3A_475, %parallel_loop3A_476], %parallel_loop3A_468 {strides = array<i32>} : memref<5x8x1024xf32, #tpu.memory_space<vmem>>, vector<16xf32>,
        %parallel_loop3A_478 = arith.constant 80 : i32
        %parallel_loop3A_479 = vector.broadcast %parallel_loop3A_478 : i32 to vector<16xi32>
        %parallel_loop3A_480 = arith.addi %iota3A, %parallel_loop3A_479 : vector<16xi32>
        %parallel_loop3A_481 = arith.constant 3 : i32
        %parallel_loop3A_482 = arith.constant 0 : i32
        %parallel_loop3A_483 = arith.constant 0 : i32
        %parallel_loop3A_484 = tpu.memref_slice %arg6[%parallel_loop3A_481, %parallel_loop3A_482, %parallel_loop3A_483] : memref<5x128x64xf32, #tpu.memory_space<vmem>> -> memref<1x128x64xf32, #tpu.memory_space<vmem>>
        %parallel_loop3A_485 = tpu.memref_squeeze %parallel_loop3A_484 : memref<1x128x64xf32, #tpu.memory_space<vmem>> -> memref<128x64xf32, #tpu.memory_space<vmem>>
        %parallel_loop3A_486 = tpu.vector_load_idx %parallel_loop3A_485[%parallel_loop3A_480, %parallel_loop3A_387] : memref<128x64xf32, #tpu.memory_space<vmem>>[vector<16xi32>, vector<16xi32>], vector<16xf32>,
        %parallel_loop3A_487 = arith.constant 128 : i32
        %parallel_loop3A_488 = arith.muli %parallel_loop3A_383, %parallel_loop3A_487 : i32
        %parallel_loop3A_489 = arith.constant 80 : i32
        %parallel_loop3A_490 = arith.addi %parallel_loop3A_488, %parallel_loop3A_489 : i32
        %parallel_loop3A_491 = arith.constant 3 : i32
        %parallel_loop3A_492 = arith.index_cast %parallel_loop3A_491 : i32 to index
        %parallel_loop3A_493 = arith.index_cast %parallel_loop3A_380 : i32 to index
        %parallel_loop3A_494 = arith.index_cast %parallel_loop3A_490 : i32 to index
        %parallel_loop3A_495 = tpu.vector_load %arg7[%parallel_loop3A_492, %parallel_loop3A_493, %parallel_loop3A_494] {strides = array<i32>} : memref<5x8x1024xf32, #tpu.memory_space<vmem>>, vector<16xf32>,
        tpu.vector_store %arg7[%parallel_loop3A_492, %parallel_loop3A_493, %parallel_loop3A_494], %parallel_loop3A_486 {strides = array<i32>} : memref<5x8x1024xf32, #tpu.memory_space<vmem>>, vector<16xf32>,
        %parallel_loop3A_496 = arith.constant 96 : i32
        %parallel_loop3A_497 = vector.broadcast %parallel_loop3A_496 : i32 to vector<16xi32>
        %parallel_loop3A_498 = arith.addi %iota3A, %parallel_loop3A_497 : vector<16xi32>
        %parallel_loop3A_499 = arith.constant 3 : i32
        %parallel_loop3A_500 = arith.constant 0 : i32
        %parallel_loop3A_501 = arith.constant 0 : i32
        %parallel_loop3A_502 = tpu.memref_slice %arg6[%parallel_loop3A_499, %parallel_loop3A_500, %parallel_loop3A_501] : memref<5x128x64xf32, #tpu.memory_space<vmem>> -> memref<1x128x64xf32, #tpu.memory_space<vmem>>
        %parallel_loop3A_503 = tpu.memref_squeeze %parallel_loop3A_502 : memref<1x128x64xf32, #tpu.memory_space<vmem>> -> memref<128x64xf32, #tpu.memory_space<vmem>>
        %parallel_loop3A_504 = tpu.vector_load_idx %parallel_loop3A_503[%parallel_loop3A_498, %parallel_loop3A_387] : memref<128x64xf32, #tpu.memory_space<vmem>>[vector<16xi32>, vector<16xi32>], vector<16xf32>,
        %parallel_loop3A_505 = arith.constant 128 : i32
        %parallel_loop3A_506 = arith.muli %parallel_loop3A_383, %parallel_loop3A_505 : i32
        %parallel_loop3A_507 = arith.constant 96 : i32
        %parallel_loop3A_508 = arith.addi %parallel_loop3A_506, %parallel_loop3A_507 : i32
        %parallel_loop3A_509 = arith.constant 3 : i32
        %parallel_loop3A_510 = arith.index_cast %parallel_loop3A_509 : i32 to index
        %parallel_loop3A_511 = arith.index_cast %parallel_loop3A_380 : i32 to index
        %parallel_loop3A_512 = arith.index_cast %parallel_loop3A_508 : i32 to index
        %parallel_loop3A_513 = tpu.vector_load %arg7[%parallel_loop3A_510, %parallel_loop3A_511, %parallel_loop3A_512] {strides = array<i32>} : memref<5x8x1024xf32, #tpu.memory_space<vmem>>, vector<16xf32>,
        tpu.vector_store %arg7[%parallel_loop3A_510, %parallel_loop3A_511, %parallel_loop3A_512], %parallel_loop3A_504 {strides = array<i32>} : memref<5x8x1024xf32, #tpu.memory_space<vmem>>, vector<16xf32>,
        %parallel_loop3A_514 = arith.constant 112 : i32
        %parallel_loop3A_515 = vector.broadcast %parallel_loop3A_514 : i32 to vector<16xi32>
        %parallel_loop3A_516 = arith.addi %iota3A, %parallel_loop3A_515 : vector<16xi32>
        %parallel_loop3A_517 = arith.constant 3 : i32
        %parallel_loop3A_518 = arith.constant 0 : i32
        %parallel_loop3A_519 = arith.constant 0 : i32
        %parallel_loop3A_520 = tpu.memref_slice %arg6[%parallel_loop3A_517, %parallel_loop3A_518, %parallel_loop3A_519] : memref<5x128x64xf32, #tpu.memory_space<vmem>> -> memref<1x128x64xf32, #tpu.memory_space<vmem>>
        %parallel_loop3A_521 = tpu.memref_squeeze %parallel_loop3A_520 : memref<1x128x64xf32, #tpu.memory_space<vmem>> -> memref<128x64xf32, #tpu.memory_space<vmem>>
        %parallel_loop3A_522 = tpu.vector_load_idx %parallel_loop3A_521[%parallel_loop3A_516, %parallel_loop3A_387] : memref<128x64xf32, #tpu.memory_space<vmem>>[vector<16xi32>, vector<16xi32>], vector<16xf32>,
        %parallel_loop3A_523 = arith.constant 128 : i32
        %parallel_loop3A_524 = arith.muli %parallel_loop3A_383, %parallel_loop3A_523 : i32
        %parallel_loop3A_525 = arith.constant 112 : i32
        %parallel_loop3A_526 = arith.addi %parallel_loop3A_524, %parallel_loop3A_525 : i32
        %parallel_loop3A_527 = arith.constant 3 : i32
        %parallel_loop3A_528 = arith.index_cast %parallel_loop3A_527 : i32 to index
        %parallel_loop3A_529 = arith.index_cast %parallel_loop3A_380 : i32 to index
        %parallel_loop3A_530 = arith.index_cast %parallel_loop3A_526 : i32 to index
        %parallel_loop3A_531 = tpu.vector_load %arg7[%parallel_loop3A_528, %parallel_loop3A_529, %parallel_loop3A_530] {strides = array<i32>} : memref<5x8x1024xf32, #tpu.memory_space<vmem>>, vector<16xf32>,
        tpu.vector_store %arg7[%parallel_loop3A_528, %parallel_loop3A_529, %parallel_loop3A_530], %parallel_loop3A_522 {strides = array<i32>} : memref<5x8x1024xf32, #tpu.memory_space<vmem>>, vector<16xf32>,
      } {sc.loop_unroll_factor = 4 : i64, sc.parallel_access}
      %dma_start3A_294 = arith.constant 3 : i32
      %dma_start3A_295 = arith.constant 0 : i32
      %dma_start3A_296 = arith.constant 0 : i32
      %dma_start3A_297 = tpu.memref_slice %arg7[%dma_start3A_294, %dma_start3A_295, %dma_start3A_296] : memref<5x8x1024xf32, #tpu.memory_space<vmem>> -> memref<1x8x1024xf32, #tpu.memory_space<vmem>>
      %dma_start3A_298 = tpu.memref_squeeze %dma_start3A_297 : memref<1x8x1024xf32, #tpu.memory_space<vmem>> -> memref<8x1024xf32, #tpu.memory_space<vmem>>
      %dma_start3A_299 = arith.constant 0 : i32
      %dma_start3A_300 = arith.constant 0 : i32
      %dma_start3A_301 = tpu.memref_slice %arg4[%add3A_267, %dma_start3A_299, %add3A, %dma_start3A_300] : memref<50x8x32x1024xf32, #tpu.memory_space<hbm>> -> memref<1x8x1x1024xf32, #tpu.memory_space<hbm>>
      %dma_start3A_302 = tpu.memref_squeeze %dma_start3A_301 : memref<1x8x1x1024xf32, #tpu.memory_space<hbm>> -> memref<8x1024xf32, #tpu.memory_space<hbm>>
      %dma_start3A_303 = arith.constant 0 : i32
      %dma_start3A_304 = arith.constant 0 : i32
      %dma_start3A_305 = tpu.memref_slice %arg4[%add3A_267, %dma_start3A_303, %add3A, %dma_start3A_304] : memref<50x8x32x1024xf32, #tpu.memory_space<hbm>> -> memref<1x8x1x1024xf32, #tpu.memory_space<hbm>>
      %dma_start3A_306 = tpu.memref_squeeze %dma_start3A_305 : memref<1x8x1x1024xf32, #tpu.memory_space<hbm>> -> memref<8x1024xf32, #tpu.memory_space<hbm>>
      %dma_start3A_307 = arith.constant 0 : i32
      %dma_start3A_308 = arith.constant 0 : i32
      %dma_start3A_309 = tpu.memref_slice %arg7[%dma_start3A_294, %dma_start3A_307, %dma_start3A_308] : memref<5x8x1024xf32, #tpu.memory_space<vmem>> -> memref<1x8x1024xf32, #tpu.memory_space<vmem>>
      %dma_start3A_310 = tpu.memref_squeeze %dma_start3A_309 : memref<1x8x1024xf32, #tpu.memory_space<vmem>> -> memref<8x1024xf32, #tpu.memory_space<vmem>>
      tpu.enqueue_dma source(%dma_start3A_310 : memref<8x1024xf32, #tpu.memory_space<vmem>>) target(%dma_start3A_306 : memref<8x1024xf32, #tpu.memory_space<hbm>>) target_semaphore(%arg9 : memref<!tpu.dma_semaphore, #tpu.memory_space<semaphore_mem>>)
      %add3A_311 = arith.constant 4 : i32
      %add3A_312 = arith.addi %add3A_135, %add3A_311 : i32
      %dma_wait3A_313 = arith.constant 4 : i32
      %dma_wait3A_314 = arith.constant 0 : i32
      %dma_wait3A_315 = arith.constant 0 : i32
      %dma_wait3A_316 = tpu.memref_slice %arg6[%dma_wait3A_313, %dma_wait3A_314, %dma_wait3A_315] : memref<5x128x64xf32, #tpu.memory_space<vmem>> -> memref<1x128x64xf32, #tpu.memory_space<vmem>>
      %dma_wait3A_317 = tpu.memref_squeeze %dma_wait3A_316 : memref<1x128x64xf32, #tpu.memory_space<vmem>> -> memref<128x64xf32, #tpu.memory_space<vmem>>
      %dma_wait3A_318 = arith.constant 0 : i32
      %dma_wait3A_319 = tpu.memref_slice %arg5[%add3A_312, %dma_wait3A_318] : memref<50x128xi32, #tpu.memory_space<vmem>> -> memref<1x128xi32, #tpu.memory_space<vmem>>
      %dma_wait3A_320 = tpu.memref_squeeze %dma_wait3A_319 : memref<1x128xi32, #tpu.memory_space<vmem>> -> memref<128xi32, #tpu.memory_space<vmem>>
      %dma_wait3A_321 = arith.constant 0 : i32
      %dma_wait3A_322 = arith.constant 0 : i32
      %dma_wait3A_323 = tpu.memref_slice %arg2[%dma_wait3A_321, %dma_wait3A_322] : memref<1000000x64xf32, #tpu.memory_space<hbm>> -> memref<1000000x64xf32, #tpu.memory_space<hbm>>
      tpu.wait_indirect_dma semaphore(%arg8 : memref<!tpu.dma_semaphore, #tpu.memory_space<semaphore_mem>>) src(%dma_wait3A_323 : memref<1000000x64xf32, #tpu.memory_space<hbm>>) dst(%dma_wait3A_317 : memref<128x64xf32, #tpu.memory_space<vmem>>)
      %add3A_324 = arith.constant 3 : i32
      %add3A_325 = arith.addi %add3A_312, %add3A_324 : i32
      %lt3A_326 = arith.constant 50 : i32
      %lt3A_327 = arith.cmpi slt, %add3A_325, %lt3A_326 : i32
      %convert_element_type3A_328 = arith.extui %lt3A_327 : i1 to i32
      %cond3A_329 = arith.constant 0 : i32
      %cond3A_330 = arith.cmpi ne, %convert_element_type3A_328, %cond3A_329 : i32
      scf.if %cond3A_330 {
        %add3A_356 = arith.constant 3 : i32
        %add3A_357 = arith.addi %add3A_312, %add3A_356 : i32
        %dma_start3A_358 = arith.constant 2 : i32
        %dma_start3A_359 = arith.constant 0 : i32
        %dma_start3A_360 = arith.constant 0 : i32
        %dma_start3A_361 = tpu.memref_slice %arg6[%dma_start3A_358, %dma_start3A_359, %dma_start3A_360] : memref<5x128x64xf32, #tpu.memory_space<vmem>> -> memref<1x128x64xf32, #tpu.memory_space<vmem>>
        %dma_start3A_362 = tpu.memref_squeeze %dma_start3A_361 : memref<1x128x64xf32, #tpu.memory_space<vmem>> -> memref<128x64xf32, #tpu.memory_space<vmem>>
        %dma_start3A_363 = arith.constant 0 : i32
        %dma_start3A_364 = tpu.memref_slice %arg5[%add3A_357, %dma_start3A_363] : memref<50x128xi32, #tpu.memory_space<vmem>> -> memref<1x128xi32, #tpu.memory_space<vmem>>
        %dma_start3A_365 = tpu.memref_squeeze %dma_start3A_364 : memref<1x128xi32, #tpu.memory_space<vmem>> -> memref<128xi32, #tpu.memory_space<vmem>>
        %dma_start3A_366 = arith.constant 0 : i32
        %dma_start3A_367 = arith.constant 0 : i32
        %dma_start3A_368 = tpu.memref_slice %arg2[%dma_start3A_366, %dma_start3A_367] : memref<1000000x64xf32, #tpu.memory_space<hbm>> -> memref<1000000x64xf32, #tpu.memory_space<hbm>>
        tpu.enqueue_indirect_dma source(%dma_start3A_368 : memref<1000000x64xf32, #tpu.memory_space<hbm>>) target(%dma_start3A_362 : memref<128x64xf32, #tpu.memory_space<vmem>>) offsets(%dma_start3A_365 : memref<128xi32, #tpu.memory_space<vmem>>) semaphore(%arg8 : memref<!tpu.dma_semaphore, #tpu.memory_space<semaphore_mem>>)
      } else {
      }
      %ge3A_331 = arith.constant 5 : i32
      %ge3A_332 = arith.cmpi sge, %add3A_312, %ge3A_331 : i32
      %convert_element_type3A_333 = arith.extui %ge3A_332 : i1 to i32
      %cond3A_334 = arith.constant 0 : i32
      %cond3A_335 = arith.cmpi ne, %convert_element_type3A_333, %cond3A_334 : i32
      scf.if %cond3A_335 {
        %dma_wait3A_356 = arith.constant 4 : i32
        %dma_wait3A_357 = arith.constant 0 : i32
        %dma_wait3A_358 = arith.constant 0 : i32
        %dma_wait3A_359 = arith.constant 0 : i32
        %dma_wait3A_360 = tpu.memref_slice %arg7[%dma_wait3A_356, %dma_wait3A_358, %dma_wait3A_359] : memref<5x8x1024xf32, #tpu.memory_space<vmem>> -> memref<1x8x1024xf32, #tpu.memory_space<vmem>>
        %dma_wait3A_361 = tpu.memref_squeeze %dma_wait3A_360 : memref<1x8x1024xf32, #tpu.memory_space<vmem>> -> memref<8x1024xf32, #tpu.memory_space<vmem>>
        %dma_wait3A_362 = arith.constant 0 : i32
        %dma_wait3A_363 = arith.constant 0 : i32
        %dma_wait3A_364 = tpu.memref_slice %arg4[%dma_wait3A_357, %dma_wait3A_362, %add3A, %dma_wait3A_363] : memref<50x8x32x1024xf32, #tpu.memory_space<hbm>> -> memref<1x8x1x1024xf32, #tpu.memory_space<hbm>>
        %dma_wait3A_365 = tpu.memref_squeeze %dma_wait3A_364 : memref<1x8x1x1024xf32, #tpu.memory_space<hbm>> -> memref<8x1024xf32, #tpu.memory_space<hbm>>
        %dma_wait3A_366 = arith.constant 0 : i32
        %dma_wait3A_367 = arith.constant 0 : i32
        %dma_wait3A_368 = tpu.memref_slice %arg4[%dma_wait3A_357, %dma_wait3A_366, %add3A, %dma_wait3A_367] : memref<50x8x32x1024xf32, #tpu.memory_space<hbm>> -> memref<1x8x1x1024xf32, #tpu.memory_space<hbm>>
        %dma_wait3A_369 = tpu.memref_squeeze %dma_wait3A_368 : memref<1x8x1x1024xf32, #tpu.memory_space<hbm>> -> memref<8x1024xf32, #tpu.memory_space<hbm>>
        %dma_wait3A_370 = arith.constant 0 : i32
        %dma_wait3A_371 = arith.constant 0 : i32
        %dma_wait3A_372 = tpu.memref_slice %arg7[%dma_wait3A_356, %dma_wait3A_370, %dma_wait3A_371] : memref<5x8x1024xf32, #tpu.memory_space<vmem>> -> memref<1x8x1024xf32, #tpu.memory_space<vmem>>
        %dma_wait3A_373 = tpu.memref_squeeze %dma_wait3A_372 : memref<1x8x1024xf32, #tpu.memory_space<vmem>> -> memref<8x1024xf32, #tpu.memory_space<vmem>>
        tpu.wait_dma2 semaphore(%arg9 : memref<!tpu.dma_semaphore, #tpu.memory_space<semaphore_mem>>) src(%dma_wait3A_373 : memref<8x1024xf32, #tpu.memory_space<vmem>>) dst(%dma_wait3A_369 : memref<8x1024xf32, #tpu.memory_space<hbm>>)
      } else {
      }
      %parallel_loop3A_336 = arith.constant 0 : i32
      %parallel_loop3A_337 = arith.constant 64 : i32
      %parallel_loop3A_338 = arith.constant 1 : i32
      scf.for %parallel_loop3A_356 = %parallel_loop3A_336 to %parallel_loop3A_337 step %parallel_loop3A_338  : i32 {
        %parallel_loop3A_357 = arith.constant 8 : i32
        %parallel_loop3A_358 = arith.divsi %parallel_loop3A_356, %parallel_loop3A_357 : i32
        %parallel_loop3A_359 = arith.constant 0 : i32
        %parallel_loop3A_360 = arith.cmpi sgt, %parallel_loop3A_356, %parallel_loop3A_359 : i32
        %parallel_loop3A_361 = arith.extui %parallel_loop3A_360 : i1 to i32
        %parallel_loop3A_362 = arith.constant 0 : i32
        %parallel_loop3A_363 = arith.cmpi slt, %parallel_loop3A_356, %parallel_loop3A_362 : i32
        %parallel_loop3A_364 = arith.extui %parallel_loop3A_363 : i1 to i32
        %parallel_loop3A_365 = arith.subi %parallel_loop3A_361, %parallel_loop3A_364 : i32
        %parallel_loop3A_366 = arith.constant 0 : i32
        %parallel_loop3A_367 = arith.cmpi sgt, %parallel_loop3A_357, %parallel_loop3A_366 : i32
        %parallel_loop3A_368 = arith.extui %parallel_loop3A_367 : i1 to i32
        %parallel_loop3A_369 = arith.constant 0 : i32
        %parallel_loop3A_370 = arith.cmpi slt, %parallel_loop3A_357, %parallel_loop3A_369 : i32
        %parallel_loop3A_371 = arith.extui %parallel_loop3A_370 : i1 to i32
        %parallel_loop3A_372 = arith.subi %parallel_loop3A_368, %parallel_loop3A_371 : i32
        %parallel_loop3A_373 = arith.cmpi ne, %parallel_loop3A_365, %parallel_loop3A_372 : i32
        %parallel_loop3A_374 = arith.remsi %parallel_loop3A_356, %parallel_loop3A_357 : i32
        %parallel_loop3A_375 = arith.constant 0 : i32
        %parallel_loop3A_376 = arith.cmpi ne, %parallel_loop3A_374, %parallel_loop3A_375 : i32
        %parallel_loop3A_377 = arith.andi %parallel_loop3A_373, %parallel_loop3A_376 : i1
        %parallel_loop3A_378 = arith.constant 1 : i32
        %parallel_loop3A_379 = arith.subi %parallel_loop3A_358, %parallel_loop3A_378 : i32
        %parallel_loop3A_380 = arith.select %parallel_loop3A_377, %parallel_loop3A_379, %parallel_loop3A_358 : i32
        %parallel_loop3A_381 = arith.constant 8 : i32
        %parallel_loop3A_382 = arith.muli %parallel_loop3A_380, %parallel_loop3A_381 : i32
        %parallel_loop3A_383 = arith.subi %parallel_loop3A_356, %parallel_loop3A_382 : i32
        %parallel_loop3A_384 = arith.constant 0 : i32
        %parallel_loop3A_385 = vector.broadcast %parallel_loop3A_384 : i32 to vector<16xi32>
        %parallel_loop3A_386 = vector.broadcast %parallel_loop3A_356 : i32 to vector<16xi32>
        %parallel_loop3A_387 = arith.addi %parallel_loop3A_385, %parallel_loop3A_386 : vector<16xi32>
        %parallel_loop3A_388 = arith.constant 0 : i32
        %parallel_loop3A_389 = vector.broadcast %parallel_loop3A_388 : i32 to vector<16xi32>
        %parallel_loop3A_390 = arith.addi %iota3A, %parallel_loop3A_389 : vector<16xi32>
        %parallel_loop3A_391 = arith.constant 4 : i32
        %parallel_loop3A_392 = arith.constant 0 : i32
        %parallel_loop3A_393 = arith.constant 0 : i32
        %parallel_loop3A_394 = tpu.memref_slice %arg6[%parallel_loop3A_391, %parallel_loop3A_392, %parallel_loop3A_393] : memref<5x128x64xf32, #tpu.memory_space<vmem>> -> memref<1x128x64xf32, #tpu.memory_space<vmem>>
        %parallel_loop3A_395 = tpu.memref_squeeze %parallel_loop3A_394 : memref<1x128x64xf32, #tpu.memory_space<vmem>> -> memref<128x64xf32, #tpu.memory_space<vmem>>
        %parallel_loop3A_396 = tpu.vector_load_idx %parallel_loop3A_395[%parallel_loop3A_390, %parallel_loop3A_387] : memref<128x64xf32, #tpu.memory_space<vmem>>[vector<16xi32>, vector<16xi32>], vector<16xf32>,
        %parallel_loop3A_397 = arith.constant 128 : i32
        %parallel_loop3A_398 = arith.muli %parallel_loop3A_383, %parallel_loop3A_397 : i32
        %parallel_loop3A_399 = arith.constant 0 : i32
        %parallel_loop3A_400 = arith.addi %parallel_loop3A_398, %parallel_loop3A_399 : i32
        %parallel_loop3A_401 = arith.constant 4 : i32
        %parallel_loop3A_402 = arith.index_cast %parallel_loop3A_401 : i32 to index
        %parallel_loop3A_403 = arith.index_cast %parallel_loop3A_380 : i32 to index
        %parallel_loop3A_404 = arith.index_cast %parallel_loop3A_400 : i32 to index
        %parallel_loop3A_405 = tpu.vector_load %arg7[%parallel_loop3A_402, %parallel_loop3A_403, %parallel_loop3A_404] {strides = array<i32>} : memref<5x8x1024xf32, #tpu.memory_space<vmem>>, vector<16xf32>,
        tpu.vector_store %arg7[%parallel_loop3A_402, %parallel_loop3A_403, %parallel_loop3A_404], %parallel_loop3A_396 {strides = array<i32>} : memref<5x8x1024xf32, #tpu.memory_space<vmem>>, vector<16xf32>,
        %parallel_loop3A_406 = arith.constant 16 : i32
        %parallel_loop3A_407 = vector.broadcast %parallel_loop3A_406 : i32 to vector<16xi32>
        %parallel_loop3A_408 = arith.addi %iota3A, %parallel_loop3A_407 : vector<16xi32>
        %parallel_loop3A_409 = arith.constant 4 : i32
        %parallel_loop3A_410 = arith.constant 0 : i32
        %parallel_loop3A_411 = arith.constant 0 : i32
        %parallel_loop3A_412 = tpu.memref_slice %arg6[%parallel_loop3A_409, %parallel_loop3A_410, %parallel_loop3A_411] : memref<5x128x64xf32, #tpu.memory_space<vmem>> -> memref<1x128x64xf32, #tpu.memory_space<vmem>>
        %parallel_loop3A_413 = tpu.memref_squeeze %parallel_loop3A_412 : memref<1x128x64xf32, #tpu.memory_space<vmem>> -> memref<128x64xf32, #tpu.memory_space<vmem>>
        %parallel_loop3A_414 = tpu.vector_load_idx %parallel_loop3A_413[%parallel_loop3A_408, %parallel_loop3A_387] : memref<128x64xf32, #tpu.memory_space<vmem>>[vector<16xi32>, vector<16xi32>], vector<16xf32>,
        %parallel_loop3A_415 = arith.constant 128 : i32
        %parallel_loop3A_416 = arith.muli %parallel_loop3A_383, %parallel_loop3A_415 : i32
        %parallel_loop3A_417 = arith.constant 16 : i32
        %parallel_loop3A_418 = arith.addi %parallel_loop3A_416, %parallel_loop3A_417 : i32
        %parallel_loop3A_419 = arith.constant 4 : i32
        %parallel_loop3A_420 = arith.index_cast %parallel_loop3A_419 : i32 to index
        %parallel_loop3A_421 = arith.index_cast %parallel_loop3A_380 : i32 to index
        %parallel_loop3A_422 = arith.index_cast %parallel_loop3A_418 : i32 to index
        %parallel_loop3A_423 = tpu.vector_load %arg7[%parallel_loop3A_420, %parallel_loop3A_421, %parallel_loop3A_422] {strides = array<i32>} : memref<5x8x1024xf32, #tpu.memory_space<vmem>>, vector<16xf32>,
        tpu.vector_store %arg7[%parallel_loop3A_420, %parallel_loop3A_421, %parallel_loop3A_422], %parallel_loop3A_414 {strides = array<i32>} : memref<5x8x1024xf32, #tpu.memory_space<vmem>>, vector<16xf32>,
        %parallel_loop3A_424 = arith.constant 32 : i32
        %parallel_loop3A_425 = vector.broadcast %parallel_loop3A_424 : i32 to vector<16xi32>
        %parallel_loop3A_426 = arith.addi %iota3A, %parallel_loop3A_425 : vector<16xi32>
        %parallel_loop3A_427 = arith.constant 4 : i32
        %parallel_loop3A_428 = arith.constant 0 : i32
        %parallel_loop3A_429 = arith.constant 0 : i32
        %parallel_loop3A_430 = tpu.memref_slice %arg6[%parallel_loop3A_427, %parallel_loop3A_428, %parallel_loop3A_429] : memref<5x128x64xf32, #tpu.memory_space<vmem>> -> memref<1x128x64xf32, #tpu.memory_space<vmem>>
        %parallel_loop3A_431 = tpu.memref_squeeze %parallel_loop3A_430 : memref<1x128x64xf32, #tpu.memory_space<vmem>> -> memref<128x64xf32, #tpu.memory_space<vmem>>
        %parallel_loop3A_432 = tpu.vector_load_idx %parallel_loop3A_431[%parallel_loop3A_426, %parallel_loop3A_387] : memref<128x64xf32, #tpu.memory_space<vmem>>[vector<16xi32>, vector<16xi32>], vector<16xf32>,
        %parallel_loop3A_433 = arith.constant 128 : i32
        %parallel_loop3A_434 = arith.muli %parallel_loop3A_383, %parallel_loop3A_433 : i32
        %parallel_loop3A_435 = arith.constant 32 : i32
        %parallel_loop3A_436 = arith.addi %parallel_loop3A_434, %parallel_loop3A_435 : i32
        %parallel_loop3A_437 = arith.constant 4 : i32
        %parallel_loop3A_438 = arith.index_cast %parallel_loop3A_437 : i32 to index
        %parallel_loop3A_439 = arith.index_cast %parallel_loop3A_380 : i32 to index
        %parallel_loop3A_440 = arith.index_cast %parallel_loop3A_436 : i32 to index
        %parallel_loop3A_441 = tpu.vector_load %arg7[%parallel_loop3A_438, %parallel_loop3A_439, %parallel_loop3A_440] {strides = array<i32>} : memref<5x8x1024xf32, #tpu.memory_space<vmem>>, vector<16xf32>,
        tpu.vector_store %arg7[%parallel_loop3A_438, %parallel_loop3A_439, %parallel_loop3A_440], %parallel_loop3A_432 {strides = array<i32>} : memref<5x8x1024xf32, #tpu.memory_space<vmem>>, vector<16xf32>,
        %parallel_loop3A_442 = arith.constant 48 : i32
        %parallel_loop3A_443 = vector.broadcast %parallel_loop3A_442 : i32 to vector<16xi32>
        %parallel_loop3A_444 = arith.addi %iota3A, %parallel_loop3A_443 : vector<16xi32>
        %parallel_loop3A_445 = arith.constant 4 : i32
        %parallel_loop3A_446 = arith.constant 0 : i32
        %parallel_loop3A_447 = arith.constant 0 : i32
        %parallel_loop3A_448 = tpu.memref_slice %arg6[%parallel_loop3A_445, %parallel_loop3A_446, %parallel_loop3A_447] : memref<5x128x64xf32, #tpu.memory_space<vmem>> -> memref<1x128x64xf32, #tpu.memory_space<vmem>>
        %parallel_loop3A_449 = tpu.memref_squeeze %parallel_loop3A_448 : memref<1x128x64xf32, #tpu.memory_space<vmem>> -> memref<128x64xf32, #tpu.memory_space<vmem>>
        %parallel_loop3A_450 = tpu.vector_load_idx %parallel_loop3A_449[%parallel_loop3A_444, %parallel_loop3A_387] : memref<128x64xf32, #tpu.memory_space<vmem>>[vector<16xi32>, vector<16xi32>], vector<16xf32>,
        %parallel_loop3A_451 = arith.constant 128 : i32
        %parallel_loop3A_452 = arith.muli %parallel_loop3A_383, %parallel_loop3A_451 : i32
        %parallel_loop3A_453 = arith.constant 48 : i32
        %parallel_loop3A_454 = arith.addi %parallel_loop3A_452, %parallel_loop3A_453 : i32
        %parallel_loop3A_455 = arith.constant 4 : i32
        %parallel_loop3A_456 = arith.index_cast %parallel_loop3A_455 : i32 to index
        %parallel_loop3A_457 = arith.index_cast %parallel_loop3A_380 : i32 to index
        %parallel_loop3A_458 = arith.index_cast %parallel_loop3A_454 : i32 to index
        %parallel_loop3A_459 = tpu.vector_load %arg7[%parallel_loop3A_456, %parallel_loop3A_457, %parallel_loop3A_458] {strides = array<i32>} : memref<5x8x1024xf32, #tpu.memory_space<vmem>>, vector<16xf32>,
        tpu.vector_store %arg7[%parallel_loop3A_456, %parallel_loop3A_457, %parallel_loop3A_458], %parallel_loop3A_450 {strides = array<i32>} : memref<5x8x1024xf32, #tpu.memory_space<vmem>>, vector<16xf32>,
        %parallel_loop3A_460 = arith.constant 64 : i32
        %parallel_loop3A_461 = vector.broadcast %parallel_loop3A_460 : i32 to vector<16xi32>
        %parallel_loop3A_462 = arith.addi %iota3A, %parallel_loop3A_461 : vector<16xi32>
        %parallel_loop3A_463 = arith.constant 4 : i32
        %parallel_loop3A_464 = arith.constant 0 : i32
        %parallel_loop3A_465 = arith.constant 0 : i32
        %parallel_loop3A_466 = tpu.memref_slice %arg6[%parallel_loop3A_463, %parallel_loop3A_464, %parallel_loop3A_465] : memref<5x128x64xf32, #tpu.memory_space<vmem>> -> memref<1x128x64xf32, #tpu.memory_space<vmem>>
        %parallel_loop3A_467 = tpu.memref_squeeze %parallel_loop3A_466 : memref<1x128x64xf32, #tpu.memory_space<vmem>> -> memref<128x64xf32, #tpu.memory_space<vmem>>
        %parallel_loop3A_468 = tpu.vector_load_idx %parallel_loop3A_467[%parallel_loop3A_462, %parallel_loop3A_387] : memref<128x64xf32, #tpu.memory_space<vmem>>[vector<16xi32>, vector<16xi32>], vector<16xf32>,
        %parallel_loop3A_469 = arith.constant 128 : i32
        %parallel_loop3A_470 = arith.muli %parallel_loop3A_383, %parallel_loop3A_469 : i32
        %parallel_loop3A_471 = arith.constant 64 : i32
        %parallel_loop3A_472 = arith.addi %parallel_loop3A_470, %parallel_loop3A_471 : i32
        %parallel_loop3A_473 = arith.constant 4 : i32
        %parallel_loop3A_474 = arith.index_cast %parallel_loop3A_473 : i32 to index
        %parallel_loop3A_475 = arith.index_cast %parallel_loop3A_380 : i32 to index
        %parallel_loop3A_476 = arith.index_cast %parallel_loop3A_472 : i32 to index
        %parallel_loop3A_477 = tpu.vector_load %arg7[%parallel_loop3A_474, %parallel_loop3A_475, %parallel_loop3A_476] {strides = array<i32>} : memref<5x8x1024xf32, #tpu.memory_space<vmem>>, vector<16xf32>,
        tpu.vector_store %arg7[%parallel_loop3A_474, %parallel_loop3A_475, %parallel_loop3A_476], %parallel_loop3A_468 {strides = array<i32>} : memref<5x8x1024xf32, #tpu.memory_space<vmem>>, vector<16xf32>,
        %parallel_loop3A_478 = arith.constant 80 : i32
        %parallel_loop3A_479 = vector.broadcast %parallel_loop3A_478 : i32 to vector<16xi32>
        %parallel_loop3A_480 = arith.addi %iota3A, %parallel_loop3A_479 : vector<16xi32>
        %parallel_loop3A_481 = arith.constant 4 : i32
        %parallel_loop3A_482 = arith.constant 0 : i32
        %parallel_loop3A_483 = arith.constant 0 : i32
        %parallel_loop3A_484 = tpu.memref_slice %arg6[%parallel_loop3A_481, %parallel_loop3A_482, %parallel_loop3A_483] : memref<5x128x64xf32, #tpu.memory_space<vmem>> -> memref<1x128x64xf32, #tpu.memory_space<vmem>>
        %parallel_loop3A_485 = tpu.memref_squeeze %parallel_loop3A_484 : memref<1x128x64xf32, #tpu.memory_space<vmem>> -> memref<128x64xf32, #tpu.memory_space<vmem>>
        %parallel_loop3A_486 = tpu.vector_load_idx %parallel_loop3A_485[%parallel_loop3A_480, %parallel_loop3A_387] : memref<128x64xf32, #tpu.memory_space<vmem>>[vector<16xi32>, vector<16xi32>], vector<16xf32>,
        %parallel_loop3A_487 = arith.constant 128 : i32
        %parallel_loop3A_488 = arith.muli %parallel_loop3A_383, %parallel_loop3A_487 : i32
        %parallel_loop3A_489 = arith.constant 80 : i32
        %parallel_loop3A_490 = arith.addi %parallel_loop3A_488, %parallel_loop3A_489 : i32
        %parallel_loop3A_491 = arith.constant 4 : i32
        %parallel_loop3A_492 = arith.index_cast %parallel_loop3A_491 : i32 to index
        %parallel_loop3A_493 = arith.index_cast %parallel_loop3A_380 : i32 to index
        %parallel_loop3A_494 = arith.index_cast %parallel_loop3A_490 : i32 to index
        %parallel_loop3A_495 = tpu.vector_load %arg7[%parallel_loop3A_492, %parallel_loop3A_493, %parallel_loop3A_494] {strides = array<i32>} : memref<5x8x1024xf32, #tpu.memory_space<vmem>>, vector<16xf32>,
        tpu.vector_store %arg7[%parallel_loop3A_492, %parallel_loop3A_493, %parallel_loop3A_494], %parallel_loop3A_486 {strides = array<i32>} : memref<5x8x1024xf32, #tpu.memory_space<vmem>>, vector<16xf32>,
        %parallel_loop3A_496 = arith.constant 96 : i32
        %parallel_loop3A_497 = vector.broadcast %parallel_loop3A_496 : i32 to vector<16xi32>
        %parallel_loop3A_498 = arith.addi %iota3A, %parallel_loop3A_497 : vector<16xi32>
        %parallel_loop3A_499 = arith.constant 4 : i32
        %parallel_loop3A_500 = arith.constant 0 : i32
        %parallel_loop3A_501 = arith.constant 0 : i32
        %parallel_loop3A_502 = tpu.memref_slice %arg6[%parallel_loop3A_499, %parallel_loop3A_500, %parallel_loop3A_501] : memref<5x128x64xf32, #tpu.memory_space<vmem>> -> memref<1x128x64xf32, #tpu.memory_space<vmem>>
        %parallel_loop3A_503 = tpu.memref_squeeze %parallel_loop3A_502 : memref<1x128x64xf32, #tpu.memory_space<vmem>> -> memref<128x64xf32, #tpu.memory_space<vmem>>
        %parallel_loop3A_504 = tpu.vector_load_idx %parallel_loop3A_503[%parallel_loop3A_498, %parallel_loop3A_387] : memref<128x64xf32, #tpu.memory_space<vmem>>[vector<16xi32>, vector<16xi32>], vector<16xf32>,
        %parallel_loop3A_505 = arith.constant 128 : i32
        %parallel_loop3A_506 = arith.muli %parallel_loop3A_383, %parallel_loop3A_505 : i32
        %parallel_loop3A_507 = arith.constant 96 : i32
        %parallel_loop3A_508 = arith.addi %parallel_loop3A_506, %parallel_loop3A_507 : i32
        %parallel_loop3A_509 = arith.constant 4 : i32
        %parallel_loop3A_510 = arith.index_cast %parallel_loop3A_509 : i32 to index
        %parallel_loop3A_511 = arith.index_cast %parallel_loop3A_380 : i32 to index
        %parallel_loop3A_512 = arith.index_cast %parallel_loop3A_508 : i32 to index
        %parallel_loop3A_513 = tpu.vector_load %arg7[%parallel_loop3A_510, %parallel_loop3A_511, %parallel_loop3A_512] {strides = array<i32>} : memref<5x8x1024xf32, #tpu.memory_space<vmem>>, vector<16xf32>,
        tpu.vector_store %arg7[%parallel_loop3A_510, %parallel_loop3A_511, %parallel_loop3A_512], %parallel_loop3A_504 {strides = array<i32>} : memref<5x8x1024xf32, #tpu.memory_space<vmem>>, vector<16xf32>,
        %parallel_loop3A_514 = arith.constant 112 : i32
        %parallel_loop3A_515 = vector.broadcast %parallel_loop3A_514 : i32 to vector<16xi32>
        %parallel_loop3A_516 = arith.addi %iota3A, %parallel_loop3A_515 : vector<16xi32>
        %parallel_loop3A_517 = arith.constant 4 : i32
        %parallel_loop3A_518 = arith.constant 0 : i32
        %parallel_loop3A_519 = arith.constant 0 : i32
        %parallel_loop3A_520 = tpu.memref_slice %arg6[%parallel_loop3A_517, %parallel_loop3A_518, %parallel_loop3A_519] : memref<5x128x64xf32, #tpu.memory_space<vmem>> -> memref<1x128x64xf32, #tpu.memory_space<vmem>>
        %parallel_loop3A_521 = tpu.memref_squeeze %parallel_loop3A_520 : memref<1x128x64xf32, #tpu.memory_space<vmem>> -> memref<128x64xf32, #tpu.memory_space<vmem>>
        %parallel_loop3A_522 = tpu.vector_load_idx %parallel_loop3A_521[%parallel_loop3A_516, %parallel_loop3A_387] : memref<128x64xf32, #tpu.memory_space<vmem>>[vector<16xi32>, vector<16xi32>], vector<16xf32>,
        %parallel_loop3A_523 = arith.constant 128 : i32
        %parallel_loop3A_524 = arith.muli %parallel_loop3A_383, %parallel_loop3A_523 : i32
        %parallel_loop3A_525 = arith.constant 112 : i32
        %parallel_loop3A_526 = arith.addi %parallel_loop3A_524, %parallel_loop3A_525 : i32
        %parallel_loop3A_527 = arith.constant 4 : i32
        %parallel_loop3A_528 = arith.index_cast %parallel_loop3A_527 : i32 to index
        %parallel_loop3A_529 = arith.index_cast %parallel_loop3A_380 : i32 to index
        %parallel_loop3A_530 = arith.index_cast %parallel_loop3A_526 : i32 to index
        %parallel_loop3A_531 = tpu.vector_load %arg7[%parallel_loop3A_528, %parallel_loop3A_529, %parallel_loop3A_530] {strides = array<i32>} : memref<5x8x1024xf32, #tpu.memory_space<vmem>>, vector<16xf32>,
        tpu.vector_store %arg7[%parallel_loop3A_528, %parallel_loop3A_529, %parallel_loop3A_530], %parallel_loop3A_522 {strides = array<i32>} : memref<5x8x1024xf32, #tpu.memory_space<vmem>>, vector<16xf32>,
      } {sc.loop_unroll_factor = 4 : i64, sc.parallel_access}
      %dma_start3A_339 = arith.constant 4 : i32
      %dma_start3A_340 = arith.constant 0 : i32
      %dma_start3A_341 = arith.constant 0 : i32
      %dma_start3A_342 = tpu.memref_slice %arg7[%dma_start3A_339, %dma_start3A_340, %dma_start3A_341] : memref<5x8x1024xf32, #tpu.memory_space<vmem>> -> memref<1x8x1024xf32, #tpu.memory_space<vmem>>
      %dma_start3A_343 = tpu.memref_squeeze %dma_start3A_342 : memref<1x8x1024xf32, #tpu.memory_space<vmem>> -> memref<8x1024xf32, #tpu.memory_space<vmem>>
      %dma_start3A_344 = arith.constant 0 : i32
      %dma_start3A_345 = arith.constant 0 : i32
      %dma_start3A_346 = tpu.memref_slice %arg4[%add3A_312, %dma_start3A_344, %add3A, %dma_start3A_345] : memref<50x8x32x1024xf32, #tpu.memory_space<hbm>> -> memref<1x8x1x1024xf32, #tpu.memory_space<hbm>>
      %dma_start3A_347 = tpu.memref_squeeze %dma_start3A_346 : memref<1x8x1x1024xf32, #tpu.memory_space<hbm>> -> memref<8x1024xf32, #tpu.memory_space<hbm>>
      %dma_start3A_348 = arith.constant 0 : i32
      %dma_start3A_349 = arith.constant 0 : i32
      %dma_start3A_350 = tpu.memref_slice %arg4[%add3A_312, %dma_start3A_348, %add3A, %dma_start3A_349] : memref<50x8x32x1024xf32, #tpu.memory_space<hbm>> -> memref<1x8x1x1024xf32, #tpu.memory_space<hbm>>
      %dma_start3A_351 = tpu.memref_squeeze %dma_start3A_350 : memref<1x8x1x1024xf32, #tpu.memory_space<hbm>> -> memref<8x1024xf32, #tpu.memory_space<hbm>>
      %dma_start3A_352 = arith.constant 0 : i32
      %dma_start3A_353 = arith.constant 0 : i32
      %dma_start3A_354 = tpu.memref_slice %arg7[%dma_start3A_339, %dma_start3A_352, %dma_start3A_353] : memref<5x8x1024xf32, #tpu.memory_space<vmem>> -> memref<1x8x1024xf32, #tpu.memory_space<vmem>>
      %dma_start3A_355 = tpu.memref_squeeze %dma_start3A_354 : memref<1x8x1024xf32, #tpu.memory_space<vmem>> -> memref<8x1024xf32, #tpu.memory_space<vmem>>
      tpu.enqueue_dma source(%dma_start3A_355 : memref<8x1024xf32, #tpu.memory_space<vmem>>) target(%dma_start3A_351 : memref<8x1024xf32, #tpu.memory_space<hbm>>) target_semaphore(%arg9 : memref<!tpu.dma_semaphore, #tpu.memory_space<semaphore_mem>>)
    }
    %scan3A_41 = arith.constant 10 : i32
    %dma_wait3A = arith.constant 0 : i32
    %dma_wait3A_42 = arith.constant 0 : i32
    %dma_wait3A_43 = arith.constant 0 : i32
    %dma_wait3A_44 = arith.constant 0 : i32
    %dma_wait3A_45 = tpu.memref_slice %arg7[%dma_wait3A, %dma_wait3A_43, %dma_wait3A_44] : memref<5x8x1024xf32, #tpu.memory_space<vmem>> -> memref<1x8x1024xf32, #tpu.memory_space<vmem>>
    %dma_wait3A_46 = tpu.memref_squeeze %dma_wait3A_45 : memref<1x8x1024xf32, #tpu.memory_space<vmem>> -> memref<8x1024xf32, #tpu.memory_space<vmem>>
    %dma_wait3A_47 = arith.constant 0 : i32
    %dma_wait3A_48 = arith.constant 0 : i32
    %dma_wait3A_49 = tpu.memref_slice %arg4[%dma_wait3A_42, %dma_wait3A_47, %add3A, %dma_wait3A_48] : memref<50x8x32x1024xf32, #tpu.memory_space<hbm>> -> memref<1x8x1x1024xf32, #tpu.memory_space<hbm>>
    %dma_wait3A_50 = tpu.memref_squeeze %dma_wait3A_49 : memref<1x8x1x1024xf32, #tpu.memory_space<hbm>> -> memref<8x1024xf32, #tpu.memory_space<hbm>>
    %dma_wait3A_51 = arith.constant 0 : i32
    %dma_wait3A_52 = arith.constant 0 : i32
    %dma_wait3A_53 = tpu.memref_slice %arg4[%dma_wait3A_42, %dma_wait3A_51, %add3A, %dma_wait3A_52] : memref<50x8x32x1024xf32, #tpu.memory_space<hbm>> -> memref<1x8x1x1024xf32, #tpu.memory_space<hbm>>
    %dma_wait3A_54 = tpu.memref_squeeze %dma_wait3A_53 : memref<1x8x1x1024xf32, #tpu.memory_space<hbm>> -> memref<8x1024xf32, #tpu.memory_space<hbm>>
    %dma_wait3A_55 = arith.constant 0 : i32
    %dma_wait3A_56 = arith.constant 0 : i32
    %dma_wait3A_57 = tpu.memref_slice %arg7[%dma_wait3A, %dma_wait3A_55, %dma_wait3A_56] : memref<5x8x1024xf32, #tpu.memory_space<vmem>> -> memref<1x8x1024xf32, #tpu.memory_space<vmem>>
    %dma_wait3A_58 = tpu.memref_squeeze %dma_wait3A_57 : memref<1x8x1024xf32, #tpu.memory_space<vmem>> -> memref<8x1024xf32, #tpu.memory_space<vmem>>
    tpu.wait_dma2 semaphore(%arg9 : memref<!tpu.dma_semaphore, #tpu.memory_space<semaphore_mem>>) src(%dma_wait3A_58 : memref<8x1024xf32, #tpu.memory_space<vmem>>) dst(%dma_wait3A_54 : memref<8x1024xf32, #tpu.memory_space<hbm>>)
    %dma_wait3A_59 = arith.constant 1 : i32
    %dma_wait3A_60 = arith.constant 0 : i32
    %dma_wait3A_61 = arith.constant 0 : i32
    %dma_wait3A_62 = arith.constant 0 : i32
    %dma_wait3A_63 = tpu.memref_slice %arg7[%dma_wait3A_59, %dma_wait3A_61, %dma_wait3A_62] : memref<5x8x1024xf32, #tpu.memory_space<vmem>> -> memref<1x8x1024xf32, #tpu.memory_space<vmem>>
    %dma_wait3A_64 = tpu.memref_squeeze %dma_wait3A_63 : memref<1x8x1024xf32, #tpu.memory_space<vmem>> -> memref<8x1024xf32, #tpu.memory_space<vmem>>
    %dma_wait3A_65 = arith.constant 0 : i32
    %dma_wait3A_66 = arith.constant 0 : i32
    %dma_wait3A_67 = tpu.memref_slice %arg4[%dma_wait3A_60, %dma_wait3A_65, %add3A, %dma_wait3A_66] : memref<50x8x32x1024xf32, #tpu.memory_space<hbm>> -> memref<1x8x1x1024xf32, #tpu.memory_space<hbm>>
    %dma_wait3A_68 = tpu.memref_squeeze %dma_wait3A_67 : memref<1x8x1x1024xf32, #tpu.memory_space<hbm>> -> memref<8x1024xf32, #tpu.memory_space<hbm>>
    %dma_wait3A_69 = arith.constant 0 : i32
    %dma_wait3A_70 = arith.constant 0 : i32
    %dma_wait3A_71 = tpu.memref_slice %arg4[%dma_wait3A_60, %dma_wait3A_69, %add3A, %dma_wait3A_70] : memref<50x8x32x1024xf32, #tpu.memory_space<hbm>> -> memref<1x8x1x1024xf32, #tpu.memory_space<hbm>>
    %dma_wait3A_72 = tpu.memref_squeeze %dma_wait3A_71 : memref<1x8x1x1024xf32, #tpu.memory_space<hbm>> -> memref<8x1024xf32, #tpu.memory_space<hbm>>
    %dma_wait3A_73 = arith.constant 0 : i32
    %dma_wait3A_74 = arith.constant 0 : i32
    %dma_wait3A_75 = tpu.memref_slice %arg7[%dma_wait3A_59, %dma_wait3A_73, %dma_wait3A_74] : memref<5x8x1024xf32, #tpu.memory_space<vmem>> -> memref<1x8x1024xf32, #tpu.memory_space<vmem>>
    %dma_wait3A_76 = tpu.memref_squeeze %dma_wait3A_75 : memref<1x8x1024xf32, #tpu.memory_space<vmem>> -> memref<8x1024xf32, #tpu.memory_space<vmem>>
    tpu.wait_dma2 semaphore(%arg9 : memref<!tpu.dma_semaphore, #tpu.memory_space<semaphore_mem>>) src(%dma_wait3A_76 : memref<8x1024xf32, #tpu.memory_space<vmem>>) dst(%dma_wait3A_72 : memref<8x1024xf32, #tpu.memory_space<hbm>>)
    %dma_wait3A_77 = arith.constant 2 : i32
    %dma_wait3A_78 = arith.constant 0 : i32
    %dma_wait3A_79 = arith.constant 0 : i32
    %dma_wait3A_80 = arith.constant 0 : i32
    %dma_wait3A_81 = tpu.memref_slice %arg7[%dma_wait3A_77, %dma_wait3A_79, %dma_wait3A_80] : memref<5x8x1024xf32, #tpu.memory_space<vmem>> -> memref<1x8x1024xf32, #tpu.memory_space<vmem>>
    %dma_wait3A_82 = tpu.memref_squeeze %dma_wait3A_81 : memref<1x8x1024xf32, #tpu.memory_space<vmem>> -> memref<8x1024xf32, #tpu.memory_space<vmem>>
    %dma_wait3A_83 = arith.constant 0 : i32
    %dma_wait3A_84 = arith.constant 0 : i32
    %dma_wait3A_85 = tpu.memref_slice %arg4[%dma_wait3A_78, %dma_wait3A_83, %add3A, %dma_wait3A_84] : memref<50x8x32x1024xf32, #tpu.memory_space<hbm>> -> memref<1x8x1x1024xf32, #tpu.memory_space<hbm>>
    %dma_wait3A_86 = tpu.memref_squeeze %dma_wait3A_85 : memref<1x8x1x1024xf32, #tpu.memory_space<hbm>> -> memref<8x1024xf32, #tpu.memory_space<hbm>>
    %dma_wait3A_87 = arith.constant 0 : i32
    %dma_wait3A_88 = arith.constant 0 : i32
    %dma_wait3A_89 = tpu.memref_slice %arg4[%dma_wait3A_78, %dma_wait3A_87, %add3A, %dma_wait3A_88] : memref<50x8x32x1024xf32, #tpu.memory_space<hbm>> -> memref<1x8x1x1024xf32, #tpu.memory_space<hbm>>
    %dma_wait3A_90 = tpu.memref_squeeze %dma_wait3A_89 : memref<1x8x1x1024xf32, #tpu.memory_space<hbm>> -> memref<8x1024xf32, #tpu.memory_space<hbm>>
    %dma_wait3A_91 = arith.constant 0 : i32
    %dma_wait3A_92 = arith.constant 0 : i32
    %dma_wait3A_93 = tpu.memref_slice %arg7[%dma_wait3A_77, %dma_wait3A_91, %dma_wait3A_92] : memref<5x8x1024xf32, #tpu.memory_space<vmem>> -> memref<1x8x1024xf32, #tpu.memory_space<vmem>>
    %dma_wait3A_94 = tpu.memref_squeeze %dma_wait3A_93 : memref<1x8x1024xf32, #tpu.memory_space<vmem>> -> memref<8x1024xf32, #tpu.memory_space<vmem>>
    tpu.wait_dma2 semaphore(%arg9 : memref<!tpu.dma_semaphore, #tpu.memory_space<semaphore_mem>>) src(%dma_wait3A_94 : memref<8x1024xf32, #tpu.memory_space<vmem>>) dst(%dma_wait3A_90 : memref<8x1024xf32, #tpu.memory_space<hbm>>)
    %dma_wait3A_95 = arith.constant 3 : i32
    %dma_wait3A_96 = arith.constant 0 : i32
    %dma_wait3A_97 = arith.constant 0 : i32
    %dma_wait3A_98 = arith.constant 0 : i32
    %dma_wait3A_99 = tpu.memref_slice %arg7[%dma_wait3A_95, %dma_wait3A_97, %dma_wait3A_98] : memref<5x8x1024xf32, #tpu.memory_space<vmem>> -> memref<1x8x1024xf32, #tpu.memory_space<vmem>>
    %dma_wait3A_100 = tpu.memref_squeeze %dma_wait3A_99 : memref<1x8x1024xf32, #tpu.memory_space<vmem>> -> memref<8x1024xf32, #tpu.memory_space<vmem>>
    %dma_wait3A_101 = arith.constant 0 : i32
    %dma_wait3A_102 = arith.constant 0 : i32
    %dma_wait3A_103 = tpu.memref_slice %arg4[%dma_wait3A_96, %dma_wait3A_101, %add3A, %dma_wait3A_102] : memref<50x8x32x1024xf32, #tpu.memory_space<hbm>> -> memref<1x8x1x1024xf32, #tpu.memory_space<hbm>>
    %dma_wait3A_104 = tpu.memref_squeeze %dma_wait3A_103 : memref<1x8x1x1024xf32, #tpu.memory_space<hbm>> -> memref<8x1024xf32, #tpu.memory_space<hbm>>
    %dma_wait3A_105 = arith.constant 0 : i32
    %dma_wait3A_106 = arith.constant 0 : i32
    %dma_wait3A_107 = tpu.memref_slice %arg4[%dma_wait3A_96, %dma_wait3A_105, %add3A, %dma_wait3A_106] : memref<50x8x32x1024xf32, #tpu.memory_space<hbm>> -> memref<1x8x1x1024xf32, #tpu.memory_space<hbm>>
    %dma_wait3A_108 = tpu.memref_squeeze %dma_wait3A_107 : memref<1x8x1x1024xf32, #tpu.memory_space<hbm>> -> memref<8x1024xf32, #tpu.memory_space<hbm>>
    %dma_wait3A_109 = arith.constant 0 : i32
    %dma_wait3A_110 = arith.constant 0 : i32
    %dma_wait3A_111 = tpu.memref_slice %arg7[%dma_wait3A_95, %dma_wait3A_109, %dma_wait3A_110] : memref<5x8x1024xf32, #tpu.memory_space<vmem>> -> memref<1x8x1024xf32, #tpu.memory_space<vmem>>
    %dma_wait3A_112 = tpu.memref_squeeze %dma_wait3A_111 : memref<1x8x1024xf32, #tpu.memory_space<vmem>> -> memref<8x1024xf32, #tpu.memory_space<vmem>>
    tpu.wait_dma2 semaphore(%arg9 : memref<!tpu.dma_semaphore, #tpu.memory_space<semaphore_mem>>) src(%dma_wait3A_112 : memref<8x1024xf32, #tpu.memory_space<vmem>>) dst(%dma_wait3A_108 : memref<8x1024xf32, #tpu.memory_space<hbm>>)
    %dma_wait3A_113 = arith.constant 4 : i32
    %dma_wait3A_114 = arith.constant 0 : i32
    %dma_wait3A_115 = arith.constant 0 : i32
    %dma_wait3A_116 = arith.constant 0 : i32
    %dma_wait3A_117 = tpu.memref_slice %arg7[%dma_wait3A_113, %dma_wait3A_115, %dma_wait3A_116] : memref<5x8x1024xf32, #tpu.memory_space<vmem>> -> memref<1x8x1024xf32, #tpu.memory_space<vmem>>
    %dma_wait3A_118 = tpu.memref_squeeze %dma_wait3A_117 : memref<1x8x1024xf32, #tpu.memory_space<vmem>> -> memref<8x1024xf32, #tpu.memory_space<vmem>>
    %dma_wait3A_119 = arith.constant 0 : i32
    %dma_wait3A_120 = arith.constant 0 : i32
    %dma_wait3A_121 = tpu.memref_slice %arg4[%dma_wait3A_114, %dma_wait3A_119, %add3A, %dma_wait3A_120] : memref<50x8x32x1024xf32, #tpu.memory_space<hbm>> -> memref<1x8x1x1024xf32, #tpu.memory_space<hbm>>
    %dma_wait3A_122 = tpu.memref_squeeze %dma_wait3A_121 : memref<1x8x1x1024xf32, #tpu.memory_space<hbm>> -> memref<8x1024xf32, #tpu.memory_space<hbm>>
    %dma_wait3A_123 = arith.constant 0 : i32
    %dma_wait3A_124 = arith.constant 0 : i32
    %dma_wait3A_125 = tpu.memref_slice %arg4[%dma_wait3A_114, %dma_wait3A_123, %add3A, %dma_wait3A_124] : memref<50x8x32x1024xf32, #tpu.memory_space<hbm>> -> memref<1x8x1x1024xf32, #tpu.memory_space<hbm>>
    %dma_wait3A_126 = tpu.memref_squeeze %dma_wait3A_125 : memref<1x8x1x1024xf32, #tpu.memory_space<hbm>> -> memref<8x1024xf32, #tpu.memory_space<hbm>>
    %dma_wait3A_127 = arith.constant 0 : i32
    %dma_wait3A_128 = arith.constant 0 : i32
    %dma_wait3A_129 = tpu.memref_slice %arg7[%dma_wait3A_113, %dma_wait3A_127, %dma_wait3A_128] : memref<5x8x1024xf32, #tpu.memory_space<vmem>> -> memref<1x8x1024xf32, #tpu.memory_space<vmem>>
    %dma_wait3A_130 = tpu.memref_squeeze %dma_wait3A_129 : memref<1x8x1024xf32, #tpu.memory_space<vmem>> -> memref<8x1024xf32, #tpu.memory_space<vmem>>
    tpu.wait_dma2 semaphore(%arg9 : memref<!tpu.dma_semaphore, #tpu.memory_space<semaphore_mem>>) src(%dma_wait3A_130 : memref<8x1024xf32, #tpu.memory_space<vmem>>) dst(%dma_wait3A_126 : memref<8x1024xf32, #tpu.memory_space<hbm>>)
    return
  }
}

</mosaic_0001>

<sc_bundles>
// kernel: _sc_gather.3.cloned.1.call-start
scs
__scs_entry_jumppad:
0x0: {  	(pc) =	sbr.rel $0x88, $3  }
0x1: {  	(tag) =	ssettag $0x0;
	lr =	simm.s32 $0x1  }
0x2: {  	[smem:$0x3F9F] =	sst lr;
	_ =	strace $0xD0000000  }
0x3: {  	_ = 	snop  }
0x4: {  	_ = 	snop  }
0x5: {  	_ = 	snop  }
0x6: {  	_ = 	snop  }
0x7: {  	_ = 	snop  }
__scs_overlays_trampoline_lowered:
0x8: {  	[smem:$0x3FAE] =	sst s0  }
0x9: {  	[smem:$0x3FAF] =	sst s1  }
0xa: {  	[smem:$0x3FB0] =	sst s2  }
0xb: {  	[smem:$0x3FB1] =	sst s3  }
0xc: {  	[smem:$0x3FB2] =	sst s4  }
0xd: {  	[smem:$0x3FB3] =	sst s5  }
0xe: {  	[smem:$0x3FB4] =	sst s6  }
0xf: {  	[smem:$0x3FB5] =	sst s7  }
0x10: {  	[smem:$0x3FB6] =	sst s8  }
0x11: {  	[smem:$0x3FB7] =	sst s9;
	s0 =	simm.s32 @!p0 $0x0  }
0x12: {  	s1 =	sld [smem:$0x3F9D];
	s0 =	simm.s32 @p0 $0x1  }
0x13: {  	[smem:$0x3FB8] =	sst s0;
	s0 =	simm.s32 @!p1 $0x0  }
0x14: {  	s2 =	sld [smem:$0x3F9C];
	s0 =	simm.s32 @p1 $0x1  }
0x15: {  	[smem:$0x3FB9] =	sst s0;
	s0 =	simm.s32 @!p2 $0x0  }
0x16: {  	s3 =	sld [smem:$0x3FDB];
	s0 =	simm.s32 @p2 $0x1  }
0x17: {  	s4 =	simm.s32 $0x1BF5;
	[smem:$0x3FBB] =	sst s0  }
0x18: {  	s0 =	sld [smem:$0x3F9E];
	_ =	swait.ge [sflag:s4], $0x0  }
0x19: {  	s7 =	sld [smem:$0x3F9F]  }
0x1a: {  	s8 =	sadd.s32 $0xFFFFE003, lr  }
0x1b: {  	s9 =	sadd.s32 $0xFFFFFEF7, lr;
	s5 =	simm.s32 $0xFFFFFFFF;
	p2 =	slt.u32 s8, $0xFFFFF086  }
0x1c: {  	p1 =	slt.u32 s9, $0xF7A;
	s5 =	simm.s32 @!p2 $0x0  }
0x1d: {  	s5 =	simm.s32 @p1 $0x1;
	p0 =	seq.s32 s7, s2  }
0x1e: {  	s7 =	smul.u32 @!p0 $0xF7A, s2;
	p2 =	seq.s32 @!p0 s5, $0x0  }
0x1f: {  	s9 =	smul.u32 $0xF7A, s1;
	s8 =	simm.s32 @!p0 $0x1BF5;
	p2 =	por !p2, p0  }
0x20: {  	[sflag:s8] =	ssyncset.s32 @!p0 $0xFFFFF086;
	s6 =	sadd.s32 @!p0 s3, s7;
	s7 =	simm.s32 @!p0 $0x108  }
0x21: {  	s3 =	sadd.s32 s3, s9;
	s6 =	sadd.s32 @!p0 $0x88, s6;
	s7 =	simm.s32 @p2 $0x1082  }
0x22: {  	[simem:s7], [sflag:s8] =	dma.local @!p0 [hbm:s6], $0xF7A  }
0x23: {  	s9 =	sor.u32 $0xD0000000, s2;
	s6 =	simm.s32 $0x108;
	_ =	swait.ge @!p0 [sflag:s8], $0x0  }
0x24: {  	s3 =	sadd.s32 $0x88, s3;
	s6 =	simm.s32 @!p1 $0x1082;
	[sflag:s4] =	ssyncset.s32 $0xFFFFF086  }
0x25: {  	[simem:s6], [sflag:s4] =	dma.local [hbm:s3], $0xF7A  }
0x26: {  	[smem:$0x3F9F] =	sst s1;
	(tag) =	ssettag s2;
	_ =	strace s9  }
0x27: {  	s1 =	sld [smem:$0x3FAF]  }
0x28: {  	s2 =	sld [smem:$0x3FB0]  }
0x29: {  	s4 =	sld [smem:$0x3FB2]  }
0x2a: {  	p0 =	seq.s32 s5, $0x0;
	s5 =	sld [smem:$0x3FB3]  }
0x2b: {  	s6 =	sld [smem:$0x3FB4]  }
0x2c: {  	s7 =	sld [smem:$0x3FB5]  }
0x2d: {  	s3 =	simm.s32 $0x108;
	s8 =	sld [smem:$0x3FB6]  }
0x2e: {  	s3 =	simm.s32 @!p0 $0x1082;
	s9 =	sld [smem:$0x3FB7]  }
0x2f: {  	lr =	sadd.s32 s0, s3;
	s0 =	sld [smem:$0x3FAE]  }
0x30: {  	s3 =	sld [smem:$0x3FB1]  }
0x31: {  	[smem:$0x3FBA] =	sst s10  }
0x32: {  	s10 =	sld [smem:$0x3FB8];
	_ =	sdelay $0x3  }
0x33: {  	p0 =	seq.s32 s10, $0x1;
	s10 =	sld [smem:$0x3FBA];
	_ =	sdelay $0x3  }
0x34: {  	[smem:$0x3FBA] =	sst s10  }
0x35: {  	s10 =	sld [smem:$0x3FB9];
	_ =	sdelay $0x3  }
0x36: {  	p1 =	seq.s32 s10, $0x1;
	s10 =	sld [smem:$0x3FBA];
	_ =	sdelay $0x3  }
0x37: {  	[smem:$0x3FBA] =	sst s10  }
0x38: {  	s10 =	sld [smem:$0x3FBB]  }
0x39: {  	_ = 	snop;
	(pc) =	sbr.ind lr, $3  }
0x3a: {  	_ = 	snop  }
0x3b: {  	_ = 	snop  }
0x3c: {  	p2 =	seq.s32 s10, $0x1;
	s10 =	sld [smem:$0x3FBA]  }
0x3d: {  	_ =	shalt  }
0x3e: {  	_ =	shalt  }
0x3f: {  	_ =	shalt  }
0x40: {  	_ =	shalt  }
0x41: {  	_ =	shalt  }
0x42: {  	_ =	shalt  }
0x43: {  	_ =	shalt  }
0x44: {  	_ =	shalt  }
0x45: {  	_ =	shalt  }
0x46: {  	_ =	shalt  }
0x47: {  	_ =	shalt  }
0x48: {  	_ =	shalt  }
0x49: {  	_ =	shalt  }
0x4a: {  	_ =	shalt  }
0x4b: {  	_ =	shalt  }
0x4c: {  	_ =	shalt  }
0x4d: {  	_ =	shalt  }
0x4e: {  	_ =	shalt  }
0x4f: {  	_ =	shalt  }
0x50: {  	_ =	shalt  }
0x51: {  	_ =	shalt  }
0x52: {  	_ =	shalt  }
0x53: {  	_ =	shalt  }
0x54: {  	_ =	shalt  }
0x55: {  	_ =	shalt  }
0x56: {  	_ =	shalt  }
0x57: {  	_ =	shalt  }
0x58: {  	_ =	shalt  }
0x59: {  	_ =	shalt  }
0x5a: {  	_ =	shalt  }
0x5b: {  	_ =	shalt  }
0x5c: {  	_ =	shalt  }
0x5d: {  	_ =	shalt  }
0x5e: {  	_ =	shalt  }
0x5f: {  	_ =	shalt  }
0x60: {  	_ =	shalt  }
0x61: {  	_ =	shalt  }
0x62: {  	_ =	shalt  }
0x63: {  	_ =	shalt  }
0x64: {  	_ =	shalt  }
0x65: {  	_ =	shalt  }
0x66: {  	_ =	shalt  }
0x67: {  	_ =	shalt  }
0x68: {  	_ =	shalt  }
0x69: {  	_ =	shalt  }
0x6a: {  	_ =	shalt  }
0x6b: {  	_ =	shalt  }
0x6c: {  	_ =	shalt  }
0x6d: {  	_ =	shalt  }
0x6e: {  	_ =	shalt  }
0x6f: {  	_ =	shalt  }
0x70: {  	_ =	shalt  }
0x71: {  	_ =	shalt  }
0x72: {  	_ =	shalt  }
0x73: {  	_ =	shalt  }
0x74: {  	_ =	shalt  }
0x75: {  	_ =	shalt  }
0x76: {  	_ =	shalt  }
0x77: {  	_ =	shalt  }
0x78: {  	_ =	shalt  }
0x79: {  	_ =	shalt  }
0x7a: {  	_ =	shalt  }
0x7b: {  	_ =	shalt  }
0x7c: {  	_ =	shalt  }
0x7d: {  	_ =	shalt  }
0x7e: {  	_ =	shalt  }
0x7f: {  	_ =	shalt  }
0x80: {  	_ =	shalt  }
0x81: {  	_ =	shalt  }
0x82: {  	_ =	shalt  }
0x83: {  	_ =	shalt  }
0x84: {  	_ =	shalt  }
0x85: {  	_ =	shalt  }
0x86: {  	_ =	shalt  }
0x87: {  	_ =	shalt  }
.Lfunc_end0:
.L_simem_size_0:
called_computation_lowered:
.L_overlay_start_0:
0x88: {  	s2 =	sld [smem:$0x3FD9]  }
0x89: {  	s3 =	sld [smem:$0x3FFE];
	_ =	sdelay $0x1  }
0x8a: {  	s1 =	srdreg.scid  }
0x8b: {  	s0 =	sand.u32 $0x1, s1  }
0x8c: {  	s17 =	sshll.u32 s0, $0xA;
	s2 =	sadd.s32 s3, s2  }
0x8d: {  	s2 =	sadd.s32 s2, s17  }
0x8e: {  	[smem:$0x3FC6] =	sst s2  }
0x8f: {  	_ = 	snop  }
0x90: {  	s2 =	sld [smem:$0x3FD0];
	(tm) =	ssettm $0x1  }
0x91: {  	s18 =	sld [smem:$0x3FFB];
	_ =	sdelay $0x3  }
0x92: {  	_ =	strace s18  }
0x93: {  	s3 =	sld [smem:$0x3FFC];
	_ =	sdelay $0x3  }
0x94: {  	_ =	strace s3  }
0x95: {  	s3 =	sld [smem:$0x3FFD];
	_ =	sdelay $0x3  }
0x96: {  	_ =	strace s3  }
0x97: {  	_ =	strace $0x8FFFFFFF  }
0x98: {  	s19 =	sld [smem:$0x3FDB];
	_ =	sdelay $0x1  }
0x99: {  	s4 =	simm.s32 $_scs_section_size  }
0x9a: {  	s5 =	simm.s32 $_size__tile_overlayer_lowered;
	s6 =	simm.s32 $_tile_overlayer_lowered  }
0x9b: {  	s22 =	simm.s32 $0x1BFF;
	s21 =	sshll.u32 s6, $0x1;
	s3 =	sadd.s32 s4, s19  }
0x9c: {  	s7 =	simm.s32 $0x0;
	s20 =	sshll.u32 s5, $0x1;
	s5 =	sadd.s32 s21, s3  }
0x9d: {  	[timem:s7], [sflag:s22] =	dma.local [hbm:s5], s20  }
0x9e: {  	_ =	swait.ge [sflag:s22], s20  }
0x9f: {  	s4 =	ssub.s32 $0x0, s20;
	[sflag:s22] =	ssyncset.done $0x0  }
0xa0: {  	[sflag:s22] =	ssyncadd.s32 s4;
	_ =	sdelay $0x1  }
0xa1: {  	s23 =	simm.s32 $0x1B8B  }
0xa2: {  	_ =	swait.ge [sflag:s23], $0x1  }
0xa3: {  	[sflag:s23] =	ssyncset.done $0x0  }
0xa4: {  	s25 =	simm.s32 $0x1B8E;
	s24 =	sld [smem:$0x3FFE];
	[sflag:s23] =	ssyncadd.s32 $0xFFFFFFFF  }
0xa5: {  	s26 =	simm.s32 $execute0_lowered;
	[smem:$0x3FD2] =	sst s25  }
0xa6: {  	s5 =	sshll.u32 s26, $0x1;
	_ =	strace $0x80000046;
	[dreg:$0x1] =	wrdreg $0xFFFFFFFF  }
0xa7: {  	s28 =	simm.s32 $_size_execute0_lowered;
	s3 =	sadd.s32 s3, s5;
	[dreg:$0x0] =	wrdreg $0x0  }
0xa8: {  	s5 =	sshll.u32 s28, $0x1;
	[dreg:$0x2] =	wrdreg s3  }
0xa9: {  	[dreg:$0x3] =	wrdreg s5  }
0xaa: {  	[dreg:$0x4] =	wrdreg $0xC0  }
0xab: {  	_ =	task [dreg:s7], $0x5FFFF  }
0xac: {  	[dreg:$0x1] =	wrdreg $0xFFFFFFFF  }
0xad: {  	[dreg:$0x0] =	wrdreg $0x60  }
0xae: {  	[dreg:$0x2] =	wrdreg s24  }
0xaf: {  	[dreg:$0x3] =	wrdreg s2  }
0xb0: {  	[dreg:$0x4] =	wrdreg $0x9  }
0xb1: {  	_ =	task.clear_ibuf [dreg:s7], $0x5FFFF;
	_ =	strace $0x90000046  }
0xb2: {  	s29 =	simm.s32 $0x9;
	_ =	strace $0x80000048  }
0xb3: {  	_ =	swait.ge [sflag:s29], $0x1  }
0xb4: {  	[sflag:s29] =	ssyncadd.s32 $0xFFFFFFFF  }
0xb5: {  	_ =	strace $0x90000048  }
0xb6: {  	_ =	sfence  }
0xb7: {  	s30 =	sld [smem:$0x0];
	_ =	sdelay $0x2  }
0xb8: {  	s31 =	sshll.u32 s1, $0xD;
	s1 =	sshrl.u32 s1, $0x2  }
0xb9: {  	s3 =	sand.u32 $0x4000, s31;
	s1 =	sadd.s32 s1, s30  }
0xba: {  	s0 =	sor.u32 s3, s0;
	s1 =	sshll.u32 s1, $0x11  }
0xbb: {  	s0 =	sor.u32 s1, s0  }
0xbc: {  	s0 =	sadd.s32 $0x8F2B, s0  }
0xbd: {  	[sflag:s0] =	ssyncadd.remote.s32 $0x1  }
0xbe: {  	_ =	sfence.sel $0xFFFF  }
0xbf: {  	[dreg:$0x0] =	wrdreg $0xFFFFFFFF;
	(pc) =	sbr.abs _section_cstart, $3  }
0xc0: {  	[dreg:$0x1] =	wrdreg $0xFFFFFFFF  }
0xc1: {  	_ =	task.clear_ibuf [dreg:s7], $0x2FFFF;
	_ =	strace $0x9FFFFFFF  }
0xc2: {  	(tm) =	ssettm $0x7FFFFFFF  }
0xc3: {  	_ =	shalt  }
tec
execute0_lowered:
.L_overlay_start_1:
0x0: {  	(tag) =	ssettag $0x1  }
0x1: {  	s0 =	rddreg [dreg:$0x0]  }
0x2: {  	s1 =	rddreg [dreg:$0x1]  }
0x3: {  	s2 =	simm.s32 $0x0;
	s30 =	srdreg.scid;
	s4 =	stileid.u32  }
0x4: {  	s10 =	simm.s32 $0x80;
	s13 =	simm.s32 $0x1900;
	s14 =	simm.s32 $0x3900  }
0x5: {  	s16 =	simm.s32 $0x5900;
	s17 =	simm.s32 $0x1;
	s18 =	simm.s32 $0x7900  }
0x6: {  	s19 =	simm.s32 $0x400;
	s20 =	simm.s32 $0x8000;
	s22 =	simm.s32 $0x9900  }
0x7: {  	s26 =	simm.s32 $0x13900;
	s28 =	simm.s32 $0x2;
	[smem:$0x7FF] =	sst s2  }
0x8: {  	v0 =	vlaneseq.u32;
	s3 =	sadd.s32 $0xF42A00, s0;
	s2 =	sand.u32 $0x1, s30;
	s5 =	sshll.u32 s4, $0x1  }
0x9: {  	s4 =	sadd.s32 $0x600, s0;
	v0 =	vmul.u32 $0x40, v0;
	s31 =	ssub.s32 $0x2, s2;
	s2 =	sor.u32 s2, s5  }
0xa: {  	_ =	strace $0x80000047;
	s6 =	sshrl.u32 s31, $0x1;
	s7 =	sshll.u32 s2, $0x4  }
0xb: {  	s5 =	sshll.u32 s2, $0xA;
	v1 =	vor.u32 $0x400, v0;
	s0 =	ssub.s32 s31, s6;
	s1 =	sadd.s32 s1, s7  }
0xc: {  	v2 =	vor.u32 $0x800, v0;
	v3 =	vor.u32 $0xC00, v0;
	v4 =	vor.u32 $0x1000, v0;
	s7 =	sor.u32 $0x40000, s5;
	[dreg:$0x3] =	wrdreg s1;
	s0 =	smax.u32 s0, $0x1  }
0xd: {  	v5 =	vor.u32 $0x1400, v0;
	v6 =	vor.u32 $0x1800, v0;
	v7 =	vor.u32 $0x1C00, v0;
	s8 =	sor.u32 $0x80000, s5;
	s1 =	simm.s32 $0x0;
	[dreg:$0x4] =	wrdreg s0  }
.LBB2_1:
0xe: {  	[dreg:$0x5] =	wrdreg s1;
	s0 =	simm.s32 $0x0  }
0xf: {  	s25 =	rddreg [dreg:$0x3];
	s2 =	simm.s32 $0x1000;
	s29 =	simm.s32 $0x3  }
0x10: {  	[tilespmem:s0], [sflag:$0x3] =	stream.strided.gather [hbm4b:s25+s10], $0x1900, s2, s10, $0x38;
	[tilespmem:$0x15900] =	vst v63  }
0x11: {  	_ =	swait.ge [sflag:s29], $0x1900  }
0x12: {  	[sflag:s29] =	ssyncset.done $0x0  }
0x13: {  	[sflag:s29] =	ssyncadd.s32 $0xFFFFE700  }
0x14: {  	[tilespmem:s13], [sflag:$0x1] =	stream.indirect.gather [hbm4b:s3+s10], $0x40, s0, s10, $0xb8;
	[tilespmem:$0x15900] =	vst v63  }
0x15: {  	_ = 	snop  }
0x16: {  	[tilespmem:s14], [sflag:$0x1] =	stream.indirect.gather [hbm4b:s3+s10], $0x40, s10, s10, $0xb8;
	[tilespmem:$0x15900] =	vst v63  }
0x17: {  	s31 =	simm.s32 $0x100;
	s30 =	simm.s32 $0x0  }
0x18: {  	[tilespmem:s16], [sflag:$0x1] =	stream.indirect.gather [hbm4b:s3+s10], $0x40, s31, s10, $0xb8;
	[tilespmem:$0x15900] =	vst v63  }
.LBB2_2:
0x19: {  	s2 =	simm.s32 $0x3  }
0x1a: {  	s1 =	smul.u32 $0x5, s30;
	s9 =	simm.s32 $0x1;
	v8 =	vmov s2  }
0x1b: {  	s21 =	simm.s32 $0x2;
	v9 =	vmov s9;
	v8 =	vand.u32 $0x3F, v8  }
0x1c: {  	_ =	swait.ge [sflag:s17], $0x2000;
	s23 =	simm.s32 $0x0;
	v10 =	vmov s21;
	s0 =	sadd.s32 $0x3, s1;
	v9 =	vand.u32 $0x3D, v9;
	v14 =	vbroadcast v8, $0x0  }
0x1d: {  	p0 =	seq.s32 s30, $0x0;
	[sflag:s17] =	ssyncset.done $0x0;
	s6 =	sshll.u32 s0, $0x7;
	v17 =	vbroadcast v9, $0x0;
	v8 =	vand.u32 $0x3E, v10  }
0x1e: {  	s2 =	simm.s32 @!p0 $0x2;
	[sflag:s17] =	ssyncadd.s32 $0xFFFFE000;
	v9 =	vmov s23;
	s15 =	sand.u32 $0x3FFFFF80, s6;
	v16 =	vbroadcast v8, $0x0;
	v8 =	vor.u32 v0, v14  }
0x1f: {  	v9 =	vand.u32 $0x3C, v9;
	[tilespmem:s18], [sflag:$0x1] =	stream.indirect.gather [hbm4b:s3+s10], $0x40, s15, s10, $0xb8;
	v10 =	vor.u32 v0, v17;
	[tilespmem:$0x15900] =	vst v63  }
0x20: {  	v12 =	vbroadcast v9, $0x0;
	_ =	swait.ge @!p0 [sflag:s2], $0x2000;
	v9 =	vor.u32 v0, v16  }
0x21: {  	[sflag:s2] =	ssyncset.done @!p0 $0x0  }
0x22: {  	v11 =	vor.u32 v0, v12;
	[sflag:s2] =	ssyncadd.s32 @!p0 $0xFFFFE000  }
0x23: {  	v8 =	vld.idx.msk [tilespmem:v8+s13+$0x0], $0xffff  }
0x24: {  	v13 =	vor.u32 v1, v14;
	v10 =	vld.idx.msk [tilespmem:v10+s13+$0x0], $0xffff  }
0x25: {  	v15 =	vor.u32 v1, v17;
	v9 =	vld.idx.msk [tilespmem:v9+s13+$0x0], $0xffff  }
0x26: {  	v18 =	vor.u32 v1, v16  }
0x27: {  	s6 =	simm.s32 $0xBA00;
	v11 =	vld.idx.msk [tilespmem:v11+s13+$0x0], $0xffff  }
0x28: {  	v19 =	vor.u32 v1, v12;
	[tilespmem:s6+$0x80] =	vst v8  }
0x29: {  	[tilespmem:s6+$0xFFFFFF80] =	vst v10;
	v8 =	vld.idx.msk [tilespmem:v13+s13+$0x0], $0xffff  }
0x2a: {  	v10 =	vld.idx.msk [tilespmem:v15+s13+$0x0], $0xffff;
	[tilespmem:s6+$0x0] =	vst v9;
	v9 =	vor.u32 v2, v14  }
0x2b: {  	v15 =	vor.u32 v2, v17;
	v13 =	vld.idx.msk [tilespmem:v18+s13+$0x0], $0xffff  }
0x2c: {  	[tilespmem:s6+$0xFFFFFF00] =	vst v11;
	v11 =	vor.u32 v2, v16  }
0x2d: {  	v18 =	vld.idx.msk [tilespmem:v19+s13+$0x0], $0xffff  }
0x2e: {  	s24 =	simm.s32 $0x4;
	v19 =	vor.u32 v2, v12;
	[tilespmem:s6+$0x90] =	vst v8  }
0x2f: {  	v8 =	vmov s24;
	[tilespmem:s6+$0xFFFFFF90] =	vst v10;
	v10 =	vld.idx.msk [tilespmem:v9+s13+$0x0], $0xffff  }
0x30: {  	s25 =	simm.s32 $0x5;
	v8 =	vand.u32 $0x3C, v8;
	v15 =	vld.idx.msk [tilespmem:v15+s13+$0x0], $0xffff;
	[tilespmem:s6+$0x10] =	vst v13;
	v13 =	vor.u32 v3, v14  }
0x31: {  	v20 =	vor.u32 v3, v17;
	v9 =	vmov s25;
	v8 =	vbroadcast v8, $0x0;
	v11 =	vld.idx.msk [tilespmem:v11+s13+$0x0], $0xffff  }
0x32: {  	v9 =	vand.u32 $0x3D, v9;
	[tilespmem:s6+$0xFFFFFF10] =	vst v18;
	v18 =	vor.u32 v3, v16  }
0x33: {  	v9 =	vbroadcast v9, $0x0;
	v19 =	vld.idx.msk [tilespmem:v19+s13+$0x0], $0xffff;
	v21 =	vor.u32 v0, v8  }
0x34: {  	s29 =	simm.s32 $0x7;
	v22 =	vor.u32 v3, v12;
	[tilespmem:s6+$0xA0] =	vst v10  }
0x35: {  	s31 =	simm.s32 $0x6;
	v23 =	vor.u32 v0, v9;
	[tilespmem:s6+$0xFFFFFFA0] =	vst v15;
	v10 =	vmov s29;
	v15 =	vld.idx.msk [tilespmem:v13+s13+$0x0], $0xffff  }
0x36: {  	v25 =	vmov s31;
	v20 =	vld.idx.msk [tilespmem:v20+s13+$0x0], $0xffff;
	[tilespmem:s6+$0x20] =	vst v11;
	v11 =	vor.u32 v4, v14;
	v10 =	vand.u32 $0x3F, v10  }
0x37: {  	v24 =	vor.u32 v4, v17;
	v18 =	vld.idx.msk [tilespmem:v18+s13+$0x0], $0xffff;
	v13 =	vbroadcast v10, $0x0;
	v10 =	vand.u32 $0x3E, v25  }
0x38: {  	[tilespmem:s6+$0xFFFFFF20] =	vst v19;
	v19 =	vor.u32 v4, v16;
	v21 =	vld.idx.msk [tilespmem:v21+s13+$0x0], $0xffff;
	v10 =	vbroadcast v10, $0x0  }
0x39: {  	v22 =	vld.idx.msk [tilespmem:v22+s13+$0x0], $0xffff;
	v25 =	vor.u32 v0, v13  }
0x3a: {  	v23 =	vld.idx.msk [tilespmem:v23+s13+$0x0], $0xffff;
	v26 =	vor.u32 v0, v10;
	[tilespmem:s6+$0xB0] =	vst v15  }
0x3b: {  	s9 =	simm.s32 $0x8;
	v15 =	vor.u32 v4, v12;
	[tilespmem:s6+$0xFFFFFFB0] =	vst v20;
	v20 =	vld.idx.msk [tilespmem:v11+s13+$0x0], $0xffff  }
0x3c: {  	v11 =	vmov s9;
	v24 =	vld.idx.msk [tilespmem:v24+s13+$0x0], $0xffff;
	[tilespmem:s6+$0x30] =	vst v18;
	v18 =	vor.u32 v5, v14  }
0x3d: {  	v27 =	vor.u32 v5, v17;
	v11 =	vand.u32 $0x3C, v11;
	v19 =	vld.idx.msk [tilespmem:v19+s13+$0x0], $0xffff  }
0x3e: {  	[tilespmem:s6+$0xFFFFFF30] =	vst v22;
	v11 =	vbroadcast v11, $0x0;
	v22 =	vld.idx.msk [tilespmem:v25+s13+$0x0], $0xffff;
	v25 =	vor.u32 v5, v16  }
0x3f: {  	v30 =	vor.u32 v1, v13;
	v26 =	vld.idx.msk [tilespmem:v26+s13+$0x0], $0xffff  }
0x40: {  	v28 =	vor.u32 v0, v11;
	v29 =	vld.idx.msk [tilespmem:v15+s13+$0x0], $0xffff;
	[tilespmem:s6+$0xC0] =	vst v20  }
0x41: {  	v20 =	vor.u32 v1, v9;
	[tilespmem:s6+$0xFFFFFFC0] =	vst v24;
	v18 =	vld.idx.msk [tilespmem:v18+s13+$0x0], $0xffff  }
0x42: {  	s2 =	simm.s32 $0xBC00;
	v24 =	vor.u32 v1, v10;
	v27 =	vld.idx.msk [tilespmem:v27+s13+$0x0], $0xffff;
	[tilespmem:s6+$0x40] =	vst v19  }
0x43: {  	v19 =	vld.idx.msk [tilespmem:v25+s13+$0x0], $0xffff;
	v25 =	vor.u32 v6, v14;
	[tilespmem:s2+$0x80] =	vst v22  }
0x44: {  	[tilespmem:s2+$0xFFFFFF80] =	vst v23;
	v23 =	vor.u32 v5, v12;
	v22 =	vld.idx.msk [tilespmem:v30+s13+$0x0], $0xffff  }
0x45: {  	[tilespmem:s2+$0xFFFFFF00] =	vst v21;
	v15 =	vld.idx.msk [tilespmem:v28+s13+$0x0], $0xffff;
	v28 =	vor.u32 v1, v8  }
0x46: {  	[tilespmem:s2+$0x0] =	vst v26;
	v26 =	vor.u32 v6, v17;
	v20 =	vld.idx.msk [tilespmem:v20+s13+$0x0], $0xffff  }
0x47: {  	v30 =	vor.u32 v2, v13;
	v24 =	vld.idx.msk [tilespmem:v24+s13+$0x0], $0xffff;
	[tilespmem:s6+$0xD0] =	vst v18  }
0x48: {  	v21 =	vor.u32 v2, v9;
	[tilespmem:s6+$0xFFFFFF40] =	vst v29;
	v25 =	vld.idx.msk [tilespmem:v25+s13+$0x0], $0xffff  }
0x49: {  	v14 =	vor.u32 v7, v14;
	v23 =	vld.idx.msk [tilespmem:v23+s13+$0x0], $0xffff;
	[tilespmem:s6+$0xFFFFFFD0] =	vst v27  }
0x4a: {  	v31 =	vor.u32 v2, v10;
	[tilespmem:s2+$0x90] =	vst v22;
	v28 =	vld.idx.msk [tilespmem:v28+s13+$0x0], $0xffff  }
0x4b: {  	v32 =	vor.u32 v6, v12;
	v18 =	vld.idx.msk [tilespmem:v26+s13+$0x0], $0xffff;
	[tilespmem:s2+$0xFFFFFF90] =	vst v20  }
0x4c: {  	s11 =	simm.s32 $0x9;
	v27 =	vor.u32 v2, v8;
	v20 =	vld.idx.msk [tilespmem:v30+s13+$0x0], $0xffff;
	[tilespmem:s2+$0x10] =	vst v24  }
0x4d: {  	v22 =	vor.u32 v6, v16;
	v30 =	vld.idx.msk [tilespmem:v21+s13+$0x0], $0xffff;
	v21 =	vmov s11;
	[tilespmem:s6+$0xE0] =	vst v25  }
0x4e: {  	v33 =	vor.u32 v3, v13;
	[tilespmem:s6+$0xFFFFFF50] =	vst v23;
	v26 =	vld.idx.msk [tilespmem:v14+s13+$0x0], $0xffff;
	v14 =	vand.u32 $0x3D, v21  }
0x4f: {  	v31 =	vld.idx.msk [tilespmem:v31+s13+$0x0], $0xffff;
	[tilespmem:s2+$0xFFFFFF10] =	vst v28;
	v28 =	vor.u32 v3, v9;
	v14 =	vbroadcast v14, $0x0  }
0x50: {  	v29 =	vor.u32 v3, v10;
	[tilespmem:s6+$0x50] =	vst v19;
	v19 =	vld.idx.msk [tilespmem:v32+s13+$0x0], $0xffff  }
0x51: {  	v24 =	vld.idx.msk [tilespmem:v27+s13+$0x0], $0xffff;
	[tilespmem:s2+$0xA0] =	vst v20;
	v20 =	vor.u32 v0, v14  }
0x52: {  	v21 =	vld.idx.msk [tilespmem:v22+s13+$0x0], $0xffff;
	v27 =	vor.u32 v3, v8  }
0x53: {  	v25 =	vor.u32 v7, v17;
	[tilespmem:s2+$0xFFFFFFA0] =	vst v30;
	v22 =	vld.idx.msk [tilespmem:v33+s13+$0x0], $0xffff  }
0x54: {  	s12 =	simm.s32 $0xB;
	s11 =	simm.s32 $0xC;
	[tilespmem:s2+$0x20] =	vst v31;
	v23 =	vld.idx.msk [tilespmem:v28+s13+$0x0], $0xffff;
	v28 =	vor.u32 v7, v16  }
.LBB2_3:
0x55: {  	p1 =	slt.u32 s11, $0x3C;
	v16 =	vmov s12;
	v17 =	vld.idx.msk [tilespmem:v29+s13+$0x0], $0xffff;
	v29 =	vor.u32 v4, v13;
	[tilespmem:s6+$0xF0] =	vst v26  }
0x56: {  	s12 =	sadd.s32 $0x2, s9;
	s9 =	smov.u32 s11;
	v20 =	vld.idx.msk [tilespmem:v20+s13+$0x0], $0xffff;
	v16 =	vand.u32 $0x3F, v16;
	[tilespmem:s2+$0xFFFFFF20] =	vst v24;
	v24 =	vor.u32 v4, v9  }
0x57: {  	v30 =	vor.u32 v4, v10;
	v26 =	vmov s12;
	v16 =	vbroadcast v16, $0x0;
	v27 =	vld.idx.msk [tilespmem:v27+s13+$0x0], $0xffff;
	[tilespmem:s6+$0xFFFFFFE0] =	vst v18  }
0x58: {  	v18 =	vand.u32 $0x3E, v26;
	v26 =	vor.u32 v7, v12;
	v12 =	vmovc v8;
	v8 =	vmov v11;
	v25 =	vld.idx.msk [tilespmem:v25+s13+$0x0], $0xffff;
	[tilespmem:s6+$0x60] =	vst v21  }
0x59: {  	v31 =	vbroadcast v18, $0x0;
	v18 =	vor.u32 v0, v16;
	[tilespmem:s2+$0xB0] =	vst v22;
	v21 =	vld.idx.msk [tilespmem:v28+s13+$0x0], $0xffff  }
0x5a: {  	v22 =	vor.u32 v4, v12;
	[tilespmem:s2+$0xFFFFFFB0] =	vst v23;
	v23 =	vld.idx.msk [tilespmem:v29+s13+$0x0], $0xffff  }
0x5b: {  	v11 =	vmov s11;
	v28 =	vor.u32 v0, v31;
	v24 =	vld.idx.msk [tilespmem:v24+s13+$0x0], $0xffff;
	[tilespmem:s2+$0x30] =	vst v17  }
0x5c: {  	v11 =	vand.u32 $0x3C, v11;
	v29 =	vor.u32 v5, v13;
	v17 =	vld.idx.msk [tilespmem:v30+s13+$0x0], $0xffff;
	[tilespmem:s6+$0xFFFFFF60] =	vst v19  }
0x5d: {  	v11 =	vbroadcast v11, $0x0;
	v19 =	vor.u32 v5, v9;
	[tilespmem:s2+$0xFFFFFF30] =	vst v27;
	v26 =	vld.idx.msk [tilespmem:v26+s13+$0x0], $0xffff  }
0x5e: {  	v27 =	vor.u32 v5, v10;
	v18 =	vld.idx.msk [tilespmem:v18+s13+$0x0], $0xffff;
	[tilespmem:s6+$0xFFFFFFF0] =	vst v25  }
0x5f: {  	v25 =	vor.u32 v0, v11;
	v22 =	vld.idx.msk [tilespmem:v22+s13+$0x0], $0xffff;
	[tilespmem:s6+$0x70] =	vst v21  }
0x60: {  	v21 =	vld.idx.msk [tilespmem:v28+s13+$0x0], $0xffff;
	v28 =	vor.u32 v1, v16;
	[tilespmem:s2+$0xC0] =	vst v23  }
0x61: {  	v23 =	vor.u32 v1, v14;
	[tilespmem:s2+$0xFFFFFFC0] =	vst v24;
	v24 =	vld.idx.msk [tilespmem:v29+s13+$0x0], $0xffff  }
0x62: {  	v29 =	vor.u32 v1, v31;
	v19 =	vld.idx.msk [tilespmem:v19+s13+$0x0], $0xffff;
	[tilespmem:s2+$0x40] =	vst v17  }
0x63: {  	v17 =	vld.idx.msk [tilespmem:v27+s13+$0x0], $0xffff;
	v27 =	vor.u32 v6, v13;
	[tilespmem:s6+$0xFFFFFF70] =	vst v26;
	s6 =	smov.u32 s2;
	s2 =	sadd.s32 $0x200, s2  }
0x64: {  	v26 =	vor.u32 v1, v8;
	v25 =	vld.idx.msk [tilespmem:v25+s13+$0x0], $0xffff;
	[tilespmem:s2+$0x80] =	vst v18  }
0x65: {  	[tilespmem:s2+$0xFFFFFF80] =	vst v20;
	v18 =	vld.idx.msk [tilespmem:v28+s13+$0x0], $0xffff;
	v20 =	vor.u32 v5, v12  }
0x66: {  	v23 =	vld.idx.msk [tilespmem:v23+s13+$0x0], $0xffff;
	[tilespmem:s2+$0x0] =	vst v21;
	v21 =	vor.u32 v6, v9  }
0x67: {  	v28 =	vld.idx.msk [tilespmem:v29+s13+$0x0], $0xffff;
	v29 =	vor.u32 v2, v16;
	[tilespmem:s6+$0xD0] =	vst v24  }
0x68: {  	v24 =	vor.u32 v2, v14;
	[tilespmem:s2+$0xFFFFFF00] =	vst v15;
	v27 =	vld.idx.msk [tilespmem:v27+s13+$0x0], $0xffff  }
0x69: {  	v30 =	vor.u32 v2, v31;
	v26 =	vld.idx.msk [tilespmem:v26+s13+$0x0], $0xffff;
	[tilespmem:s6+$0xFFFFFF40] =	vst v22  }
0x6a: {  	v15 =	vmov v25;
	v22 =	vld.idx.msk [tilespmem:v20+s13+$0x0], $0xffff;
	[tilespmem:s6+$0xFFFFFFD0] =	vst v19;
	v19 =	vor.u32 v7, v13;
	v13 =	vmov v16  }
0x6b: {  	v16 =	vor.u32 v2, v8;
	[tilespmem:s2+$0x90] =	vst v18;
	v18 =	vld.idx.msk [tilespmem:v21+s13+$0x0], $0xffff  }
0x6c: {  	s12 =	sadd.s32 $0x1, s11;
	v21 =	vor.u32 v6, v10;
	[tilespmem:s2+$0xFFFFFF90] =	vst v23;
	v23 =	vld.idx.msk [tilespmem:v29+s13+$0x0], $0xffff  }
0x6d: {  	v20 =	vmov s12;
	v25 =	vld.idx.msk [tilespmem:v24+s13+$0x0], $0xffff;
	[tilespmem:s2+$0x10] =	vst v28;
	v28 =	vor.u32 v6, v12  }
0x6e: {  	v20 =	vand.u32 $0x3D, v20;
	v32 =	vor.u32 v3, v13;
	v30 =	vld.idx.msk [tilespmem:v30+s13+$0x0], $0xffff;
	[tilespmem:s6+$0xE0] =	vst v27  }
0x6f: {  	v34 =	vor.u32 v3, v14;
	v33 =	vbroadcast v20, $0x0;
	[tilespmem:s2+$0xFFFFFF10] =	vst v26;
	v26 =	vld.idx.msk [tilespmem:v19+s13+$0x0], $0xffff  }
.Ltmp0:
0x70: {  	v29 =	vor.u32 v3, v31;
	v24 =	vld.idx.msk [tilespmem:v16+s13+$0x0], $0xffff;
	[tilespmem:s6+$0x50] =	vst v17;
	(pc) =	sbr.rel @p1 .LBB2_3-.Ltmp0, $4  }
0x71: {  	v20 =	vor.u32 v0, v33;
	[tilespmem:s6+$0xFFFFFF50] =	vst v22;
	v21 =	vld.idx.msk [tilespmem:v21+s13+$0x0], $0xffff  }
0x72: {  	v27 =	vor.u32 v3, v8;
	[tilespmem:s2+$0xA0] =	vst v23;
	v19 =	vld.idx.msk [tilespmem:v28+s13+$0x0], $0xffff  }
0x73: {  	[tilespmem:s2+$0xFFFFFFA0] =	vst v25;
	v22 =	vld.idx.msk [tilespmem:v32+s13+$0x0], $0xffff;
	v25 =	vor.u32 v7, v9;
	v9 =	vmov v14;
	v14 =	vmov v33  }
0x74: {  	s11 =	sadd.s32 $0x4, s11;
	s12 =	sadd.s32 $0x3, s9;
	v28 =	vor.u32 v7, v10;
	v10 =	vmov v31;
	v23 =	vld.idx.msk [tilespmem:v34+s13+$0x0], $0xffff;
	[tilespmem:s2+$0x20] =	vst v30  }
0x75: {  	_ =	sdelay $0x1  }
0x76: {  	v16 =	vmov s12;
	[tilespmem:s6+$0xF0] =	vst v26  }
0x77: {  	v52 =	vor.u32 v4, v13;
	s9 =	sadd.s32 $0x2, s9;
	[tilespmem:s2+$0xFFFFFF20] =	vst v24;
	v16 =	vand.u32 $0x3F, v16  }
0x78: {  	v26 =	vld.idx.msk [tilespmem:v29+s13+$0x0], $0xffff;
	v24 =	vor.u32 v4, v9;
	[tilespmem:s6+$0xFFFFFFE0] =	vst v18;
	v30 =	vmov s9;
	v17 =	vbroadcast v16, $0x0  }
0x79: {  	v18 =	vld.idx.msk [tilespmem:v27+s13+$0x0], $0xffff;
	v27 =	vor.u32 v4, v10;
	[tilespmem:s6+$0x60] =	vst v21;
	v16 =	vand.u32 $0x3E, v30  }
0x7a: {  	v21 =	vld.idx.msk [tilespmem:v25+s13+$0x0], $0xffff;
	[tilespmem:s6+$0xFFFFFF60] =	vst v19;
	v16 =	vbroadcast v16, $0x0;
	v25 =	vor.u32 v0, v17  }
0x7b: {  	[tilespmem:s2+$0xB0] =	vst v22;
	v22 =	vld.idx.msk [tilespmem:v28+s13+$0x0], $0xffff  }
0x7c: {  	[tilespmem:s2+$0xFFFFFFB0] =	vst v23;
	v23 =	vld.idx.msk [tilespmem:v52+s13+$0x0], $0xffff;
	v53 =	vor.u32 v0, v16  }
0x7d: {  	[tilespmem:s2+$0x30] =	vst v26;
	v24 =	vld.idx.msk [tilespmem:v24+s13+$0x0], $0xffff  }
0x7e: {  	v12 =	vor.u32 v7, v12;
	v19 =	vld.idx.msk [tilespmem:v27+s13+$0x0], $0xffff;
	[tilespmem:s2+$0xFFFFFF30] =	vst v18  }
0x7f: {  	v18 =	vor.u32 v5, v13;
	[tilespmem:s6+$0xFFFFFFF0] =	vst v21;
	v25 =	vld.idx.msk [tilespmem:v25+s13+$0x0], $0xffff  }
0x80: {  	v20 =	vld.idx.msk [tilespmem:v20+s13+$0x0], $0xffff;
	v21 =	vor.u32 v1, v17;
	[tilespmem:s6+$0x70] =	vst v22  }
0x81: {  	v22 =	vld.idx.msk [tilespmem:v53+s13+$0x0], $0xffff;
	[tilespmem:s2+$0xC0] =	vst v23;
	v23 =	vor.u32 v1, v14  }
0x82: {  	[tilespmem:s2+$0xFFFFFFC0] =	vst v24;
	v24 =	vor.u32 v1, v16  }
0x83: {  	s25 =	sadd.s32 $0x200, s2;
	v12 =	vld.idx.msk [tilespmem:v12+s13+$0x0], $0xffff;
	[tilespmem:s2+$0x40] =	vst v19;
	v19 =	vor.u32 v1, v11  }
0x84: {  	v26 =	vor.u32 v4, v8;
	v18 =	vld.idx.msk [tilespmem:v18+s13+$0x0], $0xffff;
	[tilespmem:s25+$0x80] =	vst v25  }
0x85: {  	[tilespmem:s25+$0xFFFFFF80] =	vst v20;
	v25 =	vor.u32 v5, v9;
	v20 =	vld.idx.msk [tilespmem:v21+s13+$0x0], $0xffff  }
0x86: {  	v21 =	vld.idx.msk [tilespmem:v23+s13+$0x0], $0xffff;
	[tilespmem:s25+$0x0] =	vst v22;
	v22 =	vor.u32 v2, v17  }
0x87: {  	[tilespmem:s25+$0xFFFFFF00] =	vst v15;
	v15 =	vor.u32 v2, v14;
	v23 =	vld.idx.msk [tilespmem:v24+s13+$0x0], $0xffff  }
0x88: {  	[tilespmem:s6+$0xFFFFFF70] =	vst v12;
	v12 =	vld.idx.msk [tilespmem:v19+s13+$0x0], $0xffff;
	v19 =	vor.u32 v2, v16  }
0x89: {  	v24 =	vld.idx.msk [tilespmem:v26+s13+$0x0], $0xffff;
	[tilespmem:s2+$0xD0] =	vst v18;
	v18 =	vor.u32 v2, v11  }
0x8a: {  	v26 =	vor.u32 v6, v13;
	v25 =	vld.idx.msk [tilespmem:v25+s13+$0x0], $0xffff;
	[tilespmem:s25+$0x90] =	vst v20  }
0x8b: {  	v20 =	vor.u32 v5, v10;
	[tilespmem:s25+$0xFFFFFF90] =	vst v21;
	v21 =	vld.idx.msk [tilespmem:v22+s13+$0x0], $0xffff  }
0x8c: {  	v15 =	vld.idx.msk [tilespmem:v15+s13+$0x0], $0xffff;
	[tilespmem:s25+$0x10] =	vst v23;
	v22 =	vor.u32 v3, v17  }
0x8d: {  	[tilespmem:s25+$0xFFFFFF10] =	vst v12;
	v12 =	vor.u32 v3, v14;
	v19 =	vld.idx.msk [tilespmem:v19+s13+$0x0], $0xffff  }
0x8e: {  	[tilespmem:s2+$0xFFFFFF40] =	vst v24;
	v23 =	vor.u32 v3, v16;
	v18 =	vld.idx.msk [tilespmem:v18+s13+$0x0], $0xffff  }
0x8f: {  	v24 =	vld.idx.msk [tilespmem:v26+s13+$0x0], $0xffff;
	[tilespmem:s2+$0xFFFFFFD0] =	vst v25;
	v25 =	vor.u32 v3, v11  }
0x90: {  	v26 =	vor.u32 v5, v8;
	v20 =	vld.idx.msk [tilespmem:v20+s13+$0x0], $0xffff;
	[tilespmem:s25+$0xA0] =	vst v21  }
0x91: {  	v13 =	vor.u32 v7, v13;
	[tilespmem:s25+$0xFFFFFFA0] =	vst v15;
	v15 =	vld.idx.msk [tilespmem:v22+s13+$0x0], $0xffff  }
0x92: {  	v12 =	vld.idx.msk [tilespmem:v12+s13+$0x0], $0xffff;
	[tilespmem:s25+$0x20] =	vst v19;
	v19 =	vor.u32 v4, v17  }
0x93: {  	[tilespmem:s25+$0xFFFFFF20] =	vst v18;
	v18 =	vor.u32 v4, v14;
	v21 =	vld.idx.msk [tilespmem:v23+s13+$0x0], $0xffff  }
0x94: {  	[tilespmem:s2+$0xE0] =	vst v24;
	v23 =	vor.u32 v4, v16;
	v22 =	vld.idx.msk [tilespmem:v25+s13+$0x0], $0xffff  }
0x95: {  	v24 =	vld.idx.msk [tilespmem:v26+s13+$0x0], $0xffff;
	[tilespmem:s2+$0x50] =	vst v20;
	v20 =	vor.u32 v4, v11  }
0x96: {  	v13 =	vld.idx.msk [tilespmem:v13+s13+$0x0], $0xffff;
	v25 =	vor.u32 v6, v9;
	[tilespmem:s25+$0xB0] =	vst v15  }
0x97: {  	v15 =	vor.u32 v6, v10;
	[tilespmem:s25+$0xFFFFFFB0] =	vst v12;
	v12 =	vld.idx.msk [tilespmem:v19+s13+$0x0], $0xffff  }
0x98: {  	v18 =	vld.idx.msk [tilespmem:v18+s13+$0x0], $0xffff;
	[tilespmem:s25+$0x30] =	vst v21;
	v19 =	vor.u32 v5, v17  }
0x99: {  	v21 =	vld.idx.msk [tilespmem:v23+s13+$0x0], $0xffff;
	[tilespmem:s25+$0xFFFFFF30] =	vst v22;
	v22 =	vor.u32 v5, v14  }
0x9a: {  	[tilespmem:s2+$0xFFFFFF50] =	vst v24;
	v23 =	vor.u32 v5, v16;
	v20 =	vld.idx.msk [tilespmem:v20+s13+$0x0], $0xffff  }
0x9b: {  	[tilespmem:s2+$0xF0] =	vst v13;
	v13 =	vor.u32 v5, v11;
	v24 =	vld.idx.msk [tilespmem:v25+s13+$0x0], $0xffff  }
0x9c: {  	v25 =	vor.u32 v6, v8;
	v15 =	vld.idx.msk [tilespmem:v15+s13+$0x0], $0xffff;
	[tilespmem:s25+$0xC0] =	vst v12  }
0x9d: {  	v9 =	vor.u32 v7, v9;
	[tilespmem:s25+$0xFFFFFFC0] =	vst v18;
	v12 =	vld.idx.msk [tilespmem:v19+s13+$0x0], $0xffff  }
0x9e: {  	v18 =	vld.idx.msk [tilespmem:v22+s13+$0x0], $0xffff;
	[tilespmem:s25+$0x40] =	vst v21;
	v19 =	vor.u32 v6, v17  }
0x9f: {  	v22 =	vor.u32 v6, v14;
	v21 =	vld.idx.msk [tilespmem:v23+s13+$0x0], $0xffff;
	[tilespmem:s25+$0xFFFFFF40] =	vst v20  }
0xa0: {  	[tilespmem:s2+$0xFFFFFFE0] =	vst v24;
	v20 =	vor.u32 v6, v16;
	v13 =	vld.idx.msk [tilespmem:v13+s13+$0x0], $0xffff  }
0xa1: {  	v23 =	vld.idx.msk [tilespmem:v25+s13+$0x0], $0xffff;
	[tilespmem:s2+$0x60] =	vst v15;
	v15 =	vor.u32 v6, v11  }
0xa2: {  	v10 =	vor.u32 v7, v10;
	v9 =	vld.idx.msk [tilespmem:v9+s13+$0x0], $0xffff;
	[tilespmem:s25+$0xD0] =	vst v12  }
0xa3: {  	v8 =	vor.u32 v7, v8;
	[tilespmem:s25+$0xFFFFFFD0] =	vst v18;
	v12 =	vld.idx.msk [tilespmem:v19+s13+$0x0], $0xffff  }
0xa4: {  	v17 =	vor.u32 v7, v17;
	v18 =	vld.idx.msk [tilespmem:v22+s13+$0x0], $0xffff;
	[tilespmem:s25+$0x50] =	vst v21  }
0xa5: {  	v14 =	vor.u32 v7, v14;
	[tilespmem:s25+$0xFFFFFF50] =	vst v13;
	v13 =	vld.idx.msk [tilespmem:v20+s13+$0x0], $0xffff  }
0xa6: {  	v16 =	vor.u32 v7, v16;
	[tilespmem:s2+$0xFFFFFF60] =	vst v23;
	v15 =	vld.idx.msk [tilespmem:v15+s13+$0x0], $0xffff  }
0xa7: {  	v10 =	vld.idx.msk [tilespmem:v10+s13+$0x0], $0xffff;
	[tilespmem:s2+$0xFFFFFFF0] =	vst v9;
	v9 =	vor.u32 v7, v11  }
0xa8: {  	v8 =	vld.idx.msk [tilespmem:v8+s13+$0x0], $0xffff;
	[tilespmem:s25+$0xE0] =	vst v12  }
0xa9: {  	[tilespmem:s25+$0xFFFFFFE0] =	vst v18;
	v11 =	vld.idx.msk [tilespmem:v17+s13+$0x0], $0xffff  }
0xaa: {  	v12 =	vld.idx.msk [tilespmem:v14+s13+$0x0], $0xffff;
	[tilespmem:s25+$0x60] =	vst v13  }
0xab: {  	v13 =	vld.idx.msk [tilespmem:v16+s13+$0x0], $0xffff;
	[tilespmem:s25+$0xFFFFFF60] =	vst v15  }
0xac: {  	[tilespmem:s2+$0x70] =	vst v10;
	v9 =	vld.idx.msk [tilespmem:v9+s13+$0x0], $0xffff  }
0xad: {  	s11 =	smul.u32 $0x140000, s30;
	[tilespmem:s2+$0xFFFFFF70] =	vst v8  }
0xae: {  	[tilespmem:s25+$0xF0] =	vst v11  }
0xaf: {  	s6 =	sor.u32 s5, s11;
	[tilespmem:s25+$0xFFFFFFF0] =	vst v12  }
0xb0: {  	s2 =	sshrl.u32 s6, $0x3;
	[tilespmem:s25+$0x70] =	vst v13  }
0xb1: {  	s12 =	simm.s32 $0x1;
	s15 =	simm.s32 $0xB900;
	s2 =	sadd.s32 s4, s2;
	[tilespmem:s25+$0xFFFFFF70] =	vst v9  }
0xb2: {  	v8 =	vmov s12;
	[hbm4b:s2+s19] =	stream.strided.scatter [tilespmem:s15], [sflag:$0x2], $0x2000, s20, s19, $0x38;
	[tilespmem:$0x15900] =	vst v63  }
0xb3: {  	s31 =	sadd.s32 $0x4, s1;
	v8 =	vand.u32 $0x3D, v8;
	_ =	swait.ge [sflag:s17], $0x2000  }
0xb4: {  	s1 =	sshll.u32 s31, $0x7;
	v10 =	vbroadcast v8, $0x0;
	[sflag:s17] =	ssyncset.done $0x0  }
0xb5: {  	s1 =	sand.u32 $0x3FFFFF80, s1;
	[sflag:s17] =	ssyncadd.s32 $0xFFFFE000  }
0xb6: {  	v8 =	vor.u32 v0, v10;
	[tilespmem:s22], [sflag:$0x1] =	stream.indirect.gather [hbm4b:s3+s10], $0x40, s1, s10, $0xb8;
	[tilespmem:$0x15900] =	vst v63  }
0xb7: {  	s1 =	simm.s32 @!p0 $0x2  }
0xb8: {  	_ =	swait.ge @!p0 [sflag:s1], $0x2000  }
0xb9: {  	[sflag:s1] =	ssyncset.done @!p0 $0x0  }
0xba: {  	[sflag:s1] =	ssyncadd.s32 @!p0 $0xFFFFE000  }
0xbb: {  	v8 =	vld.idx.msk [tilespmem:v8+s14+$0x0], $0xffff  }
0xbc: {  	v9 =	vor.u32 v1, v10;
	_ =	sdelay $0x2  }
0xbd: {  	s2 =	simm.s32 $0xDAF0  }
0xbe: {  	s21 =	simm.s32 $0x2;
	[tilespmem:s2+$0xFFFFFE90] =	vst v8  }
0xbf: {  	s23 =	simm.s32 $0x0;
	v8 =	vmov s21;
	v9 =	vld.idx.msk [tilespmem:v9+s14+$0x0], $0xffff  }
0xc0: {  	v11 =	vmov s23;
	v12 =	vor.u32 v2, v10;
	v8 =	vand.u32 $0x3E, v8  }
0xc1: {  	v14 =	vbroadcast v8, $0x0;
	v8 =	vand.u32 $0x3C, v11  }
0xc2: {  	v15 =	vbroadcast v8, $0x0  }
0xc3: {  	v8 =	vor.u32 v0, v14  }
0xc4: {  	v11 =	vor.u32 v0, v15;
	[tilespmem:s2+$0xFFFFFEA0] =	vst v9  }
0xc5: {  	v9 =	vld.idx.msk [tilespmem:v12+s14+$0x0], $0xffff  }
0xc6: {  	v12 =	vor.u32 v3, v10;
	_ =	sdelay $0x1  }
0xc7: {  	s24 =	simm.s32 $0x3;
	v8 =	vld.idx.msk [tilespmem:v8+s14+$0x0], $0xffff  }
0xc8: {  	v16 =	vmov s24;
	s25 =	simm.s32 $0x5;
	v13 =	vor.u32 v1, v14;
	v11 =	vld.idx.msk [tilespmem:v11+s14+$0x0], $0xffff  }
0xc9: {  	v16 =	vand.u32 $0x3F, v16;
	v18 =	vor.u32 v1, v15;
	[tilespmem:s2+$0xFFFFFEB0] =	vst v9;
	v9 =	vmov s25  }
0xca: {  	v16 =	vbroadcast v16, $0x0;
	v12 =	vld.idx.msk [tilespmem:v12+s14+$0x0], $0xffff;
	v9 =	vand.u32 $0x3D, v9  }
0xcb: {  	s9 =	simm.s32 $0x6;
	v19 =	vor.u32 v4, v10;
	v17 =	vbroadcast v9, $0x0  }
0xcc: {  	s6 =	sand.u32 $0x7FFFFE00, s23;
	v20 =	vor.u32 v0, v16;
	[tilespmem:s2+$0xFFFFFF10] =	vst v8;
	v8 =	vmov s9  }
0xcd: {  	v13 =	vld.idx.msk [tilespmem:v13+s14+$0x0], $0xffff;
	[tilespmem:s6+$0xD900] =	vst v11;
	v8 =	vand.u32 $0x3E, v8;
	v11 =	vor.u32 v0, v17  }
0xce: {  	v21 =	vor.u32 v2, v14;
	v18 =	vld.idx.msk [tilespmem:v18+s14+$0x0], $0xffff;
	v9 =	vbroadcast v8, $0x0  }
0xcf: {  	s12 =	simm.s32 $0x4;
	v22 =	vor.u32 v2, v15;
	[tilespmem:s2+$0xFFFFFEC0] =	vst v12  }
0xd0: {  	v8 =	vmov s12;
	v12 =	vor.u32 v0, v9;
	v19 =	vld.idx.msk [tilespmem:v19+s14+$0x0], $0xffff  }
0xd1: {  	v23 =	vor.u32 v5, v10;
	v20 =	vld.idx.msk [tilespmem:v20+s14+$0x0], $0xffff;
	v8 =	vand.u32 $0x3C, v8  }
0xd2: {  	v8 =	vbroadcast v8, $0x0;
	[tilespmem:s2+$0xFFFFFF20] =	vst v13;
	v13 =	vor.u32 v1, v16;
	v11 =	vld.idx.msk [tilespmem:v11+s14+$0x0], $0xffff  }
0xd3: {  	v21 =	vld.idx.msk [tilespmem:v21+s14+$0x0], $0xffff;
	[tilespmem:s6+$0xD910] =	vst v18;
	v18 =	vor.u32 v1, v17  }
0xd4: {  	v24 =	vor.u32 v0, v8;
	v22 =	vld.idx.msk [tilespmem:v22+s14+$0x0], $0xffff  }
0xd5: {  	v25 =	vor.u32 v3, v14;
	v12 =	vld.idx.msk [tilespmem:v12+s14+$0x0], $0xffff;
	[tilespmem:s2+$0xFFFFFED0] =	vst v19  }
0xd6: {  	s1 =	simm.s32 $0xDCF0;
	[tilespmem:s2+$0xFFFFFF90] =	vst v20;
	v19 =	vor.u32 v1, v9;
	v23 =	vld.idx.msk [tilespmem:v23+s14+$0x0], $0xffff  }
0xd7: {  	v13 =	vld.idx.msk [tilespmem:v13+s14+$0x0], $0xffff;
	[tilespmem:s1+$0xFFFFFE90] =	vst v11;
	v11 =	vor.u32 v6, v10  }
0xd8: {  	v20 =	vor.u32 v2, v16;
	v18 =	vld.idx.msk [tilespmem:v18+s14+$0x0], $0xffff  }
0xd9: {  	[tilespmem:s2+$0xFFFFFF30] =	vst v21;
	v21 =	vld.idx.msk [tilespmem:v24+s14+$0x0], $0xffff;
	v24 =	vor.u32 v2, v17  }
0xda: {  	v26 =	vor.u32 v1, v8;
	v25 =	vld.idx.msk [tilespmem:v25+s14+$0x0], $0xffff;
	[tilespmem:s1+$0xFFFFFF10] =	vst v12  }
0xdb: {  	v12 =	vor.u32 v3, v15;
	v19 =	vld.idx.msk [tilespmem:v19+s14+$0x0], $0xffff;
	[tilespmem:s2+$0xFFFFFEE0] =	vst v23  }
0xdc: {  	s15 =	simm.s32 $0x200;
	v23 =	vor.u32 v2, v9;
	[tilespmem:s2+$0xFFFFFFA0] =	vst v13;
	v11 =	vld.idx.msk [tilespmem:v11+s14+$0x0], $0xffff  }
0xdd: {  	s15 =	sand.u32 $0x7FFFFE00, s15;
	v10 =	vor.u32 v7, v10;
	v13 =	vld.idx.msk [tilespmem:v20+s14+$0x0], $0xffff;
	[tilespmem:s1+$0xFFFFFEA0] =	vst v18  }
0xde: {  	[tilespmem:s15+$0xD900] =	vst v21;
	v20 =	vor.u32 v3, v16;
	v18 =	vld.idx.msk [tilespmem:v24+s14+$0x0], $0xffff  }
0xdf: {  	[tilespmem:s6+$0xD920] =	vst v22;
	v22 =	vor.u32 v3, v17;
	v21 =	vld.idx.msk [tilespmem:v26+s14+$0x0], $0xffff  }
0xe0: {  	v12 =	vld.idx.msk [tilespmem:v12+s14+$0x0], $0xffff;
	[tilespmem:s1+$0xFFFFFF20] =	vst v19;
	v19 =	vor.u32 v2, v8  }
0xe1: {  	v23 =	vld.idx.msk [tilespmem:v23+s14+$0x0], $0xffff;
	[tilespmem:s2+$0xFFFFFEF0] =	vst v11;
	v11 =	vor.u32 v4, v15  }
0xe2: {  	s21 =	simm.s32 $0x7;
	v26 =	vor.u32 v4, v14;
	[tilespmem:s2+$0xFFFFFFB0] =	vst v13;
	v24 =	vld.idx.msk [tilespmem:v10+s14+$0x0], $0xffff  }
0xe3: {  	v13 =	vor.u32 v3, v9;
	v10 =	vmov s21;
	[tilespmem:s1+$0xFFFFFEB0] =	vst v18;
	v18 =	vld.idx.msk [tilespmem:v20+s14+$0x0], $0xffff  }
0xe4: {  	s23 =	simm.s32 $0x9;
	[tilespmem:s15+$0xD910] =	vst v21;
	v20 =	vor.u32 v4, v16;
	v10 =	vand.u32 $0x3F, v10;
	v21 =	vld.idx.msk [tilespmem:v22+s14+$0x0], $0xffff  }
0xe5: {  	s24 =	simm.s32 $0xA;
	v27 =	vor.u32 v4, v17;
	[tilespmem:s6+$0xD930] =	vst v12;
	v12 =	vmov s23;
	v19 =	vld.idx.msk [tilespmem:v19+s14+$0x0], $0xffff;
	v10 =	vbroadcast v10, $0x0  }
0xe6: {  	v54 =	vmov s24;
	[tilespmem:s2+$0xFFFFFF40] =	vst v25;
	v22 =	vor.u32 v3, v8;
	v25 =	vld.idx.msk [tilespmem:v11+s14+$0x0], $0xffff;
	v11 =	vand.u32 $0x3D, v12  }
0xe7: {  	[tilespmem:s1+$0xFFFFFF30] =	vst v23;
	v23 =	vld.idx.msk [tilespmem:v26+s14+$0x0], $0xffff;
	v56 =	vor.u32 v0, v10;
	v12 =	vbroadcast v11, $0x0;
	v11 =	vand.u32 $0x3E, v54  }
0xe8: {  	v26 =	vor.u32 v5, v15;
	v55 =	vld.idx.msk [tilespmem:v13+s14+$0x0], $0xffff;
	v11 =	vbroadcast v11, $0x0;
	[tilespmem:s2+$0xFFFFFFC0] =	vst v18  }
0xe9: {  	s25 =	simm.s32 $0x8;
	v18 =	vor.u32 v0, v12;
	[tilespmem:s1+$0xFFFFFEC0] =	vst v21;
	v20 =	vld.idx.msk [tilespmem:v20+s14+$0x0], $0xffff  }
0xea: {  	v13 =	vmov s25;
	[tilespmem:s15+$0xD920] =	vst v19;
	v21 =	vor.u32 v0, v11;
	v19 =	vld.idx.msk [tilespmem:v27+s14+$0x0], $0xffff  }
0xeb: {  	v13 =	vand.u32 $0x3C, v13;
	[tilespmem:s2+$0xFFFFFF00] =	vst v24;
	v24 =	vor.u32 v5, v16;
	v22 =	vld.idx.msk [tilespmem:v22+s14+$0x0], $0xffff  }
0xec: {  	v13 =	vbroadcast v13, $0x0;
	[tilespmem:s6+$0xD940] =	vst v25;
	v25 =	vor.u32 v5, v14;
	v27 =	vld.idx.msk [tilespmem:v56+s14+$0x0], $0xffff  }
0xed: {  	[tilespmem:s2+$0xFFFFFF50] =	vst v23;
	v23 =	vor.u32 v5, v17;
	v26 =	vld.idx.msk [tilespmem:v26+s14+$0x0], $0xffff  }
0xee: {  	v57 =	vor.u32 v0, v13;
	v18 =	vld.idx.msk [tilespmem:v18+s14+$0x0], $0xffff;
	[tilespmem:s2+$0xFFFFFFD0] =	vst v20  }
0xef: {  	v58 =	vor.u32 v1, v10;
	v21 =	vld.idx.msk [tilespmem:v21+s14+$0x0], $0xffff;
	[tilespmem:s1+$0xFFFFFED0] =	vst v19  }
0xf0: {  	v20 =	vor.u32 v1, v12;
	[tilespmem:s15+$0xD930] =	vst v22;
	v22 =	vld.idx.msk [tilespmem:v24+s14+$0x0], $0xffff  }
0xf1: {  	v19 =	vld.idx.msk [tilespmem:v25+s14+$0x0], $0xffff;
	v25 =	vor.u32 v1, v11;
	[tilespmem:s1+$0xFFFFFF90] =	vst v27  }
0xf2: {  	s9 =	simm.s32 $0xDEF0;
	v23 =	vld.idx.msk [tilespmem:v23+s14+$0x0], $0xffff;
	v27 =	vor.u32 v6, v16;
	[tilespmem:s6+$0xD950] =	vst v26  }
0xf3: {  	v24 =	vor.u32 v6, v14;
	v26 =	vld.idx.msk [tilespmem:v57+s14+$0x0], $0xffff;
	[tilespmem:s9+$0xFFFFFE90] =	vst v18  }
0xf4: {  	v60 =	vor.u32 v1, v13;
	v59 =	vld.idx.msk [tilespmem:v58+s14+$0x0], $0xffff;
	[tilespmem:s9+$0xFFFFFF10] =	vst v21  }
0xf5: {  	v18 =	vor.u32 v6, v17;
	v20 =	vld.idx.msk [tilespmem:v20+s14+$0x0], $0xffff;
	[tilespmem:s2+$0xFFFFFFE0] =	vst v22  }
0xf6: {  	s29 =	simm.s32 $0x400;
	v21 =	vld.idx.msk [tilespmem:v25+s14+$0x0], $0xffff;
	v25 =	vor.u32 v2, v10;
	[tilespmem:s2+$0xFFFFFF60] =	vst v19  }
0xf7: {  	s12 =	sand.u32 $0x7FFFFE00, s29;
	v19 =	vor.u32 v2, v12;
	[tilespmem:s1+$0xFFFFFEE0] =	vst v23;
	v23 =	vld.idx.msk [tilespmem:v27+s14+$0x0], $0xffff  }
0xf8: {  	v22 =	vor.u32 v2, v11;
	v24 =	vld.idx.msk [tilespmem:v24+s14+$0x0], $0xffff;
	[tilespmem:s12+$0xD900] =	vst v26  }
0xf9: {  	[tilespmem:s1+$0xFFFFFF40] =	vst v55;
	v16 =	vor.u32 v7, v16;
	v26 =	vld.idx.msk [tilespmem:v60+s14+$0x0], $0xffff  }
0xfa: {  	v14 =	vor.u32 v7, v14;
	[tilespmem:s1+$0xFFFFFFA0] =	vst v59;
	v18 =	vld.idx.msk [tilespmem:v18+s14+$0x0], $0xffff  }
0xfb: {  	v17 =	vor.u32 v7, v17;
	[tilespmem:s9+$0xFFFFFEA0] =	vst v20;
	v25 =	vld.idx.msk [tilespmem:v25+s14+$0x0], $0xffff  }
0xfc: {  	v27 =	vor.u32 v6, v15;
	v61 =	vld.idx.msk [tilespmem:v19+s14+$0x0], $0xffff;
	[tilespmem:s9+$0xFFFFFF20] =	vst v21  }
0xfd: {  	v21 =	vor.u32 v3, v10;
	[tilespmem:s2+$0xFFFFFFF0] =	vst v23;
	v62 =	vld.idx.msk [tilespmem:v22+s14+$0x0], $0xffff  }
0xfe: {  	v63 =	vor.u32 v3, v12;
	[tilespmem:s2+$0xFFFFFF70] =	vst v24;
	v20 =	vld.idx.msk [tilespmem:v16+s14+$0x0], $0xffff  }
0xff: {  	v22 =	vld.idx.msk [tilespmem:v14+s14+$0x0], $0xffff;
	[tilespmem:s1+$0xFFFFFEF0] =	vst v18  }
0x100: {  	v19 =	vld.idx.msk [tilespmem:v17+s14+$0x0], $0xffff;
	[tilespmem:s1+$0xFFFFFFB0] =	vst v25;
	v25 =	vor.u32 v2, v13  }
0x101: {  	v24 =	vor.u32 v4, v8;
	[tilespmem:s12+$0xD910] =	vst v26;
	v17 =	vld.idx.msk [tilespmem:v27+s14+$0x0], $0xffff  }
0x102: {  	v15 =	vor.u32 v7, v15;
	v23 =	vor.u32 v4, v9;
	[tilespmem:s9+$0xFFFFFEB0] =	vst v61;
	v18 =	vld.idx.msk [tilespmem:v21+s14+$0x0], $0xffff  }
0x103: {  	s21 =	simm.s32 $0xC;
	s23 =	simm.s32 $0xB;
	v14 =	vor.u32 v4, v10;
	v21 =	vor.u32 v3, v11;
	v16 =	vld.idx.msk [tilespmem:v63+s14+$0x0], $0xffff;
	[tilespmem:s9+$0xFFFFFF30] =	vst v62  }
.LBB2_5:
0x104: {  	s24 =	sadd.s32 $0x1, s21  }
0x105: {  	p0 =	slt.u32 s21, $0x3C;
	v25 =	vld.idx.msk [tilespmem:v25+s14+$0x0], $0xffff;
	v26 =	vor.u32 v3, v13;
	v27 =	vmov s23;
	[tilespmem:s2+$0xFFFFFF80] =	vst v22;
	s23 =	smov.u32 s21;
	s21 =	sadd.s32 $0x4, s21  }
0x106: {  	v28 =	vor.u32 v4, v12;
	v22 =	vmov s24;
	s24 =	sadd.s32 $0x2, s23;
	v27 =	vand.u32 $0x3F, v27;
	v24 =	vld.idx.msk [tilespmem:v24+s14+$0x0], $0xffff;
	[tilespmem:s2+$0x0] =	vst v20;
	s2 =	smov.u32 s1;
	s1 =	smov.u32 s9  }
0x107: {  	v20 =	vand.u32 $0x3D, v22;
	v22 =	vmov s24;
	v27 =	vbroadcast v27, $0x0;
	[tilespmem:s2+$0xFFFFFF00] =	vst v19;
	v19 =	vld.idx.msk [tilespmem:v23+s14+$0x0], $0xffff  }
0x108: {  	v23 =	vor.u32 v5, v8;
	v20 =	vbroadcast v20, $0x0;
	v22 =	vand.u32 $0x3E, v22;
	v21 =	vld.idx.msk [tilespmem:v21+s14+$0x0], $0xffff;
	[tilespmem:s6+$0xD960] =	vst v17  }
0x109: {  	v17 =	vbroadcast v22, $0x0;
	v22 =	vor.u32 v0, v27;
	v29 =	vor.u32 v4, v27;
	[tilespmem:s2+$0xFFFFFFC0] =	vst v18;
	v15 =	vld.idx.msk [tilespmem:v15+s14+$0x0], $0xffff  }
0x10a: {  	v18 =	vor.u32 v0, v20;
	[tilespmem:s9+$0xFFFFFEC0] =	vst v16;
	v16 =	vld.idx.msk [tilespmem:v14+s14+$0x0], $0xffff;
	v14 =	vmov v29  }
0x10b: {  	v29 =	vmov s23;
	v30 =	vor.u32 v0, v17;
	[tilespmem:s12+$0xD920] =	vst v25;
	v25 =	vld.idx.msk [tilespmem:v28+s14+$0x0], $0xffff  }
0x10c: {  	v28 =	vand.u32 $0x3C, v29;
	v29 =	vor.u32 v5, v10;
	v26 =	vld.idx.msk [tilespmem:v26+s14+$0x0], $0xffff;
	[tilespmem:s15+$0xD940] =	vst v24;
	v24 =	vor.u32 v5, v9  }
0x10d: {  	v28 =	vbroadcast v28, $0x0;
	v23 =	vld.idx.msk [tilespmem:v23+s14+$0x0], $0xffff;
	[tilespmem:s2+$0xFFFFFF50] =	vst v19  }
0x10e: {  	v19 =	vor.u32 v5, v12;
	[tilespmem:s9+$0xFFFFFF40] =	vst v21;
	v21 =	vld.idx.msk [tilespmem:v22+s14+$0x0], $0xffff  }
0x10f: {  	v22 =	vor.u32 v0, v28;
	v18 =	vld.idx.msk [tilespmem:v18+s14+$0x0], $0xffff;
	[tilespmem:s6+$0xD970] =	vst v15;
	s6 =	smov.u32 s15;
	s15 =	smov.u32 s12  }
0x110: {  	v15 =	vld.idx.msk [tilespmem:v30+s14+$0x0], $0xffff;
	v30 =	vor.u32 v1, v27;
	[tilespmem:s2+$0xFFFFFFD0] =	vst v16  }
0x111: {  	v16 =	vor.u32 v1, v20;
	[tilespmem:s9+$0xFFFFFED0] =	vst v25;
	v24 =	vld.idx.msk [tilespmem:v24+s14+$0x0], $0xffff  }
0x112: {  	v25 =	vor.u32 v1, v17;
	[tilespmem:s15+$0xD930] =	vst v26;
	v26 =	vld.idx.msk [tilespmem:v29+s14+$0x0], $0xffff  }
0x113: {  	v19 =	vld.idx.msk [tilespmem:v19+s14+$0x0], $0xffff;
	[tilespmem:s6+$0xD950] =	vst v23;
	v23 =	vor.u32 v6, v9  }
0x114: {  	s9 =	sadd.s32 $0x200, s9;
	v22 =	vld.idx.msk [tilespmem:v22+s14+$0x0], $0xffff;
	[tilespmem:s1+$0xFFFFFF90] =	vst v21;
	v21 =	vor.u32 v6, v10  }
0x115: {  	[tilespmem:s9+$0xFFFFFE90] =	vst v18;
	v18 =	vor.u32 v6, v12;
	v29 =	vld.idx.msk [tilespmem:v30+s14+$0x0], $0xffff  }
0x116: {  	v30 =	vor.u32 v1, v28;
	v16 =	vld.idx.msk [tilespmem:v16+s14+$0x0], $0xffff;
	[tilespmem:s9+$0xFFFFFF10] =	vst v15  }
0x117: {  	v31 =	vor.u32 v2, v27;
	v25 =	vld.idx.msk [tilespmem:v25+s14+$0x0], $0xffff;
	[tilespmem:s2+$0xFFFFFF60] =	vst v24  }
0x118: {  	s29 =	sadd.s32 $0x200, s29;
	v24 =	vor.u32 v2, v20;
	v23 =	vld.idx.msk [tilespmem:v23+s14+$0x0], $0xffff;
	[tilespmem:s2+$0xFFFFFFE0] =	vst v26  }
0x119: {  	s12 =	sand.u32 $0x7FFFFE00, s29;
	v26 =	vor.u32 v2, v17;
	[tilespmem:s1+$0xFFFFFEE0] =	vst v19;
	v19 =	vld.idx.msk [tilespmem:v21+s14+$0x0], $0xffff  }
0x11a: {  	v15 =	vor.u32 v7, v8;
	v21 =	vor.u32 v7, v9;
	v9 =	vmov v11;
	[tilespmem:s12+$0xD900] =	vst v22;
	v18 =	vld.idx.msk [tilespmem:v18+s14+$0x0], $0xffff  }
0x11b: {  	v11 =	vmov v17;
	v30 =	vld.idx.msk [tilespmem:v30+s14+$0x0], $0xffff;
	[tilespmem:s1+$0xFFFFFFA0] =	vst v29;
	v29 =	vor.u32 v7, v10;
	v10 =	vmov v27  }
0x11c: {  	v27 =	vor.u32 v6, v8;
	[tilespmem:s9+$0xFFFFFEA0] =	vst v16;
	v16 =	vor.u32 v7, v12;
	v17 =	vld.idx.msk [tilespmem:v31+s14+$0x0], $0xffff;
	v12 =	vmov v20  }
0x11d: {  	v8 =	vmov v13;
	v13 =	vmov v28;
	v31 =	vld.idx.msk [tilespmem:v24+s14+$0x0], $0xffff;
	[tilespmem:s9+$0xFFFFFF20] =	vst v25  }
0x11e: {  	v28 =	vor.u32 v3, v10;
	v26 =	vld.idx.msk [tilespmem:v26+s14+$0x0], $0xffff;
	[tilespmem:s2+$0xFFFFFF70] =	vst v23  }
0x11f: {  	v32 =	vor.u32 v3, v12;
	v22 =	vld.idx.msk [tilespmem:v21+s14+$0x0], $0xffff;
	[tilespmem:s2+$0xFFFFFFF0] =	vst v19  }
.Ltmp1:
0x120: {  	v25 =	vor.u32 v2, v13;
	[tilespmem:s1+$0xFFFFFEF0] =	vst v18;
	v20 =	vld.idx.msk [tilespmem:v29+s14+$0x0], $0xffff;
	(pc) =	sbr.rel @p0 .LBB2_5-.Ltmp1, $4  }
0x121: {  	v24 =	vor.u32 v4, v8;
	[tilespmem:s12+$0xD910] =	vst v30;
	v19 =	vld.idx.msk [tilespmem:v16+s14+$0x0], $0xffff  }
0x122: {  	v23 =	vor.u32 v4, v9;
	[tilespmem:s1+$0xFFFFFFB0] =	vst v17;
	v17 =	vld.idx.msk [tilespmem:v27+s14+$0x0], $0xffff  }
0x123: {  	v21 =	vor.u32 v3, v11;
	[tilespmem:s9+$0xFFFFFEB0] =	vst v31;
	v18 =	vld.idx.msk [tilespmem:v28+s14+$0x0], $0xffff  }
0x124: {  	s23 =	sadd.s32 $0x3, s23;
	v16 =	vld.idx.msk [tilespmem:v32+s14+$0x0], $0xffff;
	[tilespmem:s9+$0xFFFFFF30] =	vst v26  }
0x125: {  	v26 =	vmov s23  }
0x126: {  	v26 =	vand.u32 $0x3F, v26  }
0x127: {  	v26 =	vbroadcast v26, $0x0;
	_ =	sdelay $0x1  }
0x128: {  	v27 =	vor.u32 v0, v26;
	_ =	sdelay $0x4  }
0x129: {  	v27 =	vld.idx.msk [tilespmem:v27+s14+$0x0], $0xffff  }
0x12a: {  	v28 =	vor.u32 v1, v26  }
0x12b: {  	[tilespmem:s2+$0xFFFFFF80] =	vst v22  }
0x12c: {  	[tilespmem:s2+$0x0] =	vst v20  }
0x12d: {  	v20 =	vld.idx.msk [tilespmem:v25+s14+$0x0], $0xffff;
	[tilespmem:s1+$0xFFFFFF00] =	vst v19  }
0x12e: {  	v19 =	vld.idx.msk [tilespmem:v24+s14+$0x0], $0xffff;
	[tilespmem:s9+$0xFFFFFF90] =	vst v27  }
0x12f: {  	v22 =	vor.u32 v4, v12;
	[tilespmem:s6+$0xD960] =	vst v17;
	v27 =	vld.idx.msk [tilespmem:v28+s14+$0x0], $0xffff  }
0x130: {  	[tilespmem:s1+$0xFFFFFFC0] =	vst v18;
	v55 =	vor.u32 v2, v26  }
0x131: {  	v23 =	vld.idx.msk [tilespmem:v23+s14+$0x0], $0xffff;
	[tilespmem:s9+$0xFFFFFEC0] =	vst v16  }
0x132: {  	v15 =	vld.idx.msk [tilespmem:v15+s14+$0x0], $0xffff;
	[tilespmem:s12+$0xD920] =	vst v20  }
0x133: {  	v24 =	vor.u32 v3, v13;
	v14 =	vld.idx.msk [tilespmem:v14+s14+$0x0], $0xffff;
	[tilespmem:s15+$0xD940] =	vst v19  }
0x134: {  	v20 =	vld.idx.msk [tilespmem:v22+s14+$0x0], $0xffff;
	v19 =	vor.u32 v5, v9;
	[tilespmem:s9+$0xFFFFFFA0] =	vst v27  }
0x135: {  	v17 =	vld.idx.msk [tilespmem:v55+s14+$0x0], $0xffff  }
0x136: {  	v18 =	vor.u32 v3, v26;
	[tilespmem:s1+$0xFFFFFF50] =	vst v23  }
0x137: {  	v21 =	vld.idx.msk [tilespmem:v21+s14+$0x0], $0xffff;
	[tilespmem:s6+$0xD970] =	vst v15  }
0x138: {  	v16 =	vor.u32 v5, v8;
	v24 =	vld.idx.msk [tilespmem:v24+s14+$0x0], $0xffff;
	[tilespmem:s1+$0xFFFFFFD0] =	vst v14  }
0x139: {  	v15 =	vor.u32 v4, v13;
	[tilespmem:s9+$0xFFFFFED0] =	vst v20;
	v14 =	vld.idx.msk [tilespmem:v19+s14+$0x0], $0xffff  }
0x13a: {  	v20 =	vor.u32 v6, v9;
	[tilespmem:s9+$0xFFFFFFB0] =	vst v17  }
0x13b: {  	v17 =	vor.u32 v4, v11;
	v18 =	vld.idx.msk [tilespmem:v18+s14+$0x0], $0xffff  }
0x13c: {  	v23 =	vor.u32 v4, v26;
	[tilespmem:s9+$0xFFFFFF40] =	vst v21  }
0x13d: {  	v22 =	vor.u32 v5, v10;
	v16 =	vld.idx.msk [tilespmem:v16+s14+$0x0], $0xffff;
	[tilespmem:s12+$0xD930] =	vst v24  }
0x13e: {  	v21 =	vor.u32 v5, v12;
	v15 =	vld.idx.msk [tilespmem:v15+s14+$0x0], $0xffff;
	[tilespmem:s1+$0xFFFFFF60] =	vst v14  }
0x13f: {  	v14 =	vor.u32 v5, v13;
	v20 =	vld.idx.msk [tilespmem:v20+s14+$0x0], $0xffff  }
0x140: {  	v9 =	vor.u32 v7, v9;
	v17 =	vld.idx.msk [tilespmem:v17+s14+$0x0], $0xffff;
	[tilespmem:s9+$0xFFFFFFC0] =	vst v18  }
0x141: {  	v18 =	vld.idx.msk [tilespmem:v23+s14+$0x0], $0xffff;
	v23 =	vor.u32 v5, v11  }
0x142: {  	v19 =	vld.idx.msk [tilespmem:v22+s14+$0x0], $0xffff;
	[tilespmem:s15+$0xD950] =	vst v16;
	v16 =	vor.u32 v5, v26  }
0x143: {  	v22 =	vor.u32 v6, v10;
	v21 =	vld.idx.msk [tilespmem:v21+s14+$0x0], $0xffff;
	[tilespmem:s12+$0xD940] =	vst v15  }
0x144: {  	v24 =	vor.u32 v6, v12;
	v14 =	vld.idx.msk [tilespmem:v14+s14+$0x0], $0xffff;
	[tilespmem:s1+$0xFFFFFF70] =	vst v20  }
0x145: {  	v9 =	vld.idx.msk [tilespmem:v9+s14+$0x0], $0xffff;
	[tilespmem:s9+$0xFFFFFF50] =	vst v17;
	v17 =	vor.u32 v6, v8  }
0x146: {  	v20 =	vor.u32 v6, v13;
	[tilespmem:s9+$0xFFFFFFD0] =	vst v18;
	v18 =	vld.idx.msk [tilespmem:v23+s14+$0x0], $0xffff  }
0x147: {  	[tilespmem:s1+$0xFFFFFFE0] =	vst v19;
	v15 =	vld.idx.msk [tilespmem:v16+s14+$0x0], $0xffff;
	v16 =	vor.u32 v6, v11  }
0x148: {  	[tilespmem:s9+$0xFFFFFEE0] =	vst v21;
	v21 =	vor.u32 v6, v26;
	v19 =	vld.idx.msk [tilespmem:v22+s14+$0x0], $0xffff  }
0x149: {  	v10 =	vor.u32 v7, v10;
	v22 =	vld.idx.msk [tilespmem:v24+s14+$0x0], $0xffff;
	[tilespmem:s12+$0xD950] =	vst v14  }
0x14a: {  	v12 =	vor.u32 v7, v12;
	[tilespmem:s1+$0xFFFFFF80] =	vst v9;
	v17 =	vld.idx.msk [tilespmem:v17+s14+$0x0], $0xffff  }
0x14b: {  	v8 =	vor.u32 v7, v8;
	[tilespmem:s9+$0xFFFFFF60] =	vst v18;
	v18 =	vld.idx.msk [tilespmem:v20+s14+$0x0], $0xffff  }
0x14c: {  	v9 =	vor.u32 v7, v13;
	v16 =	vld.idx.msk [tilespmem:v16+s14+$0x0], $0xffff;
	[tilespmem:s9+$0xFFFFFFE0] =	vst v15  }
0x14d: {  	[tilespmem:s1+$0xFFFFFFF0] =	vst v19;
	v11 =	vor.u32 v7, v11;
	v14 =	vld.idx.msk [tilespmem:v21+s14+$0x0], $0xffff  }
0x14e: {  	[tilespmem:s9+$0xFFFFFEF0] =	vst v22;
	v10 =	vld.idx.msk [tilespmem:v10+s14+$0x0], $0xffff;
	v15 =	vor.u32 v7, v26  }
0x14f: {  	v12 =	vld.idx.msk [tilespmem:v12+s14+$0x0], $0xffff;
	[tilespmem:s15+$0xD960] =	vst v17  }
0x150: {  	v8 =	vld.idx.msk [tilespmem:v8+s14+$0x0], $0xffff;
	[tilespmem:s12+$0xD960] =	vst v18  }
0x151: {  	[tilespmem:s9+$0xFFFFFF70] =	vst v16;
	v9 =	vld.idx.msk [tilespmem:v9+s14+$0x0], $0xffff  }
0x152: {  	v11 =	vld.idx.msk [tilespmem:v11+s14+$0x0], $0xffff;
	[tilespmem:s9+$0xFFFFFFF0] =	vst v14  }
0x153: {  	[tilespmem:s1+$0x0] =	vst v10;
	v13 =	vld.idx.msk [tilespmem:v15+s14+$0x0], $0xffff  }
0x154: {  	[tilespmem:s9+$0xFFFFFF00] =	vst v12  }
0x155: {  	[tilespmem:s15+$0xD970] =	vst v8  }
0x156: {  	s6 =	sadd.s32 s7, s11;
	[tilespmem:s12+$0xD970] =	vst v9  }
0x157: {  	p0 =	seq.s32 s30, $0x9;
	s1 =	sshrl.u32 s6, $0x3;
	[tilespmem:s9+$0xFFFFFF80] =	vst v11  }
0x158: {  	s1 =	sadd.s32 s4, s1;
	s15 =	simm.s32 $0x1;
	s12 =	simm.s32 $0xD900;
	[tilespmem:s9+$0x0] =	vst v13  }
0x159: {  	v8 =	vmov s15;
	[hbm4b:s1+s19] =	stream.strided.scatter [tilespmem:s12], [sflag:$0x2], $0x2000, s20, s19, $0x38;
	[tilespmem:$0x15900] =	vst v63  }
0x15a: {  	p1 =	seq.s32 @!p0 s30, $0x0;
	v8 =	vand.u32 $0x3D, v8;
	s1 =	smul.u32 @!p0 $0xA00, s30  }
0x15b: {  	p1 =	por p0, !p1;
	v10 =	vbroadcast v8, $0x0;
	_ =	swait.ge [sflag:s17], $0x2000  }
0x15c: {  	s6 =	simm.s32 @!p0 $0x80;
	[sflag:s17] =	ssyncset.done $0x0;
	s1 =	sshra.s32 @!p0 s1, $0x2  }
0x15d: {  	s9 =	simm.s32 @!p0 $0x1900;
	v8 =	vor.u32 v0, v10;
	[sflag:s17] =	ssyncadd.s32 $0xFFFFE000;
	s2 =	sadd.s32 @!p0 $0x280, s1  }
0x15e: {  	[tilespmem:s9], [sflag:$0x1] =	stream.indirect.gather @!p0 [hbm4b:s3+s6], $0x40, s2, s6, $0xb8;
	[tilespmem:$0x15900] =	vst v63  }
0x15f: {  	_ =	swait.ge @p1 [sflag:s28], $0x2000  }
0x160: {  	[sflag:s28] =	ssyncset.done @p1 $0x0  }
0x161: {  	[sflag:s28] =	ssyncadd.s32 @p1 $0xFFFFE000  }
0x162: {  	v8 =	vld.idx.msk [tilespmem:v8+s16+$0x0], $0xffff  }
0x163: {  	v9 =	vor.u32 v1, v10;
	_ =	sdelay $0x2  }
0x164: {  	s6 =	simm.s32 $0xFAF0  }
0x165: {  	s21 =	simm.s32 $0x2;
	[tilespmem:s6+$0xFFFFFE90] =	vst v8  }
0x166: {  	s23 =	simm.s32 $0x0;
	v8 =	vmov s21;
	v9 =	vld.idx.msk [tilespmem:v9+s16+$0x0], $0xffff  }
0x167: {  	v11 =	vmov s23;
	v12 =	vor.u32 v2, v10;
	v8 =	vand.u32 $0x3E, v8  }
0x168: {  	v14 =	vbroadcast v8, $0x0;
	v8 =	vand.u32 $0x3C, v11  }
0x169: {  	v15 =	vbroadcast v8, $0x0  }
0x16a: {  	v8 =	vor.u32 v0, v14  }
0x16b: {  	v11 =	vor.u32 v0, v15;
	[tilespmem:s6+$0xFFFFFEA0] =	vst v9  }
0x16c: {  	v9 =	vld.idx.msk [tilespmem:v12+s16+$0x0], $0xffff  }
0x16d: {  	v12 =	vor.u32 v3, v10;
	_ =	sdelay $0x1  }
0x16e: {  	s24 =	simm.s32 $0x3;
	v8 =	vld.idx.msk [tilespmem:v8+s16+$0x0], $0xffff  }
0x16f: {  	s25 =	simm.s32 $0x5;
	v16 =	vmov s24;
	v13 =	vor.u32 v1, v14;
	v11 =	vld.idx.msk [tilespmem:v11+s16+$0x0], $0xffff  }
0x170: {  	v16 =	vand.u32 $0x3F, v16;
	v18 =	vor.u32 v1, v15;
	[tilespmem:s6+$0xFFFFFEB0] =	vst v9;
	v9 =	vmov s25  }
0x171: {  	v16 =	vbroadcast v16, $0x0;
	v12 =	vld.idx.msk [tilespmem:v12+s16+$0x0], $0xffff;
	v9 =	vand.u32 $0x3D, v9  }
0x172: {  	s12 =	simm.s32 $0x6;
	v19 =	vor.u32 v4, v10;
	v17 =	vbroadcast v9, $0x0  }
0x173: {  	v20 =	vor.u32 v0, v16;
	s9 =	sand.u32 $0x7FFFFE00, s23;
	[tilespmem:s6+$0xFFFFFF10] =	vst v8;
	v8 =	vmov s12  }
0x174: {  	v13 =	vld.idx.msk [tilespmem:v13+s16+$0x0], $0xffff;
	[tilespmem:s9+$0xF900] =	vst v11;
	v8 =	vand.u32 $0x3E, v8;
	v11 =	vor.u32 v0, v17  }
0x175: {  	v21 =	vor.u32 v2, v14;
	v18 =	vld.idx.msk [tilespmem:v18+s16+$0x0], $0xffff;
	v9 =	vbroadcast v8, $0x0  }
0x176: {  	s15 =	simm.s32 $0x4;
	v22 =	vor.u32 v2, v15;
	[tilespmem:s6+$0xFFFFFEC0] =	vst v12  }
0x177: {  	v8 =	vmov s15;
	v12 =	vor.u32 v0, v9;
	v19 =	vld.idx.msk [tilespmem:v19+s16+$0x0], $0xffff  }
0x178: {  	v23 =	vor.u32 v5, v10;
	v20 =	vld.idx.msk [tilespmem:v20+s16+$0x0], $0xffff;
	v8 =	vand.u32 $0x3C, v8  }
0x179: {  	v8 =	vbroadcast v8, $0x0;
	[tilespmem:s6+$0xFFFFFF20] =	vst v13;
	v13 =	vor.u32 v1, v16;
	v11 =	vld.idx.msk [tilespmem:v11+s16+$0x0], $0xffff  }
0x17a: {  	v21 =	vld.idx.msk [tilespmem:v21+s16+$0x0], $0xffff;
	[tilespmem:s9+$0xF910] =	vst v18;
	v18 =	vor.u32 v1, v17  }
0x17b: {  	v24 =	vor.u32 v0, v8;
	v22 =	vld.idx.msk [tilespmem:v22+s16+$0x0], $0xffff  }
0x17c: {  	v25 =	vor.u32 v3, v14;
	v12 =	vld.idx.msk [tilespmem:v12+s16+$0x0], $0xffff;
	[tilespmem:s6+$0xFFFFFED0] =	vst v19  }
0x17d: {  	[tilespmem:s6+$0xFFFFFF90] =	vst v20;
	s15 =	simm.s32 $0xFCF0;
	v19 =	vor.u32 v1, v9;
	v23 =	vld.idx.msk [tilespmem:v23+s16+$0x0], $0xffff  }
0x17e: {  	v13 =	vld.idx.msk [tilespmem:v13+s16+$0x0], $0xffff;
	[tilespmem:s15+$0xFFFFFE90] =	vst v11;
	v11 =	vor.u32 v6, v10  }
0x17f: {  	v20 =	vor.u32 v2, v16;
	v18 =	vld.idx.msk [tilespmem:v18+s16+$0x0], $0xffff  }
0x180: {  	[tilespmem:s6+$0xFFFFFF30] =	vst v21;
	v21 =	vld.idx.msk [tilespmem:v24+s16+$0x0], $0xffff;
	v24 =	vor.u32 v2, v17  }
0x181: {  	v26 =	vor.u32 v1, v8;
	v25 =	vld.idx.msk [tilespmem:v25+s16+$0x0], $0xffff;
	[tilespmem:s15+$0xFFFFFF10] =	vst v12  }
0x182: {  	v12 =	vor.u32 v3, v15;
	v19 =	vld.idx.msk [tilespmem:v19+s16+$0x0], $0xffff;
	[tilespmem:s6+$0xFFFFFEE0] =	vst v23  }
0x183: {  	s21 =	simm.s32 $0x200;
	v23 =	vor.u32 v2, v9;
	[tilespmem:s6+$0xFFFFFFA0] =	vst v13;
	v11 =	vld.idx.msk [tilespmem:v11+s16+$0x0], $0xffff  }
0x184: {  	s2 =	sand.u32 $0x7FFFFE00, s21;
	v10 =	vor.u32 v7, v10;
	v13 =	vld.idx.msk [tilespmem:v20+s16+$0x0], $0xffff;
	[tilespmem:s15+$0xFFFFFEA0] =	vst v18  }
0x185: {  	[tilespmem:s2+$0xF900] =	vst v21;
	v20 =	vor.u32 v3, v16;
	v18 =	vld.idx.msk [tilespmem:v24+s16+$0x0], $0xffff  }
0x186: {  	[tilespmem:s9+$0xF920] =	vst v22;
	v22 =	vor.u32 v3, v17;
	v21 =	vld.idx.msk [tilespmem:v26+s16+$0x0], $0xffff  }
0x187: {  	v12 =	vld.idx.msk [tilespmem:v12+s16+$0x0], $0xffff;
	[tilespmem:s15+$0xFFFFFF20] =	vst v19;
	v19 =	vor.u32 v2, v8  }
0x188: {  	v23 =	vld.idx.msk [tilespmem:v23+s16+$0x0], $0xffff;
	[tilespmem:s6+$0xFFFFFEF0] =	vst v11;
	v11 =	vor.u32 v4, v15  }
0x189: {  	s23 =	simm.s32 $0x7;
	v26 =	vor.u32 v4, v14;
	[tilespmem:s6+$0xFFFFFFB0] =	vst v13;
	v24 =	vld.idx.msk [tilespmem:v10+s16+$0x0], $0xffff  }
0x18a: {  	v13 =	vor.u32 v3, v9;
	v10 =	vmov s23;
	[tilespmem:s15+$0xFFFFFEB0] =	vst v18;
	v18 =	vld.idx.msk [tilespmem:v20+s16+$0x0], $0xffff  }
0x18b: {  	s21 =	simm.s32 $0x9;
	[tilespmem:s2+$0xF910] =	vst v21;
	v20 =	vor.u32 v4, v16;
	v10 =	vand.u32 $0x3F, v10;
	v21 =	vld.idx.msk [tilespmem:v22+s16+$0x0], $0xffff  }
0x18c: {  	s24 =	simm.s32 $0xA;
	v27 =	vor.u32 v4, v17;
	[tilespmem:s9+$0xF930] =	vst v12;
	v12 =	vmov s21;
	v19 =	vld.idx.msk [tilespmem:v19+s16+$0x0], $0xffff;
	v10 =	vbroadcast v10, $0x0  }
0x18d: {  	v56 =	vmov s24;
	[tilespmem:s6+$0xFFFFFF40] =	vst v25;
	v22 =	vor.u32 v3, v8;
	v25 =	vld.idx.msk [tilespmem:v11+s16+$0x0], $0xffff;
	v11 =	vand.u32 $0x3D, v12  }
0x18e: {  	[tilespmem:s15+$0xFFFFFF30] =	vst v23;
	v23 =	vld.idx.msk [tilespmem:v26+s16+$0x0], $0xffff;
	v29 =	vor.u32 v0, v10;
	v12 =	vbroadcast v11, $0x0;
	v11 =	vand.u32 $0x3E, v56  }
0x18f: {  	v26 =	vor.u32 v5, v15;
	v57 =	vld.idx.msk [tilespmem:v13+s16+$0x0], $0xffff;
	v11 =	vbroadcast v11, $0x0;
	[tilespmem:s6+$0xFFFFFFC0] =	vst v18  }
0x190: {  	s25 =	simm.s32 $0x8;
	v18 =	vor.u32 v0, v12;
	[tilespmem:s15+$0xFFFFFEC0] =	vst v21;
	v20 =	vld.idx.msk [tilespmem:v20+s16+$0x0], $0xffff  }
0x191: {  	v13 =	vmov s25;
	[tilespmem:s2+$0xF920] =	vst v19;
	v21 =	vor.u32 v0, v11;
	v19 =	vld.idx.msk [tilespmem:v27+s16+$0x0], $0xffff  }
0x192: {  	v13 =	vand.u32 $0x3C, v13;
	[tilespmem:s6+$0xFFFFFF00] =	vst v24;
	v24 =	vor.u32 v5, v16;
	v22 =	vld.idx.msk [tilespmem:v22+s16+$0x0], $0xffff  }
0x193: {  	v13 =	vbroadcast v13, $0x0;
	[tilespmem:s9+$0xF940] =	vst v25;
	v25 =	vor.u32 v5, v14;
	v27 =	vld.idx.msk [tilespmem:v29+s16+$0x0], $0xffff  }
0x194: {  	[tilespmem:s6+$0xFFFFFF50] =	vst v23;
	v23 =	vor.u32 v5, v17;
	v26 =	vld.idx.msk [tilespmem:v26+s16+$0x0], $0xffff  }
0x195: {  	v58 =	vor.u32 v0, v13;
	v18 =	vld.idx.msk [tilespmem:v18+s16+$0x0], $0xffff;
	[tilespmem:s6+$0xFFFFFFD0] =	vst v20  }
0x196: {  	v59 =	vor.u32 v1, v10;
	v21 =	vld.idx.msk [tilespmem:v21+s16+$0x0], $0xffff;
	[tilespmem:s15+$0xFFFFFED0] =	vst v19  }
0x197: {  	v20 =	vor.u32 v1, v12;
	[tilespmem:s2+$0xF930] =	vst v22;
	v22 =	vld.idx.msk [tilespmem:v24+s16+$0x0], $0xffff  }
0x198: {  	v19 =	vld.idx.msk [tilespmem:v25+s16+$0x0], $0xffff;
	v25 =	vor.u32 v1, v11;
	[tilespmem:s15+$0xFFFFFF90] =	vst v27  }
0x199: {  	s12 =	simm.s32 $0xFEF0;
	v23 =	vld.idx.msk [tilespmem:v23+s16+$0x0], $0xffff;
	v27 =	vor.u32 v6, v16;
	[tilespmem:s9+$0xF950] =	vst v26  }
0x19a: {  	v24 =	vor.u32 v6, v14;
	v26 =	vld.idx.msk [tilespmem:v58+s16+$0x0], $0xffff;
	[tilespmem:s12+$0xFFFFFE90] =	vst v18  }
0x19b: {  	v61 =	vor.u32 v1, v13;
	v60 =	vld.idx.msk [tilespmem:v59+s16+$0x0], $0xffff;
	[tilespmem:s12+$0xFFFFFF10] =	vst v21  }
0x19c: {  	v18 =	vor.u32 v6, v17;
	v20 =	vld.idx.msk [tilespmem:v20+s16+$0x0], $0xffff;
	[tilespmem:s6+$0xFFFFFFE0] =	vst v22  }
0x19d: {  	s21 =	simm.s32 $0x400;
	v21 =	vld.idx.msk [tilespmem:v25+s16+$0x0], $0xffff;
	v25 =	vor.u32 v2, v10;
	[tilespmem:s6+$0xFFFFFF60] =	vst v19  }
0x19e: {  	s29 =	sand.u32 $0x7FFFFE00, s21;
	v19 =	vor.u32 v2, v12;
	[tilespmem:s15+$0xFFFFFEE0] =	vst v23;
	v23 =	vld.idx.msk [tilespmem:v27+s16+$0x0], $0xffff  }
0x19f: {  	v22 =	vor.u32 v2, v11;
	v24 =	vld.idx.msk [tilespmem:v24+s16+$0x0], $0xffff;
	[tilespmem:s29+$0xF900] =	vst v26  }
0x1a0: {  	[tilespmem:s15+$0xFFFFFF40] =	vst v57;
	v16 =	vor.u32 v7, v16;
	v26 =	vld.idx.msk [tilespmem:v61+s16+$0x0], $0xffff  }
0x1a1: {  	v14 =	vor.u32 v7, v14;
	[tilespmem:s15+$0xFFFFFFA0] =	vst v60;
	v18 =	vld.idx.msk [tilespmem:v18+s16+$0x0], $0xffff  }
0x1a2: {  	v17 =	vor.u32 v7, v17;
	[tilespmem:s12+$0xFFFFFEA0] =	vst v20;
	v25 =	vld.idx.msk [tilespmem:v25+s16+$0x0], $0xffff  }
0x1a3: {  	v27 =	vor.u32 v6, v15;
	v62 =	vld.idx.msk [tilespmem:v19+s16+$0x0], $0xffff;
	[tilespmem:s12+$0xFFFFFF20] =	vst v21  }
0x1a4: {  	v21 =	vor.u32 v3, v10;
	[tilespmem:s6+$0xFFFFFFF0] =	vst v23;
	v63 =	vld.idx.msk [tilespmem:v22+s16+$0x0], $0xffff  }
0x1a5: {  	v30 =	vor.u32 v3, v12;
	[tilespmem:s6+$0xFFFFFF70] =	vst v24;
	v20 =	vld.idx.msk [tilespmem:v16+s16+$0x0], $0xffff  }
0x1a6: {  	v22 =	vld.idx.msk [tilespmem:v14+s16+$0x0], $0xffff;
	[tilespmem:s15+$0xFFFFFEF0] =	vst v18  }
0x1a7: {  	v19 =	vld.idx.msk [tilespmem:v17+s16+$0x0], $0xffff;
	[tilespmem:s15+$0xFFFFFFB0] =	vst v25;
	v25 =	vor.u32 v2, v13  }
0x1a8: {  	v24 =	vor.u32 v4, v8;
	[tilespmem:s29+$0xF910] =	vst v26;
	v17 =	vld.idx.msk [tilespmem:v27+s16+$0x0], $0xffff  }
0x1a9: {  	v15 =	vor.u32 v7, v15;
	v23 =	vor.u32 v4, v9;
	[tilespmem:s12+$0xFFFFFEB0] =	vst v62;
	v18 =	vld.idx.msk [tilespmem:v21+s16+$0x0], $0xffff  }
0x1aa: {  	s24 =	simm.s32 $0xB;
	s23 =	simm.s32 $0xC;
	v14 =	vor.u32 v4, v10;
	v21 =	vor.u32 v3, v11;
	v16 =	vld.idx.msk [tilespmem:v30+s16+$0x0], $0xffff;
	[tilespmem:s12+$0xFFFFFF30] =	vst v63  }
.LBB2_7:
0x1ab: {  	s25 =	sadd.s32 $0x1, s23  }
0x1ac: {  	p2 =	slt.u32 s23, $0x3C;
	v25 =	vld.idx.msk [tilespmem:v25+s16+$0x0], $0xffff;
	v26 =	vor.u32 v3, v13;
	v27 =	vmov s24;
	[tilespmem:s6+$0xFFFFFF80] =	vst v22;
	s24 =	smov.u32 s23;
	s23 =	sadd.s32 $0x4, s23  }
0x1ad: {  	v28 =	vor.u32 v4, v12;
	v22 =	vmov s25;
	s25 =	sadd.s32 $0x2, s24;
	v27 =	vand.u32 $0x3F, v27;
	v24 =	vld.idx.msk [tilespmem:v24+s16+$0x0], $0xffff;
	[tilespmem:s6+$0x0] =	vst v20;
	s6 =	smov.u32 s15;
	s15 =	smov.u32 s12  }
0x1ae: {  	v20 =	vand.u32 $0x3D, v22;
	v22 =	vmov s25;
	v27 =	vbroadcast v27, $0x0;
	[tilespmem:s6+$0xFFFFFF00] =	vst v19;
	v19 =	vld.idx.msk [tilespmem:v23+s16+$0x0], $0xffff  }
0x1af: {  	v23 =	vor.u32 v5, v8;
	v20 =	vbroadcast v20, $0x0;
	v22 =	vand.u32 $0x3E, v22;
	v21 =	vld.idx.msk [tilespmem:v21+s16+$0x0], $0xffff;
	[tilespmem:s9+$0xF960] =	vst v17  }
0x1b0: {  	v17 =	vbroadcast v22, $0x0;
	v22 =	vor.u32 v0, v27;
	v29 =	vor.u32 v4, v27;
	[tilespmem:s6+$0xFFFFFFC0] =	vst v18;
	v15 =	vld.idx.msk [tilespmem:v15+s16+$0x0], $0xffff  }
0x1b1: {  	v18 =	vor.u32 v0, v20;
	[tilespmem:s12+$0xFFFFFEC0] =	vst v16;
	v16 =	vld.idx.msk [tilespmem:v14+s16+$0x0], $0xffff;
	v14 =	vmov v29  }
0x1b2: {  	v29 =	vmov s24;
	v30 =	vor.u32 v0, v17;
	[tilespmem:s29+$0xF920] =	vst v25;
	v25 =	vld.idx.msk [tilespmem:v28+s16+$0x0], $0xffff  }
0x1b3: {  	v28 =	vand.u32 $0x3C, v29;
	v29 =	vor.u32 v5, v10;
	v26 =	vld.idx.msk [tilespmem:v26+s16+$0x0], $0xffff;
	[tilespmem:s2+$0xF940] =	vst v24;
	v24 =	vor.u32 v5, v9  }
0x1b4: {  	v28 =	vbroadcast v28, $0x0;
	v23 =	vld.idx.msk [tilespmem:v23+s16+$0x0], $0xffff;
	[tilespmem:s6+$0xFFFFFF50] =	vst v19  }
0x1b5: {  	v19 =	vor.u32 v5, v12;
	[tilespmem:s12+$0xFFFFFF40] =	vst v21;
	v21 =	vld.idx.msk [tilespmem:v22+s16+$0x0], $0xffff  }
0x1b6: {  	v22 =	vor.u32 v0, v28;
	v18 =	vld.idx.msk [tilespmem:v18+s16+$0x0], $0xffff;
	[tilespmem:s9+$0xF970] =	vst v15;
	s9 =	smov.u32 s2;
	s2 =	smov.u32 s29  }
0x1b7: {  	v15 =	vld.idx.msk [tilespmem:v30+s16+$0x0], $0xffff;
	v30 =	vor.u32 v1, v27;
	[tilespmem:s6+$0xFFFFFFD0] =	vst v16  }
0x1b8: {  	v16 =	vor.u32 v1, v20;
	[tilespmem:s12+$0xFFFFFED0] =	vst v25;
	v24 =	vld.idx.msk [tilespmem:v24+s16+$0x0], $0xffff  }
0x1b9: {  	v25 =	vor.u32 v1, v17;
	[tilespmem:s2+$0xF930] =	vst v26;
	v26 =	vld.idx.msk [tilespmem:v29+s16+$0x0], $0xffff  }
0x1ba: {  	v19 =	vld.idx.msk [tilespmem:v19+s16+$0x0], $0xffff;
	[tilespmem:s9+$0xF950] =	vst v23;
	v23 =	vor.u32 v6, v9  }
0x1bb: {  	s12 =	sadd.s32 $0x200, s12;
	v22 =	vld.idx.msk [tilespmem:v22+s16+$0x0], $0xffff;
	[tilespmem:s15+$0xFFFFFF90] =	vst v21;
	v21 =	vor.u32 v6, v10  }
0x1bc: {  	[tilespmem:s12+$0xFFFFFE90] =	vst v18;
	v18 =	vor.u32 v6, v12;
	v29 =	vld.idx.msk [tilespmem:v30+s16+$0x0], $0xffff  }
0x1bd: {  	v30 =	vor.u32 v1, v28;
	v16 =	vld.idx.msk [tilespmem:v16+s16+$0x0], $0xffff;
	[tilespmem:s12+$0xFFFFFF10] =	vst v15  }
0x1be: {  	v31 =	vor.u32 v2, v27;
	v25 =	vld.idx.msk [tilespmem:v25+s16+$0x0], $0xffff;
	[tilespmem:s6+$0xFFFFFF60] =	vst v24  }
0x1bf: {  	s21 =	sadd.s32 $0x200, s21;
	v24 =	vor.u32 v2, v20;
	v23 =	vld.idx.msk [tilespmem:v23+s16+$0x0], $0xffff;
	[tilespmem:s6+$0xFFFFFFE0] =	vst v26  }
0x1c0: {  	s29 =	sand.u32 $0x7FFFFE00, s21;
	v26 =	vor.u32 v2, v17;
	[tilespmem:s15+$0xFFFFFEE0] =	vst v19;
	v19 =	vld.idx.msk [tilespmem:v21+s16+$0x0], $0xffff  }
0x1c1: {  	v15 =	vor.u32 v7, v8;
	v21 =	vor.u32 v7, v9;
	v9 =	vmov v11;
	[tilespmem:s29+$0xF900] =	vst v22;
	v18 =	vld.idx.msk [tilespmem:v18+s16+$0x0], $0xffff  }
0x1c2: {  	v11 =	vmov v17;
	v30 =	vld.idx.msk [tilespmem:v30+s16+$0x0], $0xffff;
	[tilespmem:s15+$0xFFFFFFA0] =	vst v29;
	v29 =	vor.u32 v7, v10;
	v10 =	vmov v27  }
0x1c3: {  	v27 =	vor.u32 v6, v8;
	[tilespmem:s12+$0xFFFFFEA0] =	vst v16;
	v16 =	vor.u32 v7, v12;
	v17 =	vld.idx.msk [tilespmem:v31+s16+$0x0], $0xffff;
	v12 =	vmov v20  }
0x1c4: {  	v8 =	vmov v13;
	v13 =	vmov v28;
	v31 =	vld.idx.msk [tilespmem:v24+s16+$0x0], $0xffff;
	[tilespmem:s12+$0xFFFFFF20] =	vst v25  }
0x1c5: {  	v28 =	vor.u32 v3, v10;
	v26 =	vld.idx.msk [tilespmem:v26+s16+$0x0], $0xffff;
	[tilespmem:s6+$0xFFFFFF70] =	vst v23  }
0x1c6: {  	v32 =	vor.u32 v3, v12;
	v22 =	vld.idx.msk [tilespmem:v21+s16+$0x0], $0xffff;
	[tilespmem:s6+$0xFFFFFFF0] =	vst v19  }
.Ltmp2:
0x1c7: {  	v25 =	vor.u32 v2, v13;
	[tilespmem:s15+$0xFFFFFEF0] =	vst v18;
	v20 =	vld.idx.msk [tilespmem:v29+s16+$0x0], $0xffff;
	(pc) =	sbr.rel @p2 .LBB2_7-.Ltmp2, $4  }
0x1c8: {  	v24 =	vor.u32 v4, v8;
	[tilespmem:s29+$0xF910] =	vst v30;
	v19 =	vld.idx.msk [tilespmem:v16+s16+$0x0], $0xffff  }
0x1c9: {  	v23 =	vor.u32 v4, v9;
	[tilespmem:s15+$0xFFFFFFB0] =	vst v17;
	v17 =	vld.idx.msk [tilespmem:v27+s16+$0x0], $0xffff  }
0x1ca: {  	v21 =	vor.u32 v3, v11;
	[tilespmem:s12+$0xFFFFFEB0] =	vst v31;
	v18 =	vld.idx.msk [tilespmem:v28+s16+$0x0], $0xffff  }
0x1cb: {  	s24 =	sadd.s32 $0x3, s24;
	v16 =	vld.idx.msk [tilespmem:v32+s16+$0x0], $0xffff;
	[tilespmem:s12+$0xFFFFFF30] =	vst v26  }
0x1cc: {  	v26 =	vmov s24  }
0x1cd: {  	v26 =	vand.u32 $0x3F, v26  }
0x1ce: {  	v26 =	vbroadcast v26, $0x0;
	_ =	sdelay $0x1  }
0x1cf: {  	v27 =	vor.u32 v0, v26;
	_ =	sdelay $0x4  }
0x1d0: {  	v27 =	vld.idx.msk [tilespmem:v27+s16+$0x0], $0xffff  }
0x1d1: {  	v28 =	vor.u32 v1, v26;
	_ =	sdelay $0x3  }
0x1d2: {  	[tilespmem:s12+$0xFFFFFF90] =	vst v27  }
0x1d3: {  	v27 =	vld.idx.msk [tilespmem:v28+s16+$0x0], $0xffff  }
0x1d4: {  	v55 =	vor.u32 v2, v26  }
0x1d5: {  	[tilespmem:s6+$0xFFFFFF80] =	vst v22  }
0x1d6: {  	[tilespmem:s6+$0x0] =	vst v20  }
0x1d7: {  	v20 =	vld.idx.msk [tilespmem:v25+s16+$0x0], $0xffff;
	[tilespmem:s15+$0xFFFFFF00] =	vst v19  }
0x1d8: {  	v19 =	vld.idx.msk [tilespmem:v24+s16+$0x0], $0xffff;
	[tilespmem:s12+$0xFFFFFFA0] =	vst v27  }
0x1d9: {  	v22 =	vor.u32 v4, v12;
	[tilespmem:s9+$0xF960] =	vst v17;
	v17 =	vld.idx.msk [tilespmem:v55+s16+$0x0], $0xffff  }
0x1da: {  	v23 =	vld.idx.msk [tilespmem:v23+s16+$0x0], $0xffff;
	[tilespmem:s15+$0xFFFFFFC0] =	vst v18;
	v18 =	vor.u32 v3, v26  }
0x1db: {  	v21 =	vld.idx.msk [tilespmem:v21+s16+$0x0], $0xffff;
	v24 =	vor.u32 v3, v13;
	[tilespmem:s12+$0xFFFFFEC0] =	vst v16  }
0x1dc: {  	v15 =	vld.idx.msk [tilespmem:v15+s16+$0x0], $0xffff;
	v16 =	vor.u32 v5, v8;
	[tilespmem:s29+$0xF920] =	vst v20  }
0x1dd: {  	v14 =	vld.idx.msk [tilespmem:v14+s16+$0x0], $0xffff;
	[tilespmem:s2+$0xF940] =	vst v19;
	v19 =	vor.u32 v5, v9  }
0x1de: {  	v20 =	vld.idx.msk [tilespmem:v22+s16+$0x0], $0xffff;
	v22 =	vor.u32 v5, v10;
	[tilespmem:s12+$0xFFFFFFB0] =	vst v17  }
0x1df: {  	[tilespmem:s15+$0xFFFFFF50] =	vst v23;
	v17 =	vor.u32 v4, v11;
	v18 =	vld.idx.msk [tilespmem:v18+s16+$0x0], $0xffff  }
0x1e0: {  	v23 =	vor.u32 v4, v26;
	[tilespmem:s12+$0xFFFFFF40] =	vst v21;
	v24 =	vld.idx.msk [tilespmem:v24+s16+$0x0], $0xffff  }
0x1e1: {  	[tilespmem:s9+$0xF970] =	vst v15;
	v15 =	vor.u32 v4, v13;
	v16 =	vld.idx.msk [tilespmem:v16+s16+$0x0], $0xffff  }
0x1e2: {  	v21 =	vor.u32 v5, v12;
	[tilespmem:s15+$0xFFFFFFD0] =	vst v14;
	v14 =	vld.idx.msk [tilespmem:v19+s16+$0x0], $0xffff  }
0x1e3: {  	[tilespmem:s12+$0xFFFFFED0] =	vst v20;
	v20 =	vor.u32 v6, v9;
	v19 =	vld.idx.msk [tilespmem:v22+s16+$0x0], $0xffff  }
0x1e4: {  	v22 =	vor.u32 v6, v10;
	v17 =	vld.idx.msk [tilespmem:v17+s16+$0x0], $0xffff;
	[tilespmem:s12+$0xFFFFFFC0] =	vst v18  }
0x1e5: {  	[tilespmem:s29+$0xF930] =	vst v24;
	v18 =	vld.idx.msk [tilespmem:v23+s16+$0x0], $0xffff;
	v23 =	vor.u32 v5, v11  }
0x1e6: {  	v15 =	vld.idx.msk [tilespmem:v15+s16+$0x0], $0xffff;
	[tilespmem:s2+$0xF950] =	vst v16;
	v16 =	vor.u32 v5, v26  }
0x1e7: {  	v21 =	vld.idx.msk [tilespmem:v21+s16+$0x0], $0xffff;
	[tilespmem:s15+$0xFFFFFF60] =	vst v14;
	v14 =	vor.u32 v5, v13  }
0x1e8: {  	v24 =	vor.u32 v6, v12;
	[tilespmem:s15+$0xFFFFFFE0] =	vst v19;
	v20 =	vld.idx.msk [tilespmem:v20+s16+$0x0], $0xffff  }
0x1e9: {  	v9 =	vor.u32 v7, v9;
	v19 =	vld.idx.msk [tilespmem:v22+s16+$0x0], $0xffff;
	[tilespmem:s12+$0xFFFFFF50] =	vst v17  }
0x1ea: {  	v17 =	vor.u32 v6, v8;
	[tilespmem:s12+$0xFFFFFFD0] =	vst v18;
	v18 =	vld.idx.msk [tilespmem:v23+s16+$0x0], $0xffff  }
0x1eb: {  	[tilespmem:s29+$0xF940] =	vst v15;
	v15 =	vld.idx.msk [tilespmem:v16+s16+$0x0], $0xffff;
	v16 =	vor.u32 v6, v11  }
0x1ec: {  	[tilespmem:s12+$0xFFFFFEE0] =	vst v21;
	v21 =	vor.u32 v6, v26;
	v14 =	vld.idx.msk [tilespmem:v14+s16+$0x0], $0xffff  }
0x1ed: {  	v22 =	vld.idx.msk [tilespmem:v24+s16+$0x0], $0xffff;
	[tilespmem:s15+$0xFFFFFF70] =	vst v20;
	v20 =	vor.u32 v6, v13  }
0x1ee: {  	v10 =	vor.u32 v7, v10;
	[tilespmem:s15+$0xFFFFFFF0] =	vst v19;
	v9 =	vld.idx.msk [tilespmem:v9+s16+$0x0], $0xffff  }
0x1ef: {  	v12 =	vor.u32 v7, v12;
	v17 =	vld.idx.msk [tilespmem:v17+s16+$0x0], $0xffff;
	[tilespmem:s12+$0xFFFFFF60] =	vst v18  }
0x1f0: {  	v8 =	vor.u32 v7, v8;
	v16 =	vld.idx.msk [tilespmem:v16+s16+$0x0], $0xffff;
	[tilespmem:s12+$0xFFFFFFE0] =	vst v15  }
0x1f1: {  	[tilespmem:s29+$0xF950] =	vst v14;
	v11 =	vor.u32 v7, v11;
	v14 =	vld.idx.msk [tilespmem:v21+s16+$0x0], $0xffff  }
0x1f2: {  	[tilespmem:s12+$0xFFFFFEF0] =	vst v22;
	v18 =	vld.idx.msk [tilespmem:v20+s16+$0x0], $0xffff;
	v15 =	vor.u32 v7, v26  }
0x1f3: {  	v10 =	vld.idx.msk [tilespmem:v10+s16+$0x0], $0xffff;
	[tilespmem:s15+$0xFFFFFF80] =	vst v9;
	v9 =	vor.u32 v7, v13  }
0x1f4: {  	v12 =	vld.idx.msk [tilespmem:v12+s16+$0x0], $0xffff;
	[tilespmem:s2+$0xF960] =	vst v17  }
0x1f5: {  	v8 =	vld.idx.msk [tilespmem:v8+s16+$0x0], $0xffff;
	[tilespmem:s12+$0xFFFFFF70] =	vst v16  }
0x1f6: {  	v11 =	vld.idx.msk [tilespmem:v11+s16+$0x0], $0xffff;
	[tilespmem:s12+$0xFFFFFFF0] =	vst v14  }
0x1f7: {  	[tilespmem:s29+$0xF960] =	vst v18;
	v13 =	vld.idx.msk [tilespmem:v15+s16+$0x0], $0xffff  }
0x1f8: {  	[tilespmem:s15+$0x0] =	vst v10;
	v9 =	vld.idx.msk [tilespmem:v9+s16+$0x0], $0xffff  }
0x1f9: {  	[tilespmem:s12+$0xFFFFFF00] =	vst v12  }
0x1fa: {  	[tilespmem:s2+$0xF970] =	vst v8  }
0x1fb: {  	s9 =	sadd.s32 s8, s11;
	[tilespmem:s12+$0xFFFFFF80] =	vst v11  }
0x1fc: {  	s2 =	sshrl.u32 s9, $0x3;
	[tilespmem:s12+$0x0] =	vst v13;
	s12 =	simm.s32 $0x1  }
0x1fd: {  	s11 =	simm.s32 $0xF900;
	s2 =	sadd.s32 s4, s2;
	[tilespmem:s29+$0xF970] =	vst v9;
	v8 =	vmov s12  }
0x1fe: {  	[hbm4b:s2+s19] =	stream.strided.scatter [tilespmem:s11], [sflag:$0x2], $0x2000, s20, s19, $0x38;
	v8 =	vand.u32 $0x3D, v8;
	[tilespmem:$0x15900] =	vst v63  }
0x1ff: {  	_ =	swait.ge [sflag:s17], $0x2000;
	v10 =	vbroadcast v8, $0x0  }
0x200: {  	s6 =	simm.s32 @!p0 $0x80;
	[sflag:s17] =	ssyncset.done $0x0  }
0x201: {  	s9 =	simm.s32 @!p0 $0x3900;
	s2 =	sadd.s32 @!p0 $0x300, s1;
	[sflag:s17] =	ssyncadd.s32 $0xFFFFE000;
	v8 =	vor.u32 v0, v10  }
0x202: {  	[tilespmem:s9], [sflag:$0x1] =	stream.indirect.gather @!p0 [hbm4b:s3+s6], $0x40, s2, s6, $0xb8;
	[tilespmem:$0x15900] =	vst v63  }
0x203: {  	_ =	swait.ge @p1 [sflag:s28], $0x2000  }
0x204: {  	[sflag:s28] =	ssyncset.done @p1 $0x0  }
0x205: {  	[sflag:s28] =	ssyncadd.s32 @p1 $0xFFFFE000  }
0x206: {  	v8 =	vld.idx.msk [tilespmem:v8+s18+$0x0], $0xffff  }
0x207: {  	v9 =	vor.u32 v1, v10;
	_ =	sdelay $0x2  }
0x208: {  	s2 =	simm.s32 $0x11AF0  }
0x209: {  	s15 =	simm.s32 $0x2;
	[tilespmem:s2+$0xFFFFFE90] =	vst v8  }
0x20a: {  	s21 =	simm.s32 $0x0;
	v8 =	vmov s15;
	v9 =	vld.idx.msk [tilespmem:v9+s18+$0x0], $0xffff  }
0x20b: {  	v11 =	vmov s21;
	v12 =	vor.u32 v2, v10;
	v8 =	vand.u32 $0x3E, v8  }
0x20c: {  	v15 =	vbroadcast v8, $0x0;
	v8 =	vand.u32 $0x3C, v11  }
0x20d: {  	v14 =	vbroadcast v8, $0x0  }
0x20e: {  	v8 =	vor.u32 v0, v15  }
0x20f: {  	v11 =	vor.u32 v0, v14;
	[tilespmem:s2+$0xFFFFFEA0] =	vst v9  }
0x210: {  	v9 =	vld.idx.msk [tilespmem:v12+s18+$0x0], $0xffff  }
0x211: {  	v12 =	vor.u32 v3, v10;
	_ =	sdelay $0x1  }
0x212: {  	s23 =	simm.s32 $0x3;
	v8 =	vld.idx.msk [tilespmem:v8+s18+$0x0], $0xffff  }
0x213: {  	s24 =	simm.s32 $0x5;
	v16 =	vmov s23;
	v13 =	vor.u32 v1, v15;
	v11 =	vld.idx.msk [tilespmem:v11+s18+$0x0], $0xffff  }
0x214: {  	v16 =	vand.u32 $0x3F, v16;
	v18 =	vor.u32 v1, v14;
	[tilespmem:s2+$0xFFFFFEB0] =	vst v9;
	v9 =	vmov s24  }
0x215: {  	v16 =	vbroadcast v16, $0x0;
	v12 =	vld.idx.msk [tilespmem:v12+s18+$0x0], $0xffff;
	v9 =	vand.u32 $0x3D, v9  }
0x216: {  	s25 =	simm.s32 $0x6;
	v19 =	vor.u32 v4, v10;
	v17 =	vbroadcast v9, $0x0  }
0x217: {  	v20 =	vor.u32 v0, v16;
	s9 =	sand.u32 $0x7FFFFE00, s21;
	[tilespmem:s2+$0xFFFFFF10] =	vst v8;
	v8 =	vmov s25  }
0x218: {  	v13 =	vld.idx.msk [tilespmem:v13+s18+$0x0], $0xffff;
	[tilespmem:s9+$0x11900] =	vst v11;
	v8 =	vand.u32 $0x3E, v8;
	v11 =	vor.u32 v0, v17  }
0x219: {  	v21 =	vor.u32 v2, v15;
	v18 =	vld.idx.msk [tilespmem:v18+s18+$0x0], $0xffff;
	v9 =	vbroadcast v8, $0x0  }
0x21a: {  	s11 =	simm.s32 $0x4;
	v22 =	vor.u32 v2, v14;
	[tilespmem:s2+$0xFFFFFEC0] =	vst v12  }
0x21b: {  	v8 =	vmov s11;
	v12 =	vor.u32 v0, v9;
	v19 =	vld.idx.msk [tilespmem:v19+s18+$0x0], $0xffff  }
0x21c: {  	v23 =	vor.u32 v5, v10;
	v20 =	vld.idx.msk [tilespmem:v20+s18+$0x0], $0xffff;
	v8 =	vand.u32 $0x3C, v8  }
0x21d: {  	s9 =	sadd.s32 $0x11900, s9;
	v8 =	vbroadcast v8, $0x0;
	[tilespmem:s2+$0xFFFFFF20] =	vst v13;
	v13 =	vor.u32 v1, v16;
	v11 =	vld.idx.msk [tilespmem:v11+s18+$0x0], $0xffff  }
0x21e: {  	v21 =	vld.idx.msk [tilespmem:v21+s18+$0x0], $0xffff;
	[tilespmem:s9+$0x10] =	vst v18;
	v18 =	vor.u32 v1, v17  }
0x21f: {  	v24 =	vor.u32 v0, v8;
	v22 =	vld.idx.msk [tilespmem:v22+s18+$0x0], $0xffff  }
0x220: {  	v25 =	vor.u32 v3, v15;
	v12 =	vld.idx.msk [tilespmem:v12+s18+$0x0], $0xffff;
	[tilespmem:s2+$0xFFFFFED0] =	vst v19  }
0x221: {  	[tilespmem:s2+$0xFFFFFF90] =	vst v20;
	s11 =	simm.s32 $0x11CF0;
	v19 =	vor.u32 v1, v9;
	v23 =	vld.idx.msk [tilespmem:v23+s18+$0x0], $0xffff  }
0x222: {  	v13 =	vld.idx.msk [tilespmem:v13+s18+$0x0], $0xffff;
	[tilespmem:s11+$0xFFFFFE90] =	vst v11;
	v11 =	vor.u32 v6, v10  }
0x223: {  	v20 =	vor.u32 v2, v16;
	v18 =	vld.idx.msk [tilespmem:v18+s18+$0x0], $0xffff  }
0x224: {  	[tilespmem:s2+$0xFFFFFF30] =	vst v21;
	v21 =	vld.idx.msk [tilespmem:v24+s18+$0x0], $0xffff;
	v24 =	vor.u32 v2, v17  }
0x225: {  	v26 =	vor.u32 v1, v8;
	v25 =	vld.idx.msk [tilespmem:v25+s18+$0x0], $0xffff;
	[tilespmem:s11+$0xFFFFFF10] =	vst v12  }
0x226: {  	v12 =	vor.u32 v3, v14;
	v19 =	vld.idx.msk [tilespmem:v19+s18+$0x0], $0xffff;
	[tilespmem:s2+$0xFFFFFEE0] =	vst v23  }
0x227: {  	s12 =	simm.s32 $0x200;
	v23 =	vor.u32 v2, v9;
	[tilespmem:s2+$0xFFFFFFA0] =	vst v13;
	v11 =	vld.idx.msk [tilespmem:v11+s18+$0x0], $0xffff  }
0x228: {  	s6 =	sand.u32 $0x7FFFFE00, s12;
	v10 =	vor.u32 v7, v10;
	v13 =	vld.idx.msk [tilespmem:v20+s18+$0x0], $0xffff;
	[tilespmem:s11+$0xFFFFFEA0] =	vst v18  }
0x229: {  	[tilespmem:s6+$0x11900] =	vst v21;
	v20 =	vor.u32 v3, v16;
	v18 =	vld.idx.msk [tilespmem:v24+s18+$0x0], $0xffff  }
0x22a: {  	[tilespmem:s9+$0x20] =	vst v22;
	v22 =	vor.u32 v3, v17;
	v21 =	vld.idx.msk [tilespmem:v26+s18+$0x0], $0xffff  }
0x22b: {  	v12 =	vld.idx.msk [tilespmem:v12+s18+$0x0], $0xffff;
	[tilespmem:s11+$0xFFFFFF20] =	vst v19;
	v19 =	vor.u32 v2, v8  }
0x22c: {  	v23 =	vld.idx.msk [tilespmem:v23+s18+$0x0], $0xffff;
	[tilespmem:s2+$0xFFFFFEF0] =	vst v11;
	v11 =	vor.u32 v4, v14  }
0x22d: {  	s15 =	simm.s32 $0x7;
	v26 =	vor.u32 v4, v15;
	[tilespmem:s2+$0xFFFFFFB0] =	vst v13;
	v24 =	vld.idx.msk [tilespmem:v10+s18+$0x0], $0xffff  }
0x22e: {  	s6 =	sadd.s32 $0x11900, s6;
	v13 =	vor.u32 v3, v9;
	v10 =	vmov s15;
	[tilespmem:s11+$0xFFFFFEB0] =	vst v18;
	v18 =	vld.idx.msk [tilespmem:v20+s18+$0x0], $0xffff  }
0x22f: {  	s21 =	simm.s32 $0x9;
	[tilespmem:s6+$0x10] =	vst v21;
	v20 =	vor.u32 v4, v16;
	v10 =	vand.u32 $0x3F, v10;
	v21 =	vld.idx.msk [tilespmem:v22+s18+$0x0], $0xffff  }
0x230: {  	s23 =	simm.s32 $0xA;
	v27 =	vor.u32 v4, v17;
	[tilespmem:s9+$0x30] =	vst v12;
	v12 =	vmov s21;
	v19 =	vld.idx.msk [tilespmem:v19+s18+$0x0], $0xffff;
	v10 =	vbroadcast v10, $0x0  }
0x231: {  	v56 =	vmov s23;
	[tilespmem:s2+$0xFFFFFF40] =	vst v25;
	v22 =	vor.u32 v3, v8;
	v25 =	vld.idx.msk [tilespmem:v11+s18+$0x0], $0xffff;
	v11 =	vand.u32 $0x3D, v12  }
0x232: {  	[tilespmem:s11+$0xFFFFFF30] =	vst v23;
	v23 =	vld.idx.msk [tilespmem:v26+s18+$0x0], $0xffff;
	v29 =	vor.u32 v0, v10;
	v12 =	vbroadcast v11, $0x0;
	v11 =	vand.u32 $0x3E, v56  }
0x233: {  	v26 =	vor.u32 v5, v14;
	v57 =	vld.idx.msk [tilespmem:v13+s18+$0x0], $0xffff;
	v11 =	vbroadcast v11, $0x0;
	[tilespmem:s2+$0xFFFFFFC0] =	vst v18  }
0x234: {  	s24 =	simm.s32 $0x8;
	v18 =	vor.u32 v0, v12;
	[tilespmem:s11+$0xFFFFFEC0] =	vst v21;
	v20 =	vld.idx.msk [tilespmem:v20+s18+$0x0], $0xffff  }
0x235: {  	v13 =	vmov s24;
	[tilespmem:s6+$0x20] =	vst v19;
	v21 =	vor.u32 v0, v11;
	v19 =	vld.idx.msk [tilespmem:v27+s18+$0x0], $0xffff  }
0x236: {  	v13 =	vand.u32 $0x3C, v13;
	[tilespmem:s2+$0xFFFFFF00] =	vst v24;
	v24 =	vor.u32 v5, v16;
	v22 =	vld.idx.msk [tilespmem:v22+s18+$0x0], $0xffff  }
0x237: {  	v13 =	vbroadcast v13, $0x0;
	[tilespmem:s9+$0x40] =	vst v25;
	v25 =	vor.u32 v5, v15;
	v27 =	vld.idx.msk [tilespmem:v29+s18+$0x0], $0xffff  }
0x238: {  	[tilespmem:s2+$0xFFFFFF50] =	vst v23;
	v23 =	vor.u32 v5, v17;
	v26 =	vld.idx.msk [tilespmem:v26+s18+$0x0], $0xffff  }
0x239: {  	v58 =	vor.u32 v0, v13;
	v18 =	vld.idx.msk [tilespmem:v18+s18+$0x0], $0xffff;
	[tilespmem:s2+$0xFFFFFFD0] =	vst v20  }
0x23a: {  	v59 =	vor.u32 v1, v10;
	v21 =	vld.idx.msk [tilespmem:v21+s18+$0x0], $0xffff;
	[tilespmem:s11+$0xFFFFFED0] =	vst v19  }
0x23b: {  	v20 =	vor.u32 v1, v12;
	[tilespmem:s6+$0x30] =	vst v22;
	v22 =	vld.idx.msk [tilespmem:v24+s18+$0x0], $0xffff  }
0x23c: {  	v19 =	vld.idx.msk [tilespmem:v25+s18+$0x0], $0xffff;
	v25 =	vor.u32 v1, v11;
	[tilespmem:s11+$0xFFFFFF90] =	vst v27  }
0x23d: {  	s15 =	simm.s32 $0x11EF0;
	v23 =	vld.idx.msk [tilespmem:v23+s18+$0x0], $0xffff;
	v27 =	vor.u32 v6, v16;
	[tilespmem:s9+$0x50] =	vst v26  }
0x23e: {  	v24 =	vor.u32 v6, v15;
	v26 =	vld.idx.msk [tilespmem:v58+s18+$0x0], $0xffff;
	[tilespmem:s15+$0xFFFFFE90] =	vst v18  }
0x23f: {  	v61 =	vor.u32 v1, v13;
	v60 =	vld.idx.msk [tilespmem:v59+s18+$0x0], $0xffff;
	[tilespmem:s15+$0xFFFFFF10] =	vst v21  }
0x240: {  	v18 =	vor.u32 v6, v17;
	v20 =	vld.idx.msk [tilespmem:v20+s18+$0x0], $0xffff;
	[tilespmem:s2+$0xFFFFFFE0] =	vst v22  }
0x241: {  	s29 =	simm.s32 $0x400;
	v21 =	vld.idx.msk [tilespmem:v25+s18+$0x0], $0xffff;
	v25 =	vor.u32 v2, v10;
	[tilespmem:s2+$0xFFFFFF60] =	vst v19  }
0x242: {  	s25 =	sand.u32 $0x7FFFFE00, s29;
	v19 =	vor.u32 v2, v12;
	[tilespmem:s11+$0xFFFFFEE0] =	vst v23;
	v23 =	vld.idx.msk [tilespmem:v27+s18+$0x0], $0xffff  }
0x243: {  	v22 =	vor.u32 v2, v11;
	v24 =	vld.idx.msk [tilespmem:v24+s18+$0x0], $0xffff;
	[tilespmem:s25+$0x11900] =	vst v26  }
0x244: {  	[tilespmem:s11+$0xFFFFFF40] =	vst v57;
	v16 =	vor.u32 v7, v16;
	v26 =	vld.idx.msk [tilespmem:v61+s18+$0x0], $0xffff  }
0x245: {  	v15 =	vor.u32 v7, v15;
	[tilespmem:s11+$0xFFFFFFA0] =	vst v60;
	v18 =	vld.idx.msk [tilespmem:v18+s18+$0x0], $0xffff  }
0x246: {  	v17 =	vor.u32 v7, v17;
	[tilespmem:s15+$0xFFFFFEA0] =	vst v20;
	v25 =	vld.idx.msk [tilespmem:v25+s18+$0x0], $0xffff  }
0x247: {  	v27 =	vor.u32 v6, v14;
	v62 =	vld.idx.msk [tilespmem:v19+s18+$0x0], $0xffff;
	[tilespmem:s15+$0xFFFFFF20] =	vst v21  }
0x248: {  	[tilespmem:s2+$0xFFFFFFF0] =	vst v23;
	v63 =	vld.idx.msk [tilespmem:v22+s18+$0x0], $0xffff;
	v22 =	vor.u32 v3, v10  }
0x249: {  	v30 =	vor.u32 v3, v12;
	[tilespmem:s2+$0xFFFFFF70] =	vst v24;
	v21 =	vld.idx.msk [tilespmem:v16+s18+$0x0], $0xffff  }
0x24a: {  	v20 =	vld.idx.msk [tilespmem:v15+s18+$0x0], $0xffff;
	[tilespmem:s11+$0xFFFFFEF0] =	vst v18  }
0x24b: {  	s12 =	sadd.s32 $0x11900, s25;
	v19 =	vld.idx.msk [tilespmem:v17+s18+$0x0], $0xffff;
	[tilespmem:s11+$0xFFFFFFB0] =	vst v25;
	v25 =	vor.u32 v2, v13  }
0x24c: {  	v24 =	vor.u32 v4, v8;
	[tilespmem:s12+$0x10] =	vst v26;
	v17 =	vld.idx.msk [tilespmem:v27+s18+$0x0], $0xffff  }
0x24d: {  	v14 =	vor.u32 v7, v14;
	v23 =	vor.u32 v4, v9;
	[tilespmem:s15+$0xFFFFFEB0] =	vst v62;
	v18 =	vld.idx.msk [tilespmem:v22+s18+$0x0], $0xffff  }
0x24e: {  	s23 =	simm.s32 $0xB;
	s21 =	simm.s32 $0xC;
	v15 =	vor.u32 v4, v10;
	v22 =	vor.u32 v3, v11;
	v16 =	vld.idx.msk [tilespmem:v30+s18+$0x0], $0xffff;
	[tilespmem:s15+$0xFFFFFF30] =	vst v63  }
.LBB2_9:
0x24f: {  	s24 =	sadd.s32 $0x1, s21  }
0x250: {  	p2 =	slt.u32 s21, $0x3C;
	v25 =	vld.idx.msk [tilespmem:v25+s18+$0x0], $0xffff;
	v26 =	vor.u32 v3, v13;
	v27 =	vmov s23;
	[tilespmem:s2+$0xFFFFFF80] =	vst v20;
	s23 =	smov.u32 s21;
	s21 =	sadd.s32 $0x4, s21  }
0x251: {  	v28 =	vor.u32 v4, v12;
	v20 =	vmov s24;
	s24 =	sadd.s32 $0x2, s23;
	v27 =	vand.u32 $0x3F, v27;
	v24 =	vld.idx.msk [tilespmem:v24+s18+$0x0], $0xffff;
	[tilespmem:s2+$0x0] =	vst v21;
	s2 =	smov.u32 s11;
	s11 =	smov.u32 s15  }
0x252: {  	v20 =	vand.u32 $0x3D, v20;
	v21 =	vmov s24;
	v27 =	vbroadcast v27, $0x0;
	[tilespmem:s2+$0xFFFFFF00] =	vst v19;
	v19 =	vld.idx.msk [tilespmem:v23+s18+$0x0], $0xffff  }
0x253: {  	v23 =	vor.u32 v5, v8;
	v20 =	vbroadcast v20, $0x0;
	v21 =	vand.u32 $0x3E, v21;
	v22 =	vld.idx.msk [tilespmem:v22+s18+$0x0], $0xffff;
	[tilespmem:s9+$0x60] =	vst v17  }
0x254: {  	v17 =	vbroadcast v21, $0x0;
	v21 =	vor.u32 v0, v27;
	v29 =	vor.u32 v4, v27;
	[tilespmem:s2+$0xFFFFFFC0] =	vst v18;
	v14 =	vld.idx.msk [tilespmem:v14+s18+$0x0], $0xffff  }
0x255: {  	v18 =	vor.u32 v0, v20;
	[tilespmem:s15+$0xFFFFFEC0] =	vst v16;
	v16 =	vld.idx.msk [tilespmem:v15+s18+$0x0], $0xffff;
	v15 =	vmov v29  }
0x256: {  	v29 =	vmov s23;
	v30 =	vor.u32 v0, v17;
	[tilespmem:s12+$0x20] =	vst v25;
	v25 =	vld.idx.msk [tilespmem:v28+s18+$0x0], $0xffff  }
0x257: {  	v28 =	vand.u32 $0x3C, v29;
	v29 =	vor.u32 v5, v10;
	v26 =	vld.idx.msk [tilespmem:v26+s18+$0x0], $0xffff;
	[tilespmem:s6+$0x40] =	vst v24;
	v24 =	vor.u32 v5, v9  }
0x258: {  	v28 =	vbroadcast v28, $0x0;
	v23 =	vld.idx.msk [tilespmem:v23+s18+$0x0], $0xffff;
	[tilespmem:s2+$0xFFFFFF50] =	vst v19  }
0x259: {  	v19 =	vor.u32 v5, v12;
	[tilespmem:s15+$0xFFFFFF40] =	vst v22;
	v21 =	vld.idx.msk [tilespmem:v21+s18+$0x0], $0xffff  }
0x25a: {  	v22 =	vor.u32 v0, v28;
	v18 =	vld.idx.msk [tilespmem:v18+s18+$0x0], $0xffff;
	[tilespmem:s9+$0x70] =	vst v14;
	s9 =	smov.u32 s6;
	s6 =	smov.u32 s12  }
0x25b: {  	v14 =	vld.idx.msk [tilespmem:v30+s18+$0x0], $0xffff;
	v30 =	vor.u32 v1, v27;
	[tilespmem:s2+$0xFFFFFFD0] =	vst v16  }
0x25c: {  	v16 =	vor.u32 v1, v20;
	[tilespmem:s15+$0xFFFFFED0] =	vst v25;
	v24 =	vld.idx.msk [tilespmem:v24+s18+$0x0], $0xffff  }
0x25d: {  	v25 =	vor.u32 v1, v17;
	[tilespmem:s6+$0x30] =	vst v26;
	v26 =	vld.idx.msk [tilespmem:v29+s18+$0x0], $0xffff  }
0x25e: {  	v19 =	vld.idx.msk [tilespmem:v19+s18+$0x0], $0xffff;
	[tilespmem:s9+$0x50] =	vst v23;
	v23 =	vor.u32 v6, v9  }
0x25f: {  	s15 =	sadd.s32 $0x200, s15;
	v22 =	vld.idx.msk [tilespmem:v22+s18+$0x0], $0xffff;
	[tilespmem:s11+$0xFFFFFF90] =	vst v21;
	v21 =	vor.u32 v6, v10  }
0x260: {  	[tilespmem:s15+$0xFFFFFE90] =	vst v18;
	v18 =	vor.u32 v6, v12;
	v29 =	vld.idx.msk [tilespmem:v30+s18+$0x0], $0xffff  }
0x261: {  	v30 =	vor.u32 v1, v28;
	v16 =	vld.idx.msk [tilespmem:v16+s18+$0x0], $0xffff;
	[tilespmem:s15+$0xFFFFFF10] =	vst v14  }
0x262: {  	v31 =	vor.u32 v2, v27;
	v25 =	vld.idx.msk [tilespmem:v25+s18+$0x0], $0xffff;
	[tilespmem:s2+$0xFFFFFF60] =	vst v24  }
0x263: {  	s29 =	sadd.s32 $0x200, s29;
	v24 =	vor.u32 v2, v20;
	v23 =	vld.idx.msk [tilespmem:v23+s18+$0x0], $0xffff;
	[tilespmem:s2+$0xFFFFFFE0] =	vst v26  }
0x264: {  	s12 =	sand.u32 $0x7FFFFE00, s29;
	v26 =	vor.u32 v2, v17;
	[tilespmem:s11+$0xFFFFFEE0] =	vst v19;
	v19 =	vld.idx.msk [tilespmem:v21+s18+$0x0], $0xffff  }
0x265: {  	v14 =	vor.u32 v7, v8;
	v21 =	vor.u32 v7, v9;
	v9 =	vmov v11;
	[tilespmem:s12+$0x11900] =	vst v22;
	v18 =	vld.idx.msk [tilespmem:v18+s18+$0x0], $0xffff  }
0x266: {  	v11 =	vmov v17;
	v22 =	vld.idx.msk [tilespmem:v30+s18+$0x0], $0xffff;
	[tilespmem:s11+$0xFFFFFFA0] =	vst v29;
	v29 =	vor.u32 v7, v10;
	v10 =	vmov v27  }
0x267: {  	v27 =	vor.u32 v6, v8;
	[tilespmem:s15+$0xFFFFFEA0] =	vst v16;
	v16 =	vor.u32 v7, v12;
	v17 =	vld.idx.msk [tilespmem:v31+s18+$0x0], $0xffff;
	v12 =	vmov v20  }
0x268: {  	v8 =	vmov v13;
	v13 =	vmov v28;
	v30 =	vld.idx.msk [tilespmem:v24+s18+$0x0], $0xffff;
	[tilespmem:s15+$0xFFFFFF20] =	vst v25  }
0x269: {  	v28 =	vor.u32 v3, v10;
	v26 =	vld.idx.msk [tilespmem:v26+s18+$0x0], $0xffff;
	[tilespmem:s2+$0xFFFFFF70] =	vst v23  }
0x26a: {  	v31 =	vor.u32 v3, v12;
	v20 =	vld.idx.msk [tilespmem:v21+s18+$0x0], $0xffff;
	[tilespmem:s2+$0xFFFFFFF0] =	vst v19  }
.Ltmp3:
0x26b: {  	s12 =	sadd.s32 $0x11900, s12;
	v25 =	vor.u32 v2, v13;
	[tilespmem:s11+$0xFFFFFEF0] =	vst v18;
	v21 =	vld.idx.msk [tilespmem:v29+s18+$0x0], $0xffff;
	(pc) =	sbr.rel @p2 .LBB2_9-.Ltmp3, $4  }
0x26c: {  	v24 =	vor.u32 v4, v8;
	[tilespmem:s12+$0x10] =	vst v22;
	v19 =	vld.idx.msk [tilespmem:v16+s18+$0x0], $0xffff  }
0x26d: {  	v23 =	vor.u32 v4, v9;
	[tilespmem:s11+$0xFFFFFFB0] =	vst v17;
	v17 =	vld.idx.msk [tilespmem:v27+s18+$0x0], $0xffff  }
0x26e: {  	v22 =	vor.u32 v3, v11;
	[tilespmem:s15+$0xFFFFFEB0] =	vst v30;
	v18 =	vld.idx.msk [tilespmem:v28+s18+$0x0], $0xffff  }
0x26f: {  	s23 =	sadd.s32 $0x3, s23;
	v16 =	vld.idx.msk [tilespmem:v31+s18+$0x0], $0xffff;
	[tilespmem:s15+$0xFFFFFF30] =	vst v26  }
0x270: {  	v26 =	vmov s23  }
0x271: {  	v26 =	vand.u32 $0x3F, v26  }
0x272: {  	v26 =	vbroadcast v26, $0x0;
	_ =	sdelay $0x1  }
0x273: {  	v27 =	vor.u32 v0, v26;
	_ =	sdelay $0x4  }
0x274: {  	v27 =	vld.idx.msk [tilespmem:v27+s18+$0x0], $0xffff  }
0x275: {  	v28 =	vor.u32 v1, v26  }
0x276: {  	[tilespmem:s2+$0xFFFFFF80] =	vst v20  }
0x277: {  	[tilespmem:s2+$0x0] =	vst v21  }
0x278: {  	v20 =	vld.idx.msk [tilespmem:v25+s18+$0x0], $0xffff;
	[tilespmem:s11+$0xFFFFFF00] =	vst v19  }
0x279: {  	v19 =	vld.idx.msk [tilespmem:v24+s18+$0x0], $0xffff;
	[tilespmem:s15+$0xFFFFFF90] =	vst v27  }
0x27a: {  	v21 =	vor.u32 v4, v12;
	[tilespmem:s9+$0x60] =	vst v17;
	v27 =	vld.idx.msk [tilespmem:v28+s18+$0x0], $0xffff  }
0x27b: {  	[tilespmem:s11+$0xFFFFFFC0] =	vst v18;
	v55 =	vor.u32 v2, v26  }
0x27c: {  	v23 =	vld.idx.msk [tilespmem:v23+s18+$0x0], $0xffff;
	[tilespmem:s15+$0xFFFFFEC0] =	vst v16  }
0x27d: {  	v14 =	vld.idx.msk [tilespmem:v14+s18+$0x0], $0xffff;
	[tilespmem:s12+$0x20] =	vst v20  }
0x27e: {  	v24 =	vor.u32 v3, v13;
	v15 =	vld.idx.msk [tilespmem:v15+s18+$0x0], $0xffff;
	[tilespmem:s6+$0x40] =	vst v19  }
0x27f: {  	v20 =	vld.idx.msk [tilespmem:v21+s18+$0x0], $0xffff;
	v19 =	vor.u32 v5, v9;
	[tilespmem:s15+$0xFFFFFFA0] =	vst v27  }
0x280: {  	v17 =	vld.idx.msk [tilespmem:v55+s18+$0x0], $0xffff  }
0x281: {  	v18 =	vor.u32 v3, v26;
	[tilespmem:s11+$0xFFFFFF50] =	vst v23  }
0x282: {  	v22 =	vld.idx.msk [tilespmem:v22+s18+$0x0], $0xffff;
	[tilespmem:s9+$0x70] =	vst v14  }
0x283: {  	v16 =	vor.u32 v5, v8;
	v24 =	vld.idx.msk [tilespmem:v24+s18+$0x0], $0xffff;
	[tilespmem:s11+$0xFFFFFFD0] =	vst v15  }
0x284: {  	v14 =	vor.u32 v4, v13;
	[tilespmem:s15+$0xFFFFFED0] =	vst v20;
	v15 =	vld.idx.msk [tilespmem:v19+s18+$0x0], $0xffff  }
0x285: {  	v20 =	vor.u32 v6, v9;
	[tilespmem:s15+$0xFFFFFFB0] =	vst v17  }
0x286: {  	v17 =	vor.u32 v4, v11;
	v18 =	vld.idx.msk [tilespmem:v18+s18+$0x0], $0xffff  }
0x287: {  	v23 =	vor.u32 v4, v26;
	[tilespmem:s15+$0xFFFFFF40] =	vst v22  }
0x288: {  	v21 =	vor.u32 v5, v10;
	v16 =	vld.idx.msk [tilespmem:v16+s18+$0x0], $0xffff;
	[tilespmem:s12+$0x30] =	vst v24  }
0x289: {  	v22 =	vor.u32 v5, v12;
	v14 =	vld.idx.msk [tilespmem:v14+s18+$0x0], $0xffff;
	[tilespmem:s11+$0xFFFFFF60] =	vst v15  }
0x28a: {  	v15 =	vor.u32 v5, v13;
	v20 =	vld.idx.msk [tilespmem:v20+s18+$0x0], $0xffff  }
0x28b: {  	v9 =	vor.u32 v7, v9;
	v17 =	vld.idx.msk [tilespmem:v17+s18+$0x0], $0xffff;
	[tilespmem:s15+$0xFFFFFFC0] =	vst v18  }
0x28c: {  	v18 =	vld.idx.msk [tilespmem:v23+s18+$0x0], $0xffff;
	v23 =	vor.u32 v5, v11  }
0x28d: {  	v19 =	vld.idx.msk [tilespmem:v21+s18+$0x0], $0xffff;
	[tilespmem:s6+$0x50] =	vst v16;
	v16 =	vor.u32 v5, v26  }
0x28e: {  	v21 =	vor.u32 v6, v10;
	v22 =	vld.idx.msk [tilespmem:v22+s18+$0x0], $0xffff;
	[tilespmem:s12+$0x40] =	vst v14  }
0x28f: {  	v24 =	vor.u32 v6, v12;
	v15 =	vld.idx.msk [tilespmem:v15+s18+$0x0], $0xffff;
	[tilespmem:s11+$0xFFFFFF70] =	vst v20  }
0x290: {  	v9 =	vld.idx.msk [tilespmem:v9+s18+$0x0], $0xffff;
	[tilespmem:s15+$0xFFFFFF50] =	vst v17;
	v17 =	vor.u32 v6, v8  }
0x291: {  	v20 =	vor.u32 v6, v13;
	[tilespmem:s15+$0xFFFFFFD0] =	vst v18;
	v18 =	vld.idx.msk [tilespmem:v23+s18+$0x0], $0xffff  }
0x292: {  	[tilespmem:s11+$0xFFFFFFE0] =	vst v19;
	v14 =	vld.idx.msk [tilespmem:v16+s18+$0x0], $0xffff;
	v16 =	vor.u32 v6, v11  }
0x293: {  	[tilespmem:s15+$0xFFFFFEE0] =	vst v22;
	v19 =	vld.idx.msk [tilespmem:v21+s18+$0x0], $0xffff;
	v21 =	vor.u32 v6, v26  }
0x294: {  	v10 =	vor.u32 v7, v10;
	v22 =	vld.idx.msk [tilespmem:v24+s18+$0x0], $0xffff;
	[tilespmem:s12+$0x50] =	vst v15  }
0x295: {  	v12 =	vor.u32 v7, v12;
	[tilespmem:s11+$0xFFFFFF80] =	vst v9;
	v17 =	vld.idx.msk [tilespmem:v17+s18+$0x0], $0xffff  }
0x296: {  	v8 =	vor.u32 v7, v8;
	[tilespmem:s15+$0xFFFFFF60] =	vst v18;
	v18 =	vld.idx.msk [tilespmem:v20+s18+$0x0], $0xffff  }
0x297: {  	v9 =	vor.u32 v7, v13;
	v16 =	vld.idx.msk [tilespmem:v16+s18+$0x0], $0xffff;
	[tilespmem:s15+$0xFFFFFFE0] =	vst v14  }
0x298: {  	[tilespmem:s11+$0xFFFFFFF0] =	vst v19;
	v11 =	vor.u32 v7, v11;
	v14 =	vld.idx.msk [tilespmem:v21+s18+$0x0], $0xffff  }
0x299: {  	[tilespmem:s15+$0xFFFFFEF0] =	vst v22;
	v10 =	vld.idx.msk [tilespmem:v10+s18+$0x0], $0xffff;
	v15 =	vor.u32 v7, v26  }
0x29a: {  	v12 =	vld.idx.msk [tilespmem:v12+s18+$0x0], $0xffff;
	[tilespmem:s6+$0x60] =	vst v17  }
0x29b: {  	v8 =	vld.idx.msk [tilespmem:v8+s18+$0x0], $0xffff;
	[tilespmem:s12+$0x60] =	vst v18  }
0x29c: {  	[tilespmem:s15+$0xFFFFFF70] =	vst v16;
	v9 =	vld.idx.msk [tilespmem:v9+s18+$0x0], $0xffff  }
0x29d: {  	v11 =	vld.idx.msk [tilespmem:v11+s18+$0x0], $0xffff;
	[tilespmem:s15+$0xFFFFFFF0] =	vst v14  }
0x29e: {  	[tilespmem:s11+$0x0] =	vst v10;
	v13 =	vld.idx.msk [tilespmem:v15+s18+$0x0], $0xffff  }
0x29f: {  	[tilespmem:s15+$0xFFFFFF00] =	vst v12  }
0x2a0: {  	s0 =	sshll.u32 s0, $0x12;
	[tilespmem:s6+$0x70] =	vst v8  }
0x2a1: {  	s0 =	sor.u32 s5, s0;
	[tilespmem:s12+$0x70] =	vst v9  }
0x2a2: {  	s24 =	simm.s32 $0x1;
	s0 =	sshrl.u32 s0, $0x3;
	[tilespmem:s15+$0xFFFFFF80] =	vst v11  }
0x2a3: {  	s23 =	simm.s32 $0x11900;
	s0 =	sadd.s32 s4, s0;
	v8 =	vmov s24;
	[tilespmem:s15+$0x0] =	vst v13  }
0x2a4: {  	v8 =	vand.u32 $0x3D, v8;
	[hbm4b:s0+s19] =	stream.strided.scatter [tilespmem:s23], [sflag:$0x2], $0x2000, s20, s19, $0x38;
	[tilespmem:$0x15900] =	vst v63  }
0x2a5: {  	v10 =	vbroadcast v8, $0x0;
	_ =	swait.ge [sflag:s17], $0x2000  }
0x2a6: {  	s2 =	simm.s32 @!p0 $0x5900;
	[sflag:s17] =	ssyncset.done $0x0  }
0x2a7: {  	v8 =	vor.u32 v0, v10;
	s0 =	sadd.s32 @!p0 $0x380, s1;
	s1 =	simm.s32 @!p0 $0x80;
	[sflag:s17] =	ssyncadd.s32 $0xFFFFE000  }
0x2a8: {  	[tilespmem:s2], [sflag:$0x1] =	stream.indirect.gather @!p0 [hbm4b:s3+s1], $0x40, s0, s1, $0xb8;
	[tilespmem:$0x15900] =	vst v63  }
0x2a9: {  	_ =	swait.ge @p1 [sflag:s28], $0x2000  }
0x2aa: {  	[sflag:s28] =	ssyncset.done @p1 $0x0  }
0x2ab: {  	[sflag:s28] =	ssyncadd.s32 @p1 $0xFFFFE000  }
0x2ac: {  	v8 =	vld.idx.msk [tilespmem:v8+s22+$0x0], $0xffff  }
0x2ad: {  	v9 =	vor.u32 v1, v10;
	_ =	sdelay $0x2  }
0x2ae: {  	s1 =	simm.s32 $0x13AF0  }
0x2af: {  	s25 =	simm.s32 $0x2;
	[tilespmem:s1+$0xFFFFFE90] =	vst v8  }
0x2b0: {  	s29 =	simm.s32 $0x0;
	v8 =	vmov s25;
	v9 =	vld.idx.msk [tilespmem:v9+s22+$0x0], $0xffff  }
0x2b1: {  	v11 =	vmov s29;
	v12 =	vor.u32 v2, v10;
	v8 =	vand.u32 $0x3E, v8  }
0x2b2: {  	v15 =	vbroadcast v8, $0x0;
	v8 =	vand.u32 $0x3C, v11  }
0x2b3: {  	v14 =	vbroadcast v8, $0x0  }
0x2b4: {  	v8 =	vor.u32 v0, v15  }
0x2b5: {  	v11 =	vor.u32 v0, v14;
	[tilespmem:s1+$0xFFFFFEA0] =	vst v9  }
0x2b6: {  	v9 =	vld.idx.msk [tilespmem:v12+s22+$0x0], $0xffff  }
0x2b7: {  	v12 =	vor.u32 v3, v10;
	_ =	sdelay $0x1  }
0x2b8: {  	s6 =	simm.s32 $0x3;
	v8 =	vld.idx.msk [tilespmem:v8+s22+$0x0], $0xffff  }
0x2b9: {  	s9 =	simm.s32 $0x5;
	v16 =	vmov s6;
	v13 =	vor.u32 v1, v15;
	v11 =	vld.idx.msk [tilespmem:v11+s22+$0x0], $0xffff  }
0x2ba: {  	v16 =	vand.u32 $0x3F, v16;
	v18 =	vor.u32 v1, v14;
	[tilespmem:s1+$0xFFFFFEB0] =	vst v9;
	v9 =	vmov s9  }
0x2bb: {  	v16 =	vbroadcast v16, $0x0;
	v12 =	vld.idx.msk [tilespmem:v12+s22+$0x0], $0xffff;
	v9 =	vand.u32 $0x3D, v9  }
0x2bc: {  	s11 =	simm.s32 $0x6;
	v19 =	vor.u32 v4, v10;
	v17 =	vbroadcast v9, $0x0  }
0x2bd: {  	v20 =	vor.u32 v0, v16;
	s2 =	sand.u32 $0x7FFFFE00, s29;
	[tilespmem:s1+$0xFFFFFF10] =	vst v8;
	v8 =	vmov s11  }
0x2be: {  	v13 =	vld.idx.msk [tilespmem:v13+s22+$0x0], $0xffff;
	[tilespmem:s2+$0x13900] =	vst v11;
	v8 =	vand.u32 $0x3E, v8;
	v11 =	vor.u32 v0, v17  }
0x2bf: {  	v21 =	vor.u32 v2, v15;
	v18 =	vld.idx.msk [tilespmem:v18+s22+$0x0], $0xffff;
	v9 =	vbroadcast v8, $0x0  }
0x2c0: {  	s12 =	simm.s32 $0x4;
	v22 =	vor.u32 v2, v14;
	[tilespmem:s1+$0xFFFFFEC0] =	vst v12  }
0x2c1: {  	v8 =	vmov s12;
	v12 =	vor.u32 v0, v9;
	v19 =	vld.idx.msk [tilespmem:v19+s22+$0x0], $0xffff  }
0x2c2: {  	v23 =	vor.u32 v5, v10;
	v20 =	vld.idx.msk [tilespmem:v20+s22+$0x0], $0xffff;
	v8 =	vand.u32 $0x3C, v8  }
0x2c3: {  	s6 =	sadd.s32 $0x13900, s2;
	v8 =	vbroadcast v8, $0x0;
	[tilespmem:s1+$0xFFFFFF20] =	vst v13;
	v13 =	vor.u32 v1, v16;
	v11 =	vld.idx.msk [tilespmem:v11+s22+$0x0], $0xffff  }
0x2c4: {  	v21 =	vld.idx.msk [tilespmem:v21+s22+$0x0], $0xffff;
	[tilespmem:s6+$0x10] =	vst v18;
	v18 =	vor.u32 v1, v17  }
0x2c5: {  	v24 =	vor.u32 v0, v8;
	v22 =	vld.idx.msk [tilespmem:v22+s22+$0x0], $0xffff  }
0x2c6: {  	v25 =	vor.u32 v3, v15;
	v12 =	vld.idx.msk [tilespmem:v12+s22+$0x0], $0xffff;
	[tilespmem:s1+$0xFFFFFED0] =	vst v19  }
0x2c7: {  	s0 =	simm.s32 $0x13CF0;
	[tilespmem:s1+$0xFFFFFF90] =	vst v20;
	v19 =	vor.u32 v1, v9;
	v23 =	vld.idx.msk [tilespmem:v23+s22+$0x0], $0xffff  }
0x2c8: {  	v13 =	vld.idx.msk [tilespmem:v13+s22+$0x0], $0xffff;
	[tilespmem:s0+$0xFFFFFE90] =	vst v11;
	v11 =	vor.u32 v6, v10  }
0x2c9: {  	v20 =	vor.u32 v2, v16;
	v18 =	vld.idx.msk [tilespmem:v18+s22+$0x0], $0xffff  }
0x2ca: {  	[tilespmem:s1+$0xFFFFFF30] =	vst v21;
	v21 =	vld.idx.msk [tilespmem:v24+s22+$0x0], $0xffff;
	v24 =	vor.u32 v2, v17  }
0x2cb: {  	v26 =	vor.u32 v1, v8;
	v25 =	vld.idx.msk [tilespmem:v25+s22+$0x0], $0xffff;
	[tilespmem:s0+$0xFFFFFF10] =	vst v12  }
0x2cc: {  	v12 =	vor.u32 v3, v14;
	v19 =	vld.idx.msk [tilespmem:v19+s22+$0x0], $0xffff;
	[tilespmem:s1+$0xFFFFFEE0] =	vst v23  }
0x2cd: {  	s15 =	simm.s32 $0x200;
	v23 =	vor.u32 v2, v9;
	[tilespmem:s1+$0xFFFFFFA0] =	vst v13;
	v11 =	vld.idx.msk [tilespmem:v11+s22+$0x0], $0xffff  }
0x2ce: {  	s2 =	sand.u32 $0x7FFFFE00, s15;
	v10 =	vor.u32 v7, v10;
	v13 =	vld.idx.msk [tilespmem:v20+s22+$0x0], $0xffff;
	[tilespmem:s0+$0xFFFFFEA0] =	vst v18  }
0x2cf: {  	[tilespmem:s2+$0x13900] =	vst v21;
	v20 =	vor.u32 v3, v16;
	v18 =	vld.idx.msk [tilespmem:v24+s22+$0x0], $0xffff  }
0x2d0: {  	[tilespmem:s6+$0x20] =	vst v22;
	v22 =	vor.u32 v3, v17;
	v21 =	vld.idx.msk [tilespmem:v26+s22+$0x0], $0xffff  }
0x2d1: {  	v12 =	vld.idx.msk [tilespmem:v12+s22+$0x0], $0xffff;
	[tilespmem:s0+$0xFFFFFF20] =	vst v19;
	v19 =	vor.u32 v2, v8  }
0x2d2: {  	v23 =	vld.idx.msk [tilespmem:v23+s22+$0x0], $0xffff;
	[tilespmem:s1+$0xFFFFFEF0] =	vst v11;
	v11 =	vor.u32 v4, v14  }
0x2d3: {  	s21 =	simm.s32 $0x7;
	v26 =	vor.u32 v4, v15;
	[tilespmem:s1+$0xFFFFFFB0] =	vst v13;
	v24 =	vld.idx.msk [tilespmem:v10+s22+$0x0], $0xffff  }
0x2d4: {  	s2 =	sadd.s32 $0x13900, s2;
	v13 =	vor.u32 v3, v9;
	v10 =	vmov s21;
	[tilespmem:s0+$0xFFFFFEB0] =	vst v18;
	v18 =	vld.idx.msk [tilespmem:v20+s22+$0x0], $0xffff  }
0x2d5: {  	s23 =	simm.s32 $0x9;
	[tilespmem:s2+$0x10] =	vst v21;
	v20 =	vor.u32 v4, v16;
	v10 =	vand.u32 $0x3F, v10;
	v21 =	vld.idx.msk [tilespmem:v22+s22+$0x0], $0xffff  }
0x2d6: {  	s24 =	simm.s32 $0xA;
	v27 =	vor.u32 v4, v17;
	[tilespmem:s6+$0x30] =	vst v12;
	v12 =	vmov s23;
	v19 =	vld.idx.msk [tilespmem:v19+s22+$0x0], $0xffff;
	v10 =	vbroadcast v10, $0x0  }
0x2d7: {  	v56 =	vmov s24;
	[tilespmem:s1+$0xFFFFFF40] =	vst v25;
	v22 =	vor.u32 v3, v8;
	v25 =	vld.idx.msk [tilespmem:v11+s22+$0x0], $0xffff;
	v11 =	vand.u32 $0x3D, v12  }
0x2d8: {  	[tilespmem:s0+$0xFFFFFF30] =	vst v23;
	v23 =	vld.idx.msk [tilespmem:v26+s22+$0x0], $0xffff;
	v29 =	vor.u32 v0, v10;
	v12 =	vbroadcast v11, $0x0;
	v11 =	vand.u32 $0x3E, v56  }
0x2d9: {  	v26 =	vor.u32 v5, v14;
	v57 =	vld.idx.msk [tilespmem:v13+s22+$0x0], $0xffff;
	v11 =	vbroadcast v11, $0x0;
	[tilespmem:s1+$0xFFFFFFC0] =	vst v18  }
0x2da: {  	s25 =	simm.s32 $0x8;
	v18 =	vor.u32 v0, v12;
	[tilespmem:s0+$0xFFFFFEC0] =	vst v21;
	v20 =	vld.idx.msk [tilespmem:v20+s22+$0x0], $0xffff  }
0x2db: {  	v13 =	vmov s25;
	[tilespmem:s2+$0x20] =	vst v19;
	v21 =	vor.u32 v0, v11;
	v19 =	vld.idx.msk [tilespmem:v27+s22+$0x0], $0xffff  }
0x2dc: {  	v13 =	vand.u32 $0x3C, v13;
	[tilespmem:s1+$0xFFFFFF00] =	vst v24;
	v24 =	vor.u32 v5, v16;
	v22 =	vld.idx.msk [tilespmem:v22+s22+$0x0], $0xffff  }
0x2dd: {  	v13 =	vbroadcast v13, $0x0;
	[tilespmem:s6+$0x40] =	vst v25;
	v25 =	vor.u32 v5, v15;
	v27 =	vld.idx.msk [tilespmem:v29+s22+$0x0], $0xffff  }
0x2de: {  	[tilespmem:s1+$0xFFFFFF50] =	vst v23;
	v23 =	vor.u32 v5, v17;
	v26 =	vld.idx.msk [tilespmem:v26+s22+$0x0], $0xffff  }
0x2df: {  	v58 =	vor.u32 v0, v13;
	v18 =	vld.idx.msk [tilespmem:v18+s22+$0x0], $0xffff;
	[tilespmem:s1+$0xFFFFFFD0] =	vst v20  }
0x2e0: {  	v59 =	vor.u32 v1, v10;
	v21 =	vld.idx.msk [tilespmem:v21+s22+$0x0], $0xffff;
	[tilespmem:s0+$0xFFFFFED0] =	vst v19  }
0x2e1: {  	v20 =	vor.u32 v1, v12;
	[tilespmem:s2+$0x30] =	vst v22;
	v22 =	vld.idx.msk [tilespmem:v24+s22+$0x0], $0xffff  }
0x2e2: {  	v19 =	vld.idx.msk [tilespmem:v25+s22+$0x0], $0xffff;
	v25 =	vor.u32 v1, v11;
	[tilespmem:s0+$0xFFFFFF90] =	vst v27  }
0x2e3: {  	s9 =	simm.s32 $0x13EF0;
	v23 =	vld.idx.msk [tilespmem:v23+s22+$0x0], $0xffff;
	v27 =	vor.u32 v6, v16;
	[tilespmem:s6+$0x50] =	vst v26  }
0x2e4: {  	v24 =	vor.u32 v6, v15;
	v26 =	vld.idx.msk [tilespmem:v58+s22+$0x0], $0xffff;
	[tilespmem:s9+$0xFFFFFE90] =	vst v18  }
0x2e5: {  	v61 =	vor.u32 v1, v13;
	v60 =	vld.idx.msk [tilespmem:v59+s22+$0x0], $0xffff;
	[tilespmem:s9+$0xFFFFFF10] =	vst v21  }
0x2e6: {  	v18 =	vor.u32 v6, v17;
	v20 =	vld.idx.msk [tilespmem:v20+s22+$0x0], $0xffff;
	[tilespmem:s1+$0xFFFFFFE0] =	vst v22  }
0x2e7: {  	s12 =	simm.s32 $0x400;
	v21 =	vld.idx.msk [tilespmem:v25+s22+$0x0], $0xffff;
	v25 =	vor.u32 v2, v10;
	[tilespmem:s1+$0xFFFFFF60] =	vst v19  }
0x2e8: {  	s29 =	sand.u32 $0x7FFFFE00, s12;
	v19 =	vor.u32 v2, v12;
	[tilespmem:s0+$0xFFFFFEE0] =	vst v23;
	v23 =	vld.idx.msk [tilespmem:v27+s22+$0x0], $0xffff  }
0x2e9: {  	v22 =	vor.u32 v2, v11;
	v24 =	vld.idx.msk [tilespmem:v24+s22+$0x0], $0xffff;
	[tilespmem:s29+$0x13900] =	vst v26  }
0x2ea: {  	[tilespmem:s0+$0xFFFFFF40] =	vst v57;
	v16 =	vor.u32 v7, v16;
	v26 =	vld.idx.msk [tilespmem:v61+s22+$0x0], $0xffff  }
0x2eb: {  	v15 =	vor.u32 v7, v15;
	[tilespmem:s0+$0xFFFFFFA0] =	vst v60;
	v18 =	vld.idx.msk [tilespmem:v18+s22+$0x0], $0xffff  }
0x2ec: {  	v17 =	vor.u32 v7, v17;
	[tilespmem:s9+$0xFFFFFEA0] =	vst v20;
	v25 =	vld.idx.msk [tilespmem:v25+s22+$0x0], $0xffff  }
0x2ed: {  	v27 =	vor.u32 v6, v14;
	v62 =	vld.idx.msk [tilespmem:v19+s22+$0x0], $0xffff;
	[tilespmem:s9+$0xFFFFFF20] =	vst v21  }
0x2ee: {  	[tilespmem:s1+$0xFFFFFFF0] =	vst v23;
	v63 =	vld.idx.msk [tilespmem:v22+s22+$0x0], $0xffff;
	v22 =	vor.u32 v3, v10  }
0x2ef: {  	v30 =	vor.u32 v3, v12;
	[tilespmem:s1+$0xFFFFFF70] =	vst v24;
	v21 =	vld.idx.msk [tilespmem:v16+s22+$0x0], $0xffff  }
0x2f0: {  	v20 =	vld.idx.msk [tilespmem:v15+s22+$0x0], $0xffff;
	[tilespmem:s0+$0xFFFFFEF0] =	vst v18  }
0x2f1: {  	s11 =	sadd.s32 $0x13900, s29;
	v19 =	vld.idx.msk [tilespmem:v17+s22+$0x0], $0xffff;
	[tilespmem:s0+$0xFFFFFFB0] =	vst v25;
	v25 =	vor.u32 v2, v13  }
0x2f2: {  	v24 =	vor.u32 v4, v8;
	[tilespmem:s11+$0x10] =	vst v26;
	v17 =	vld.idx.msk [tilespmem:v27+s22+$0x0], $0xffff  }
0x2f3: {  	v14 =	vor.u32 v7, v14;
	v23 =	vor.u32 v4, v9;
	[tilespmem:s9+$0xFFFFFEB0] =	vst v62;
	v18 =	vld.idx.msk [tilespmem:v22+s22+$0x0], $0xffff  }
0x2f4: {  	s15 =	simm.s32 $0xC;
	s21 =	simm.s32 $0xB;
	v15 =	vor.u32 v4, v10;
	v22 =	vor.u32 v3, v11;
	v16 =	vld.idx.msk [tilespmem:v30+s22+$0x0], $0xffff;
	[tilespmem:s9+$0xFFFFFF30] =	vst v63  }
.LBB2_11:
0x2f5: {  	s23 =	sadd.s32 $0x1, s15  }
0x2f6: {  	p0 =	slt.u32 s15, $0x3C;
	v25 =	vld.idx.msk [tilespmem:v25+s22+$0x0], $0xffff;
	v26 =	vor.u32 v3, v13;
	v27 =	vmov s21;
	[tilespmem:s1+$0xFFFFFF80] =	vst v20;
	s21 =	smov.u32 s15;
	s15 =	sadd.s32 $0x4, s15  }
0x2f7: {  	v28 =	vor.u32 v4, v12;
	v20 =	vmov s23;
	s23 =	sadd.s32 $0x2, s21;
	v27 =	vand.u32 $0x3F, v27;
	v24 =	vld.idx.msk [tilespmem:v24+s22+$0x0], $0xffff;
	[tilespmem:s1+$0x0] =	vst v21;
	s1 =	smov.u32 s0;
	s0 =	smov.u32 s9  }
0x2f8: {  	v20 =	vand.u32 $0x3D, v20;
	v21 =	vmov s23;
	v27 =	vbroadcast v27, $0x0;
	[tilespmem:s1+$0xFFFFFF00] =	vst v19;
	v19 =	vld.idx.msk [tilespmem:v23+s22+$0x0], $0xffff  }
0x2f9: {  	v23 =	vor.u32 v5, v8;
	v20 =	vbroadcast v20, $0x0;
	v21 =	vand.u32 $0x3E, v21;
	v22 =	vld.idx.msk [tilespmem:v22+s22+$0x0], $0xffff;
	[tilespmem:s6+$0x60] =	vst v17  }
0x2fa: {  	v17 =	vbroadcast v21, $0x0;
	v21 =	vor.u32 v0, v27;
	v29 =	vor.u32 v4, v27;
	[tilespmem:s1+$0xFFFFFFC0] =	vst v18;
	v14 =	vld.idx.msk [tilespmem:v14+s22+$0x0], $0xffff  }
0x2fb: {  	v18 =	vor.u32 v0, v20;
	[tilespmem:s9+$0xFFFFFEC0] =	vst v16;
	v16 =	vld.idx.msk [tilespmem:v15+s22+$0x0], $0xffff;
	v15 =	vmov v29  }
0x2fc: {  	v29 =	vmov s21;
	v30 =	vor.u32 v0, v17;
	[tilespmem:s11+$0x20] =	vst v25;
	v25 =	vld.idx.msk [tilespmem:v28+s22+$0x0], $0xffff  }
0x2fd: {  	v28 =	vand.u32 $0x3C, v29;
	v29 =	vor.u32 v5, v10;
	v26 =	vld.idx.msk [tilespmem:v26+s22+$0x0], $0xffff;
	[tilespmem:s2+$0x40] =	vst v24;
	v24 =	vor.u32 v5, v9  }
0x2fe: {  	v28 =	vbroadcast v28, $0x0;
	v23 =	vld.idx.msk [tilespmem:v23+s22+$0x0], $0xffff;
	[tilespmem:s1+$0xFFFFFF50] =	vst v19  }
0x2ff: {  	v19 =	vor.u32 v5, v12;
	[tilespmem:s9+$0xFFFFFF40] =	vst v22;
	v21 =	vld.idx.msk [tilespmem:v21+s22+$0x0], $0xffff  }
0x300: {  	v22 =	vor.u32 v0, v28;
	v18 =	vld.idx.msk [tilespmem:v18+s22+$0x0], $0xffff;
	[tilespmem:s6+$0x70] =	vst v14;
	s6 =	smov.u32 s2;
	s2 =	smov.u32 s11  }
0x301: {  	v14 =	vld.idx.msk [tilespmem:v30+s22+$0x0], $0xffff;
	v30 =	vor.u32 v1, v27;
	[tilespmem:s1+$0xFFFFFFD0] =	vst v16  }
0x302: {  	v16 =	vor.u32 v1, v20;
	[tilespmem:s9+$0xFFFFFED0] =	vst v25;
	v24 =	vld.idx.msk [tilespmem:v24+s22+$0x0], $0xffff  }
0x303: {  	v25 =	vor.u32 v1, v17;
	[tilespmem:s2+$0x30] =	vst v26;
	v26 =	vld.idx.msk [tilespmem:v29+s22+$0x0], $0xffff  }
0x304: {  	v19 =	vld.idx.msk [tilespmem:v19+s22+$0x0], $0xffff;
	[tilespmem:s6+$0x50] =	vst v23;
	v23 =	vor.u32 v6, v9  }
0x305: {  	s9 =	sadd.s32 $0x200, s9;
	v22 =	vld.idx.msk [tilespmem:v22+s22+$0x0], $0xffff;
	[tilespmem:s0+$0xFFFFFF90] =	vst v21;
	v21 =	vor.u32 v6, v10  }
0x306: {  	[tilespmem:s9+$0xFFFFFE90] =	vst v18;
	v18 =	vor.u32 v6, v12;
	v29 =	vld.idx.msk [tilespmem:v30+s22+$0x0], $0xffff  }
0x307: {  	v30 =	vor.u32 v1, v28;
	v16 =	vld.idx.msk [tilespmem:v16+s22+$0x0], $0xffff;
	[tilespmem:s9+$0xFFFFFF10] =	vst v14  }
0x308: {  	v31 =	vor.u32 v2, v27;
	v25 =	vld.idx.msk [tilespmem:v25+s22+$0x0], $0xffff;
	[tilespmem:s1+$0xFFFFFF60] =	vst v24  }
0x309: {  	s12 =	sadd.s32 $0x200, s12;
	v24 =	vor.u32 v2, v20;
	v23 =	vld.idx.msk [tilespmem:v23+s22+$0x0], $0xffff;
	[tilespmem:s1+$0xFFFFFFE0] =	vst v26  }
0x30a: {  	s11 =	sand.u32 $0x7FFFFE00, s12;
	v26 =	vor.u32 v2, v17;
	[tilespmem:s0+$0xFFFFFEE0] =	vst v19;
	v19 =	vld.idx.msk [tilespmem:v21+s22+$0x0], $0xffff  }
0x30b: {  	v14 =	vor.u32 v7, v8;
	v21 =	vor.u32 v7, v9;
	v9 =	vmov v11;
	[tilespmem:s11+$0x13900] =	vst v22;
	v18 =	vld.idx.msk [tilespmem:v18+s22+$0x0], $0xffff  }
0x30c: {  	v11 =	vmov v17;
	v22 =	vld.idx.msk [tilespmem:v30+s22+$0x0], $0xffff;
	[tilespmem:s0+$0xFFFFFFA0] =	vst v29;
	v29 =	vor.u32 v7, v10;
	v10 =	vmov v27  }
0x30d: {  	v27 =	vor.u32 v6, v8;
	[tilespmem:s9+$0xFFFFFEA0] =	vst v16;
	v16 =	vor.u32 v7, v12;
	v17 =	vld.idx.msk [tilespmem:v31+s22+$0x0], $0xffff;
	v12 =	vmov v20  }
0x30e: {  	v8 =	vmov v13;
	v13 =	vmov v28;
	v30 =	vld.idx.msk [tilespmem:v24+s22+$0x0], $0xffff;
	[tilespmem:s9+$0xFFFFFF20] =	vst v25  }
0x30f: {  	v28 =	vor.u32 v3, v10;
	v26 =	vld.idx.msk [tilespmem:v26+s22+$0x0], $0xffff;
	[tilespmem:s1+$0xFFFFFF70] =	vst v23  }
0x310: {  	v31 =	vor.u32 v3, v12;
	v20 =	vld.idx.msk [tilespmem:v21+s22+$0x0], $0xffff;
	[tilespmem:s1+$0xFFFFFFF0] =	vst v19  }
.Ltmp4:
0x311: {  	s11 =	sadd.s32 $0x13900, s11;
	v25 =	vor.u32 v2, v13;
	[tilespmem:s0+$0xFFFFFEF0] =	vst v18;
	v21 =	vld.idx.msk [tilespmem:v29+s22+$0x0], $0xffff;
	(pc) =	sbr.rel @p0 .LBB2_11-.Ltmp4, $4  }
0x312: {  	v24 =	vor.u32 v4, v8;
	[tilespmem:s11+$0x10] =	vst v22;
	v19 =	vld.idx.msk [tilespmem:v16+s22+$0x0], $0xffff  }
0x313: {  	v23 =	vor.u32 v4, v9;
	[tilespmem:s0+$0xFFFFFFB0] =	vst v17;
	v17 =	vld.idx.msk [tilespmem:v27+s22+$0x0], $0xffff  }
0x314: {  	v22 =	vor.u32 v3, v11;
	[tilespmem:s9+$0xFFFFFEB0] =	vst v30;
	v18 =	vld.idx.msk [tilespmem:v28+s22+$0x0], $0xffff  }
0x315: {  	s21 =	sadd.s32 $0x3, s21;
	v16 =	vld.idx.msk [tilespmem:v31+s22+$0x0], $0xffff;
	[tilespmem:s9+$0xFFFFFF30] =	vst v26  }
0x316: {  	v26 =	vmov s21  }
0x317: {  	v26 =	vand.u32 $0x3F, v26  }
0x318: {  	v26 =	vbroadcast v26, $0x0;
	_ =	sdelay $0x1  }
0x319: {  	v27 =	vor.u32 v0, v26;
	_ =	sdelay $0x4  }
0x31a: {  	v27 =	vld.idx.msk [tilespmem:v27+s22+$0x0], $0xffff  }
0x31b: {  	v28 =	vor.u32 v1, v26;
	_ =	sdelay $0x3  }
0x31c: {  	[tilespmem:s9+$0xFFFFFF90] =	vst v27  }
0x31d: {  	v27 =	vld.idx.msk [tilespmem:v28+s22+$0x0], $0xffff  }
0x31e: {  	[tilespmem:s1+$0xFFFFFF80] =	vst v20;
	v62 =	vor.u32 v2, v26  }
0x31f: {  	[tilespmem:s1+$0x0] =	vst v21  }
0x320: {  	v63 =	vld.idx.msk [tilespmem:v25+s22+$0x0], $0xffff;
	[tilespmem:s0+$0xFFFFFF00] =	vst v19  }
0x321: {  	v29 =	vld.idx.msk [tilespmem:v24+s22+$0x0], $0xffff;
	[tilespmem:s6+$0x60] =	vst v17  }
0x322: {  	v30 =	vor.u32 v4, v12;
	v23 =	vld.idx.msk [tilespmem:v23+s22+$0x0], $0xffff;
	[tilespmem:s9+$0xFFFFFFA0] =	vst v27  }
0x323: {  	v33 =	vor.u32 v3, v13;
	[tilespmem:s0+$0xFFFFFFC0] =	vst v18;
	v31 =	vld.idx.msk [tilespmem:v62+s22+$0x0], $0xffff  }
0x324: {  	v22 =	vld.idx.msk [tilespmem:v22+s22+$0x0], $0xffff;
	v32 =	vor.u32 v3, v26;
	[tilespmem:s9+$0xFFFFFEC0] =	vst v16  }
0x325: {  	v34 =	vor.u32 v5, v8;
	v14 =	vld.idx.msk [tilespmem:v14+s22+$0x0], $0xffff;
	[tilespmem:s11+$0x20] =	vst v63  }
0x326: {  	v35 =	vor.u32 v5, v9;
	v15 =	vld.idx.msk [tilespmem:v15+s22+$0x0], $0xffff;
	[tilespmem:s2+$0x40] =	vst v29  }
0x327: {  	v38 =	vor.u32 v4, v11;
	v36 =	vld.idx.msk [tilespmem:v30+s22+$0x0], $0xffff;
	[tilespmem:s0+$0xFFFFFF50] =	vst v23  }
0x328: {  	v37 =	vor.u32 v5, v10;
	v24 =	vld.idx.msk [tilespmem:v33+s22+$0x0], $0xffff;
	[tilespmem:s9+$0xFFFFFFB0] =	vst v31  }
0x329: {  	v40 =	vor.u32 v4, v13;
	[tilespmem:s9+$0xFFFFFF40] =	vst v22;
	v18 =	vld.idx.msk [tilespmem:v32+s22+$0x0], $0xffff  }
0x32a: {  	v39 =	vor.u32 v4, v26;
	v16 =	vld.idx.msk [tilespmem:v34+s22+$0x0], $0xffff;
	[tilespmem:s6+$0x70] =	vst v14  }
0x32b: {  	v41 =	vor.u32 v5, v12;
	v42 =	vld.idx.msk [tilespmem:v35+s22+$0x0], $0xffff;
	[tilespmem:s0+$0xFFFFFFD0] =	vst v15  }
0x32c: {  	v44 =	vor.u32 v6, v9;
	v17 =	vld.idx.msk [tilespmem:v38+s22+$0x0], $0xffff;
	[tilespmem:s9+$0xFFFFFED0] =	vst v36  }
0x32d: {  	v46 =	vor.u32 v5, v11;
	v43 =	vld.idx.msk [tilespmem:v37+s22+$0x0], $0xffff;
	[tilespmem:s11+$0x30] =	vst v24  }
0x32e: {  	v51 =	vor.u32 v6, v8;
	v14 =	vld.idx.msk [tilespmem:v40+s22+$0x0], $0xffff;
	[tilespmem:s9+$0xFFFFFFC0] =	vst v18  }
0x32f: {  	v48 =	vor.u32 v5, v13;
	[tilespmem:s2+$0x50] =	vst v16;
	v18 =	vld.idx.msk [tilespmem:v39+s22+$0x0], $0xffff  }
0x330: {  	v47 =	vor.u32 v5, v26;
	v22 =	vld.idx.msk [tilespmem:v41+s22+$0x0], $0xffff;
	[tilespmem:s0+$0xFFFFFF60] =	vst v42  }
0x331: {  	v45 =	vor.u32 v6, v10;
	[tilespmem:s9+$0xFFFFFF50] =	vst v17;
	v20 =	vld.idx.msk [tilespmem:v44+s22+$0x0], $0xffff  }
0x332: {  	v49 =	vor.u32 v6, v12;
	v52 =	vld.idx.msk [tilespmem:v46+s22+$0x0], $0xffff;
	[tilespmem:s0+$0xFFFFFFE0] =	vst v43  }
0x333: {  	v50 =	vor.u32 v7, v9;
	v17 =	vld.idx.msk [tilespmem:v51+s22+$0x0], $0xffff;
	[tilespmem:s11+$0x40] =	vst v14  }
0x334: {  	v54 =	vor.u32 v6, v11;
	v15 =	vld.idx.msk [tilespmem:v48+s22+$0x0], $0xffff;
	[tilespmem:s9+$0xFFFFFFD0] =	vst v18  }
0x335: {  	v56 =	vor.u32 v6, v13;
	[tilespmem:s9+$0xFFFFFEE0] =	vst v22;
	v53 =	vld.idx.msk [tilespmem:v47+s22+$0x0], $0xffff  }
0x336: {  	v55 =	vor.u32 v6, v26;
	v19 =	vld.idx.msk [tilespmem:v45+s22+$0x0], $0xffff;
	[tilespmem:s0+$0xFFFFFF70] =	vst v20  }
0x337: {  	v8 =	vor.u32 v7, v8;
	v22 =	vld.idx.msk [tilespmem:v49+s22+$0x0], $0xffff;
	[tilespmem:s9+$0xFFFFFF60] =	vst v52  }
0x338: {  	v57 =	vor.u32 v7, v10;
	[tilespmem:s2+$0x60] =	vst v17;
	v9 =	vld.idx.msk [tilespmem:v50+s22+$0x0], $0xffff  }
0x339: {  	v58 =	vor.u32 v7, v12;
	v16 =	vld.idx.msk [tilespmem:v54+s22+$0x0], $0xffff;
	[tilespmem:s11+$0x50] =	vst v15  }
0x33a: {  	v59 =	vor.u32 v7, v11;
	v61 =	vld.idx.msk [tilespmem:v56+s22+$0x0], $0xffff;
	[tilespmem:s9+$0xFFFFFFE0] =	vst v53  }
0x33b: {  	[tilespmem:s0+$0xFFFFFFF0] =	vst v19;
	v62 =	vor.u32 v7, v13;
	v14 =	vld.idx.msk [tilespmem:v55+s22+$0x0], $0xffff  }
0x33c: {  	v60 =	vor.u32 v7, v26;
	v8 =	vld.idx.msk [tilespmem:v8+s22+$0x0], $0xffff;
	[tilespmem:s9+$0xFFFFFEF0] =	vst v22  }
0x33d: {  	v10 =	vld.idx.msk [tilespmem:v57+s22+$0x0], $0xffff;
	[tilespmem:s0+$0xFFFFFF80] =	vst v9  }
0x33e: {  	v12 =	vld.idx.msk [tilespmem:v58+s22+$0x0], $0xffff;
	[tilespmem:s9+$0xFFFFFF70] =	vst v16  }
0x33f: {  	v11 =	vld.idx.msk [tilespmem:v59+s22+$0x0], $0xffff;
	[tilespmem:s11+$0x60] =	vst v61  }
0x340: {  	v9 =	vld.idx.msk [tilespmem:v62+s22+$0x0], $0xffff;
	[tilespmem:s9+$0xFFFFFFF0] =	vst v14  }
0x341: {  	s30 =	sadd.s32 $0x1, s30;
	[tilespmem:s2+$0x70] =	vst v8;
	v63 =	vld.idx.msk [tilespmem:v60+s22+$0x0], $0xffff  }
0x342: {  	p0 =	sne.s32 s30, $0xA;
	[tilespmem:s0+$0x0] =	vst v10  }
.Ltmp5:
0x343: {  	s31 =	sshll.u32 s31, $0x12;
	[tilespmem:s9+$0xFFFFFF00] =	vst v12;
	(pc) =	sbr.rel @p0 .LBB2_2-.Ltmp5, $4  }
0x344: {  	s0 =	sor.u32 s5, s31;
	[tilespmem:s9+$0xFFFFFF80] =	vst v11  }
0x345: {  	s0 =	sshrl.u32 s0, $0x3;
	[tilespmem:s11+$0x70] =	vst v9  }
0x346: {  	s0 =	sadd.s32 s4, s0;
	[tilespmem:s9+$0x0] =	vst v63  }
0x347: {  	[hbm4b:s0+s19] =	stream.strided.scatter [tilespmem:s26], [sflag:$0x2], $0x2000, s20, s19, $0x38;
	[tilespmem:$0x15900] =	vst v63  }
0x348: {  	_ =	swait.ge [sflag:s28], $0x2000  }
0x349: {  	[sflag:s28] =	ssyncset.done $0x0  }
0x34a: {  	[sflag:s28] =	ssyncadd.s32 $0xFFFFE000  }
0x34b: {  	_ =	swait.ge [sflag:s28], $0x2000  }
0x34c: {  	[sflag:s28] =	ssyncset.done $0x0  }
0x34d: {  	[sflag:s28] =	ssyncadd.s32 $0xFFFFE000  }
0x34e: {  	_ =	swait.ge [sflag:s28], $0x2000  }
0x34f: {  	[sflag:s28] =	ssyncset.done $0x0  }
0x350: {  	[sflag:s28] =	ssyncadd.s32 $0xFFFFE000  }
0x351: {  	_ =	swait.ge [sflag:s28], $0x2000  }
0x352: {  	[sflag:s28] =	ssyncset.done $0x0  }
0x353: {  	[sflag:s28] =	ssyncadd.s32 $0xFFFFE000  }
0x354: {  	_ =	swait.ge [sflag:s28], $0x2000  }
0x355: {  	s1 =	rddreg [dreg:$0x5]  }
0x356: {  	s0 =	rddreg [dreg:$0x4];
	s1 =	sadd.s32 $0x1, s1  }
0x357: {  	p0 =	sne.s32 s1, s0  }
.Ltmp6:
0x358: {  	_ = 	snop;
	(pc) =	sbr.rel @p0 .LBB2_1-.Ltmp6, $3  }
0x359: {  	_ =	sdelay $0x1  }
0x35a: {  	[sflag:s28] =	ssyncset.done $0x0  }
0x35b: {  	[sflag:s28] =	ssyncadd.s32 $0xFFFFE000  }
0x35c: {  	_ =	sfence.sel $0x180000  }
0x35d: {  	[bflag:$0x0] =	sbarrier.arrive $0xFFFF  }
0x35e: {  	_ =	strace $0x90000047  }
0x35f: {  	s0 =	stileid.u32;
	[bflag:$0x2] =	sbarrier.arrive $0xFFFF  }
0x360: {  	p0 =	sne.s32 s0, $0x0;
	s0 =	rddreg [dreg:$0x2]  }
0x361: {  	s0 =	sadd.s32 @!p0 $0x100000, s0  }
0x362: {  	[sflag:s0] =	ssyncadd.tile.s32 @!p0 $0x1;
	_ =	shalt  }
.Lfunc_end2:
_tile_overlayer_lowered:
.L_overlay_start_2:
0x363: {  	(tag) =	ssettag $0x2  }
0x364: {  	s0 =	rddreg [dreg:$0x0];
	s2 =	stileid.u32  }
0x365: {  	s1 =	rddreg [dreg:$0x1];
	p0 =	sne.s32 s2, $0x0  }
0x366: {  	s3 =	rddreg [dreg:$0x2];
	[bflag:$0x3] =	sbarrier.arrive $0xFFFF;
	s2 =	simm.s32 @!p0 $0x1C03  }
0x367: {  	[timem:s3], [sflag:s2] =	dma.local @!p0 [hbm:s0], s1  }
0x368: {  	s0 =	simm.s32 @!p0 $0x3  }
0x369: {  	_ =	swait.ge @!p0 [sflag:s0], s1  }
0x36a: {  	s1 =	ssub.s32 @!p0 $0x0, s1;
	[sflag:s0] =	ssyncset.done @!p0 $0x0  }
0x36b: {  	[sflag:s0] =	ssyncadd.s32 @!p0 s1  }
0x36c: {  	[bflag:$0x3] =	sbarrier.arrive $0xFFFF  }
0x36d: {  	_ =	shalt  }

</sc_bundles>
